<compile_context>
chip_gen: v7x
topology: tpu7x:2x2x1
jax: 0.10.2.dev20260603
libtpu: 0.0.44.dev20260713+nightly
codegen_flags: <defaults>
</compile_context>

<pallas_src>
import functools

import jax
import jax.numpy as jnp
from jax import lax
from jax.experimental import pallas as pl
from jax.experimental.pallas import tpu as pltpu
from jax.experimental.pallas import tpu_sc as plsc

N = 10000
E = 320000
D = 128
NC = 2
NS = 16
NW = NC * NS
EPW = E // NW
CHUNK = 80
ITERS = EPW // CHUNK
RPS = 624
TAIL = N - NS * RPS
TAIL_BASE = NS * RPS

_EPS_BN = 1e-5
_EPS_NORM = 1e-12

_mesh = plsc.VectorSubcoreMesh(core_axis_name="c", subcore_axis_name="s")


def _zero_stripe(zfeat, accum, s):
    base0 = s * RPS
    pltpu.sync_copy(zfeat.at[pl.ds(base0, RPS)], accum.at[pl.ds(base0, RPS)])

    @pl.when(s == NS - 1)
    def _tail():
        pltpu.sync_copy(zfeat.at[pl.ds(TAIL_BASE, TAIL)],
                        accum.at[pl.ds(TAIL_BASE, TAIL)])


def _write_stripe(accum, out, c, s):
    base0 = s * RPS
    pltpu.sync_copy(accum.at[pl.ds(base0, RPS)],
                    out.at[c, pl.ds(base0, RPS)])

    @pl.when(s == NS - 1)
    def _tail():
        pltpu.sync_copy(accum.at[pl.ds(TAIL_BASE, TAIL)],
                        out.at[c, pl.ds(TAIL_BASE, TAIL)])


def _edge_loop(table, src, dst, wbase, sidx, didx, rows, gsems, ssems, accum):

    def load_idx(k, b):
        base = wbase + k * CHUNK
        pltpu.sync_copy(src.at[pl.ds(base, CHUNK)], sidx[b])
        pltpu.sync_copy(dst.at[pl.ds(base, CHUNK)], didx[b])

    def gather(b):
        pltpu.async_copy(table.at[sidx[b]], rows[b], gsems[b])

    def wait_g(b):
        pltpu.make_async_copy(table.at[sidx[b]], rows[b], gsems[b]).wait()

    def sc_issue(b):
        pltpu.async_copy(rows[b], accum.at[didx[b]], ssems[b], add=True)

    def sc_wait(b):
        pltpu.make_async_copy(rows[b], accum.at[didx[b]], ssems[b]).wait()

    load_idx(0, 0)
    gather(0)
    load_idx(1, 1)
    gather(1)
    for k in range(4):
        bp = (k + 2) % 4
        if k >= 2:
            sc_wait(bp)
        load_idx(k + 2, bp)
        gather(bp)
        wait_g(k)
        sc_issue(k)

    def quad(j0, carry):
        q = 4 + 4 * j0
        for b in range(4):
            k = q + b
            bp = (b + 2) % 4
            sc_wait(bp)
            load_idx(k + 2, bp)
            gather(bp)
            wait_g(b)
            sc_issue(b)
        return carry

    lax.fori_loop(0, (ITERS - 9) // 4, quad, 0)
    for k in range(ITERS - 5, ITERS - 2):
        bp = (k + 2) % 4
        sc_wait(bp)
        load_idx(k + 2, bp)
        gather(bp)
        wait_g(k % 4)
        sc_issue(k % 4)
    for k in range(ITERS - 2, ITERS):
        wait_g(k % 4)
        sc_issue(k % 4)
    for k in range(ITERS - 4, ITERS):
        sc_wait(k % 4)


@functools.partial(
    pl.kernel,
    out_type=[
        jax.ShapeDtypeStruct((NC, N, D), jnp.float32),
        jax.ShapeDtypeStruct((NC, N, D), jnp.float32),
    ],
    mesh=_mesh,
    scratch_types=[
        [pltpu.VMEM((CHUNK,), jnp.int32)] * 4,
        [pltpu.VMEM((CHUNK,), jnp.int32)] * 4,
        [pltpu.VMEM((CHUNK, D), jnp.float32)] * 4,
        pltpu.VMEM_SHARED((N, D), jnp.float32),
        [pltpu.SemaphoreType.DMA] * 4,
        [pltpu.SemaphoreType.DMA] * 4,
    ],
)
def _agg_counts(table, src, dst, zfeat, ones, sums_out, cnt_out,
                sidx, didx, rows, accum, gsems, ssems):
    c = lax.axis_index("c")
    s = lax.axis_index("s")
    w = s * NC + c
    wbase = w * EPW

    _zero_stripe(zfeat, accum, s)
    pltpu.sync_copy(ones, rows[0])
    plsc.subcore_barrier()

    def cscat(b):
        pltpu.async_copy(rows[0], accum.at[didx[b]], ssems[b], add=True)

    def cwait(b):
        pltpu.make_async_copy(rows[0], accum.at[didx[b]], ssems[b]).wait()

    def cload(k, b):
        pltpu.sync_copy(dst.at[pl.ds(wbase + k * CHUNK, CHUNK)], didx[b])

    def cpair(j0, carry):
        k0 = 2 * j0
        cload(k0 + 1, 1)
        cscat(1)
        cwait(0)
        cload(k0 + 2, 0)
        cscat(0)
        cwait(1)
        return carry

    cload(0, 0)
    cscat(0)
    lax.fori_loop(0, (ITERS - 1) // 2, cpair, 0)
    cwait(0)
    plsc.subcore_barrier()
    _write_stripe(accum, cnt_out, c, s)

    _zero_stripe(zfeat, accum, s)
    plsc.subcore_barrier()
    _edge_loop(table, src, dst, wbase, sidx, didx, rows, gsems, ssems, accum)
    plsc.subcore_barrier()
    _write_stripe(accum, sums_out, c, s)


@functools.partial(
    pl.kernel,
    out_type=jax.ShapeDtypeStruct((NC, N, D), jnp.float32),
    mesh=_mesh,
    scratch_types=[
        [pltpu.VMEM((CHUNK,), jnp.int32)] * 4,
        [pltpu.VMEM((CHUNK,), jnp.int32)] * 4,
        [pltpu.VMEM((CHUNK, D), jnp.float32)] * 4,
        pltpu.VMEM_SHARED((N, D), jnp.float32),
        [pltpu.SemaphoreType.DMA] * 4,
        [pltpu.SemaphoreType.DMA] * 4,
    ],
)
def _agg(table, src, dst, zfeat, sums_out,
         sidx, didx, rows, accum, gsems, ssems):
    c = lax.axis_index("c")
    s = lax.axis_index("s")
    w = s * NC + c
    _zero_stripe(zfeat, accum, s)
    plsc.subcore_barrier()
    _edge_loop(table, src, dst, w * EPW, sidx, didx, rows, gsems, ssems,
               accum)
    plsc.subcore_barrier()
    _write_stripe(accum, sums_out, c, s)


_R = 1000


def _dense1_body(sp_ref, cp_ref, x_ref, wl_ref, bl_ref, wr_ref, g_ref, b_ref,
                 o_ref):
    ssum = sp_ref[0] + sp_ref[1]
    cnt = cp_ref[0][:, 0:1] + cp_ref[1][:, 0:1]
    mean = ssum / jnp.maximum(cnt, 1.0)
    out = (jnp.dot(mean, wl_ref[...], preferred_element_type=jnp.float32)
           + jnp.dot(x_ref[...], wr_ref[...], preferred_element_type=jnp.float32)
           + bl_ref[...])
    nrm = jnp.sqrt(jnp.sum(out * out, axis=1, keepdims=True))
    out = out / jnp.maximum(nrm, _EPS_NORM)
    out = jnp.maximum(out, 0.0)
    o_ref[...] = g_ref[...] * out * (1.0 / jnp.sqrt(1.0 + _EPS_BN)) + b_ref[...]


def _dense2_body(sp_ref, cp_ref, h_ref, wl_ref, bl_ref, wr_ref, wfc_ref,
                 bfc_ref, o_ref):
    ssum = sp_ref[0] + sp_ref[1]
    cnt = cp_ref[0][:, 0:1] + cp_ref[1][:, 0:1]
    mean = ssum / jnp.maximum(cnt, 1.0)
    out = (jnp.dot(mean, wl_ref[...], preferred_element_type=jnp.float32)
           + jnp.dot(h_ref[...], wr_ref[...], preferred_element_type=jnp.float32)
           + bl_ref[...])
    nrm = jnp.sqrt(jnp.sum(out * out, axis=1, keepdims=True))
    out = out / jnp.maximum(nrm, _EPS_NORM)
    o_ref[...] = (jnp.sum(out * wfc_ref[...], axis=1, keepdims=True)
                  + bfc_ref[...])


def _row_specs():
    return [
        pl.BlockSpec((NC, _R, D), lambda i: (0, i, 0)),
        pl.BlockSpec((NC, _R, D), lambda i: (0, i, 0)),
        pl.BlockSpec((_R, D), lambda i: (i, 0)),
    ]


def _full2d(shape):
    return pl.BlockSpec(shape, lambda i: (0, 0))


def _dense1(sp, cp, x, wl, bl, wr, g, b):
    return pl.pallas_call(
        _dense1_body,
        grid=(N // _R,),
        in_specs=_row_specs() + [
            _full2d((D, D)), _full2d((1, D)), _full2d((D, D)),
            _full2d((1, D)), _full2d((1, D)),
        ],
        out_specs=pl.BlockSpec((_R, D), lambda i: (i, 0)),
        out_shape=jax.ShapeDtypeStruct((N, D), jnp.float32),
    )(sp, cp, x, wl, bl, wr, g, b)


def _dense2(sp, cp, h, wl, bl, wr, wfc, bfc):
    return pl.pallas_call(
        _dense2_body,
        grid=(N // _R,),
        in_specs=_row_specs() + [
            _full2d((D, D)), _full2d((1, D)), _full2d((D, D)),
            _full2d((1, D)), _full2d((1, 1)),
        ],
        out_specs=pl.BlockSpec((_R, 1), lambda i: (i, 0)),
        out_shape=jax.ShapeDtypeStruct((N, 1), jnp.float32),
    )(sp, cp, h, wl, bl, wr, wfc, bfc)


def kernel(x, edge_index, W1l, b1l, W1r, gamma, beta, W2l, b2l, W2r, Wfc, bfc):
    src = edge_index[0]
    dst = edge_index[1]
    zfeat = jnp.zeros((N, D), jnp.float32)
    ones = jnp.ones((CHUNK, D), jnp.float32)

    sums1, cnts = _agg_counts(x, src, dst, zfeat, ones)
    h = _dense1(sums1, cnts, x, W1l, b1l.reshape(1, D), W1r,
                gamma.reshape(1, D), beta.reshape(1, D))
    sums2 = _agg(h, src, dst, zfeat)
    out = _dense2(sums2, cnts, h, W2l, b2l.reshape(1, D), W2r,
                  Wfc.reshape(1, D), bfc.reshape(1, 1))
    return out.reshape(N)

# --- scband reference (transcript-rebuilt; emitter-appended) ---
"""Pipeline reference for scband-sage-14448269984145 (READ-ONLY COPY).

The authoritative reference and input builder live on the scoring server;
editing this copy changes nothing except your own understanding.
"""

import jax, jax.numpy as jnp
import numpy as np

N = 10000
E = 320000
D = 128
H = 128
O = 1
EPS_BN = 1e-5
EPS_NORM = 1e-12


def _glorot(key, shape):
    fan_in, fan_out = shape[0], shape[1]
    limit = np.sqrt(6.0 / (fan_in + fan_out))
    return jax.random.uniform(key, shape, dtype=jnp.float32, minval=-limit, maxval=limit)


def setup_inputs(seed: int = 0) -> dict:
    key = jax.random.key(seed)
    ks = jax.random.split(key, 12)
    x = jax.random.normal(ks[0], (N, D), dtype=jnp.float32)
    edge_index = jax.random.randint(ks[1], (2, E), 0, N, dtype=jnp.int32)
    W1l = _glorot(ks[2], (D, H))
    b1l = jnp.zeros((H,), dtype=jnp.float32)
    W1r = _glorot(ks[3], (D, H))
    gamma = jnp.ones((H,), dtype=jnp.float32)
    beta = jnp.zeros((H,), dtype=jnp.float32)
    W2l = _glorot(ks[4], (H, H))
    b2l = jnp.zeros((H,), dtype=jnp.float32)
    W2r = _glorot(ks[5], (H, H))
    Wfc = _glorot(ks[6], (H, O))
    bfc = jnp.zeros((O,), dtype=jnp.float32)
    return {"x": x, "edge_index": edge_index, "W1l": W1l, "b1l": b1l, "W1r": W1r,
            "gamma": gamma, "beta": beta, "W2l": W2l, "b2l": b2l, "W2r": W2r,
            "Wfc": Wfc, "bfc": bfc}


def _sage_conv(x, edge_index, Wl, bl, Wr):
    # PyG SAGEConv with aggr='mean', normalize=True:
    #   out = lin_l(mean_{j in N(i)} x_j) + lin_r(x_i); out = l2_normalize(out)
    src = edge_index[0]
    dst = edge_index[1]
    msg = jnp.take(x, src, axis=0)                      # gather (SparseCore)
    summed = jax.ops.segment_sum(msg, dst, num_segments=N)  # scatter-add
    cnt = jax.ops.segment_sum(jnp.ones((edge_index.shape[1],), x.dtype), dst, num_segments=N)
    mean = summed / jnp.clip(cnt, 1.0, None)[:, None]
    out = mean @ Wl + bl + x @ Wr
    norm = jnp.sqrt(jnp.sum(out * out, axis=-1, keepdims=True))
    out = out / jnp.clip(norm, EPS_NORM, None)
    return out


def reference(x, edge_index, W1l, b1l, W1r, gamma, beta, W2l, b2l, W2r, Wfc, bfc):
    h = _sage_conv(x, edge_index, W1l, b1l, W1r)
    # transition: ReLU -> BatchNorm1d (eval: running_mean=0, running_var=1) -> Dropout (eval: identity)
    h = jnp.maximum(h, 0.0)
    h = gamma * h / jnp.sqrt(1.0 + EPS_BN) + beta
    h = _sage_conv(h, edge_index, W2l, b2l, W2r)
    out = h @ Wfc + bfc
    return jnp.squeeze(out)

if __name__ == "__main__":
    import jax
    _d = setup_inputs()
    print(jax.jit(kernel)(*tuple(_d.values())))

</pallas_src>

<mosaic_0001>
#map = affine_map<(d0, d1) -> (0, 0)>
#map1 = affine_map<(d0, d1) -> (0)>
#map2 = affine_map<(d0, d1) -> (0, 0, 0)>
module attributes {stable_mosaic.version = 14 : i64} {
  func.func @_agg(%arg0: i32, %arg1: i32, %arg2: memref<10000x128xf32, #tpu.memory_space<hbm>>, %arg3: memref<320000xi32, #tpu.memory_space<hbm>>, %arg4: memref<320000xi32, #tpu.memory_space<hbm>>, %arg5: memref<10000x128xf32, #tpu.memory_space<hbm>>, %arg6: memref<2x10000x128xf32, #tpu.memory_space<hbm>>, %arg7: memref<80xi32, #tpu.memory_space<vmem>>, %arg8: memref<80xi32, #tpu.memory_space<vmem>>, %arg9: memref<80xi32, #tpu.memory_space<vmem>>, %arg10: memref<80xi32, #tpu.memory_space<vmem>>, %arg11: memref<80xi32, #tpu.memory_space<vmem>>, %arg12: memref<80xi32, #tpu.memory_space<vmem>>, %arg13: memref<80xi32, #tpu.memory_space<vmem>>, %arg14: memref<80xi32, #tpu.memory_space<vmem>>, %arg15: memref<80x128xf32, #tpu.memory_space<vmem>>, %arg16: memref<80x128xf32, #tpu.memory_space<vmem>>, %arg17: memref<80x128xf32, #tpu.memory_space<vmem>>, %arg18: memref<80x128xf32, #tpu.memory_space<vmem>>, %arg19: memref<10000x128xf32, #tpu.memory_space<vmem_shared>>, %arg20: memref<!tpu.dma_semaphore, #tpu.memory_space<semaphore_mem>>, %arg21: memref<!tpu.dma_semaphore, #tpu.memory_space<semaphore_mem>>, %arg22: memref<!tpu.dma_semaphore, #tpu.memory_space<semaphore_mem>>, %arg23: memref<!tpu.dma_semaphore, #tpu.memory_space<semaphore_mem>>, %arg24: memref<!tpu.dma_semaphore, #tpu.memory_space<semaphore_mem>>, %arg25: memref<!tpu.dma_semaphore, #tpu.memory_space<semaphore_mem>>, %arg26: memref<!tpu.dma_semaphore, #tpu.memory_space<semaphore_mem>>, %arg27: memref<!tpu.dma_semaphore, #tpu.memory_space<semaphore_mem>>) attributes {dimension_semantics = [#tpu.dimension_semantics<core_parallel>, #tpu.dimension_semantics<subcore_parallel>], iteration_bounds = array<i64: 2, 16>, scalar_prefetch = 0 : i64, scratch_operands = 21 : i64, tpu.core_type = #tpu.core_type<sc_vector_subcore>, window_params = [{transform_indices = #map}, {transform_indices = #map1}, {transform_indices = #map1}, {transform_indices = #map}, {transform_indices = #map2}]} {
    %mul3A = arith.constant 2 : i32
    %mul3A_0 = arith.muli %arg1, %mul3A : i32
    %add3A = arith.addi %mul3A_0, %arg0 : i32
    %mul3A_1 = arith.constant 624 : i32
    %mul3A_2 = arith.muli %arg1, %mul3A_1 : i32
    "tpu.region"() ({
      %run_scoped3A = tpu.sem_alloc : memref<!tpu.dma_semaphore, #tpu.memory_space<semaphore_mem>>
      %dma_start3A_144 = arith.constant 0 : i32
      %dma_start3A_145 = tpu.memref_slice %arg19[%mul3A_2, %dma_start3A_144] : memref<10000x128xf32, #tpu.memory_space<vmem_shared>> -> memref<624x128xf32, #tpu.memory_space<vmem_shared>>
      %dma_start3A_146 = arith.constant 0 : i32
      %dma_start3A_147 = tpu.memref_slice %arg5[%mul3A_2, %dma_start3A_146] : memref<10000x128xf32, #tpu.memory_space<hbm>> -> memref<624x128xf32, #tpu.memory_space<hbm>>
      tpu.enqueue_dma source(%dma_start3A_147 : memref<624x128xf32, #tpu.memory_space<hbm>>) target(%dma_start3A_145 : memref<624x128xf32, #tpu.memory_space<vmem_shared>>) target_semaphore(%run_scoped3A : memref<!tpu.dma_semaphore, #tpu.memory_space<semaphore_mem>>)
      %dma_wait3A_148 = arith.constant 0 : i32
      %dma_wait3A_149 = tpu.memref_slice %arg19[%mul3A_2, %dma_wait3A_148] : memref<10000x128xf32, #tpu.memory_space<vmem_shared>> -> memref<624x128xf32, #tpu.memory_space<vmem_shared>>
      %dma_wait3A_150 = arith.constant 0 : i32
      %dma_wait3A_151 = tpu.memref_slice %arg5[%mul3A_2, %dma_wait3A_150] : memref<10000x128xf32, #tpu.memory_space<hbm>> -> memref<624x128xf32, #tpu.memory_space<hbm>>
      tpu.wait_dma2 semaphore(%run_scoped3A : memref<!tpu.dma_semaphore, #tpu.memory_space<semaphore_mem>>) src(%dma_wait3A_151 : memref<624x128xf32, #tpu.memory_space<hbm>>) dst(%dma_wait3A_149 : memref<624x128xf32, #tpu.memory_space<vmem_shared>>)
      tpu.yield
    }) : () -> ()
    %eq3A = arith.constant 15 : i32
    %eq3A_3 = arith.cmpi eq, %arg1, %eq3A : i32
    %convert_element_type3A = arith.extui %eq3A_3 : i1 to i32
    %cond3A = arith.constant 0 : i32
    %cond3A_4 = arith.cmpi ne, %convert_element_type3A, %cond3A : i32
    scf.if %cond3A_4 {
      "tpu.region"() ({
        %run_scoped3A = tpu.sem_alloc : memref<!tpu.dma_semaphore, #tpu.memory_space<semaphore_mem>>
        %dma_start3A_144 = arith.constant 9984 : i32
        %dma_start3A_145 = arith.constant 0 : i32
        %dma_start3A_146 = tpu.memref_slice %arg19[%dma_start3A_144, %dma_start3A_145] : memref<10000x128xf32, #tpu.memory_space<vmem_shared>> -> memref<16x128xf32, #tpu.memory_space<vmem_shared>>
        %dma_start3A_147 = arith.constant 9984 : i32
        %dma_start3A_148 = arith.constant 0 : i32
        %dma_start3A_149 = tpu.memref_slice %arg5[%dma_start3A_147, %dma_start3A_148] : memref<10000x128xf32, #tpu.memory_space<hbm>> -> memref<16x128xf32, #tpu.memory_space<hbm>>
        tpu.enqueue_dma source(%dma_start3A_149 : memref<16x128xf32, #tpu.memory_space<hbm>>) target(%dma_start3A_146 : memref<16x128xf32, #tpu.memory_space<vmem_shared>>) target_semaphore(%run_scoped3A : memref<!tpu.dma_semaphore, #tpu.memory_space<semaphore_mem>>)
        %dma_wait3A_150 = arith.constant 9984 : i32
        %dma_wait3A_151 = arith.constant 0 : i32
        %dma_wait3A_152 = tpu.memref_slice %arg19[%dma_wait3A_150, %dma_wait3A_151] : memref<10000x128xf32, #tpu.memory_space<vmem_shared>> -> memref<16x128xf32, #tpu.memory_space<vmem_shared>>
        %dma_wait3A_153 = arith.constant 9984 : i32
        %dma_wait3A_154 = arith.constant 0 : i32
        %dma_wait3A_155 = tpu.memref_slice %arg5[%dma_wait3A_153, %dma_wait3A_154] : memref<10000x128xf32, #tpu.memory_space<hbm>> -> memref<16x128xf32, #tpu.memory_space<hbm>>
        tpu.wait_dma2 semaphore(%run_scoped3A : memref<!tpu.dma_semaphore, #tpu.memory_space<semaphore_mem>>) src(%dma_wait3A_155 : memref<16x128xf32, #tpu.memory_space<hbm>>) dst(%dma_wait3A_152 : memref<16x128xf32, #tpu.memory_space<vmem_shared>>)
        tpu.yield
      }) : () -> ()
    } else {
    }
    %barrier3A = arith.constant 0 : index
    tpu.barrier barrier_id(%barrier3A)
    %mul3A_5 = arith.constant 10000 : i32
    %mul3A_6 = arith.muli %add3A, %mul3A_5 : i32
    %add3A_7 = arith.constant 0 : i32
    %add3A_8 = arith.addi %mul3A_6, %add3A_7 : i32
    "tpu.region"() ({
      %run_scoped3A = tpu.sem_alloc : memref<!tpu.dma_semaphore, #tpu.memory_space<semaphore_mem>>
      %dma_start3A_144 = tpu.memref_slice %arg3[%add3A_8] : memref<320000xi32, #tpu.memory_space<hbm>> -> memref<80xi32, #tpu.memory_space<hbm>>
      %dma_start3A_145 = tpu.memref_slice %arg3[%add3A_8] : memref<320000xi32, #tpu.memory_space<hbm>> -> memref<80xi32, #tpu.memory_space<hbm>>
      tpu.enqueue_dma source(%dma_start3A_145 : memref<80xi32, #tpu.memory_space<hbm>>) target(%arg7 : memref<80xi32, #tpu.memory_space<vmem>>) target_semaphore(%run_scoped3A : memref<!tpu.dma_semaphore, #tpu.memory_space<semaphore_mem>>)
      %dma_wait3A_146 = tpu.memref_slice %arg3[%add3A_8] : memref<320000xi32, #tpu.memory_space<hbm>> -> memref<80xi32, #tpu.memory_space<hbm>>
      %dma_wait3A_147 = tpu.memref_slice %arg3[%add3A_8] : memref<320000xi32, #tpu.memory_space<hbm>> -> memref<80xi32, #tpu.memory_space<hbm>>
      tpu.wait_dma2 semaphore(%run_scoped3A : memref<!tpu.dma_semaphore, #tpu.memory_space<semaphore_mem>>) src(%dma_wait3A_147 : memref<80xi32, #tpu.memory_space<hbm>>) dst(%arg7 : memref<80xi32, #tpu.memory_space<vmem>>)
      tpu.yield
    }) : () -> ()
    "tpu.region"() ({
      %run_scoped3A = tpu.sem_alloc : memref<!tpu.dma_semaphore, #tpu.memory_space<semaphore_mem>>
      %dma_start3A_144 = tpu.memref_slice %arg4[%add3A_8] : memref<320000xi32, #tpu.memory_space<hbm>> -> memref<80xi32, #tpu.memory_space<hbm>>
      %dma_start3A_145 = tpu.memref_slice %arg4[%add3A_8] : memref<320000xi32, #tpu.memory_space<hbm>> -> memref<80xi32, #tpu.memory_space<hbm>>
      tpu.enqueue_dma source(%dma_start3A_145 : memref<80xi32, #tpu.memory_space<hbm>>) target(%arg11 : memref<80xi32, #tpu.memory_space<vmem>>) target_semaphore(%run_scoped3A : memref<!tpu.dma_semaphore, #tpu.memory_space<semaphore_mem>>)
      %dma_wait3A_146 = tpu.memref_slice %arg4[%add3A_8] : memref<320000xi32, #tpu.memory_space<hbm>> -> memref<80xi32, #tpu.memory_space<hbm>>
      %dma_wait3A_147 = tpu.memref_slice %arg4[%add3A_8] : memref<320000xi32, #tpu.memory_space<hbm>> -> memref<80xi32, #tpu.memory_space<hbm>>
      tpu.wait_dma2 semaphore(%run_scoped3A : memref<!tpu.dma_semaphore, #tpu.memory_space<semaphore_mem>>) src(%dma_wait3A_147 : memref<80xi32, #tpu.memory_space<hbm>>) dst(%arg11 : memref<80xi32, #tpu.memory_space<vmem>>)
      tpu.yield
    }) : () -> ()
    %dma_start3A = arith.constant 0 : i32
    %dma_start3A_9 = arith.constant 0 : i32
    %dma_start3A_10 = tpu.memref_slice %arg2[%dma_start3A, %dma_start3A_9] : memref<10000x128xf32, #tpu.memory_space<hbm>> -> memref<10000x128xf32, #tpu.memory_space<hbm>>
    tpu.enqueue_indirect_dma source(%dma_start3A_10 : memref<10000x128xf32, #tpu.memory_space<hbm>>) target(%arg15 : memref<80x128xf32, #tpu.memory_space<vmem>>) offsets(%arg7 : memref<80xi32, #tpu.memory_space<vmem>>) semaphore(%arg20 : memref<!tpu.dma_semaphore, #tpu.memory_space<semaphore_mem>>)
    %add3A_11 = arith.constant 80 : i32
    %add3A_12 = arith.addi %mul3A_6, %add3A_11 : i32
    "tpu.region"() ({
      %run_scoped3A = tpu.sem_alloc : memref<!tpu.dma_semaphore, #tpu.memory_space<semaphore_mem>>
      %dma_start3A_144 = tpu.memref_slice %arg3[%add3A_12] : memref<320000xi32, #tpu.memory_space<hbm>> -> memref<80xi32, #tpu.memory_space<hbm>>
      %dma_start3A_145 = tpu.memref_slice %arg3[%add3A_12] : memref<320000xi32, #tpu.memory_space<hbm>> -> memref<80xi32, #tpu.memory_space<hbm>>
      tpu.enqueue_dma source(%dma_start3A_145 : memref<80xi32, #tpu.memory_space<hbm>>) target(%arg8 : memref<80xi32, #tpu.memory_space<vmem>>) target_semaphore(%run_scoped3A : memref<!tpu.dma_semaphore, #tpu.memory_space<semaphore_mem>>)
      %dma_wait3A_146 = tpu.memref_slice %arg3[%add3A_12] : memref<320000xi32, #tpu.memory_space<hbm>> -> memref<80xi32, #tpu.memory_space<hbm>>
      %dma_wait3A_147 = tpu.memref_slice %arg3[%add3A_12] : memref<320000xi32, #tpu.memory_space<hbm>> -> memref<80xi32, #tpu.memory_space<hbm>>
      tpu.wait_dma2 semaphore(%run_scoped3A : memref<!tpu.dma_semaphore, #tpu.memory_space<semaphore_mem>>) src(%dma_wait3A_147 : memref<80xi32, #tpu.memory_space<hbm>>) dst(%arg8 : memref<80xi32, #tpu.memory_space<vmem>>)
      tpu.yield
    }) : () -> ()
    "tpu.region"() ({
      %run_scoped3A = tpu.sem_alloc : memref<!tpu.dma_semaphore, #tpu.memory_space<semaphore_mem>>
      %dma_start3A_144 = tpu.memref_slice %arg4[%add3A_12] : memref<320000xi32, #tpu.memory_space<hbm>> -> memref<80xi32, #tpu.memory_space<hbm>>
      %dma_start3A_145 = tpu.memref_slice %arg4[%add3A_12] : memref<320000xi32, #tpu.memory_space<hbm>> -> memref<80xi32, #tpu.memory_space<hbm>>
      tpu.enqueue_dma source(%dma_start3A_145 : memref<80xi32, #tpu.memory_space<hbm>>) target(%arg12 : memref<80xi32, #tpu.memory_space<vmem>>) target_semaphore(%run_scoped3A : memref<!tpu.dma_semaphore, #tpu.memory_space<semaphore_mem>>)
      %dma_wait3A_146 = tpu.memref_slice %arg4[%add3A_12] : memref<320000xi32, #tpu.memory_space<hbm>> -> memref<80xi32, #tpu.memory_space<hbm>>
      %dma_wait3A_147 = tpu.memref_slice %arg4[%add3A_12] : memref<320000xi32, #tpu.memory_space<hbm>> -> memref<80xi32, #tpu.memory_space<hbm>>
      tpu.wait_dma2 semaphore(%run_scoped3A : memref<!tpu.dma_semaphore, #tpu.memory_space<semaphore_mem>>) src(%dma_wait3A_147 : memref<80xi32, #tpu.memory_space<hbm>>) dst(%arg12 : memref<80xi32, #tpu.memory_space<vmem>>)
      tpu.yield
    }) : () -> ()
    %dma_start3A_13 = arith.constant 0 : i32
    %dma_start3A_14 = arith.constant 0 : i32
    %dma_start3A_15 = tpu.memref_slice %arg2[%dma_start3A_13, %dma_start3A_14] : memref<10000x128xf32, #tpu.memory_space<hbm>> -> memref<10000x128xf32, #tpu.memory_space<hbm>>
    tpu.enqueue_indirect_dma source(%dma_start3A_15 : memref<10000x128xf32, #tpu.memory_space<hbm>>) target(%arg16 : memref<80x128xf32, #tpu.memory_space<vmem>>) offsets(%arg8 : memref<80xi32, #tpu.memory_space<vmem>>) semaphore(%arg21 : memref<!tpu.dma_semaphore, #tpu.memory_space<semaphore_mem>>)
    %add3A_16 = arith.constant 160 : i32
    %add3A_17 = arith.addi %mul3A_6, %add3A_16 : i32
    "tpu.region"() ({
      %run_scoped3A = tpu.sem_alloc : memref<!tpu.dma_semaphore, #tpu.memory_space<semaphore_mem>>
      %dma_start3A_144 = tpu.memref_slice %arg3[%add3A_17] : memref<320000xi32, #tpu.memory_space<hbm>> -> memref<80xi32, #tpu.memory_space<hbm>>
      %dma_start3A_145 = tpu.memref_slice %arg3[%add3A_17] : memref<320000xi32, #tpu.memory_space<hbm>> -> memref<80xi32, #tpu.memory_space<hbm>>
      tpu.enqueue_dma source(%dma_start3A_145 : memref<80xi32, #tpu.memory_space<hbm>>) target(%arg9 : memref<80xi32, #tpu.memory_space<vmem>>) target_semaphore(%run_scoped3A : memref<!tpu.dma_semaphore, #tpu.memory_space<semaphore_mem>>)
      %dma_wait3A_146 = tpu.memref_slice %arg3[%add3A_17] : memref<320000xi32, #tpu.memory_space<hbm>> -> memref<80xi32, #tpu.memory_space<hbm>>
      %dma_wait3A_147 = tpu.memref_slice %arg3[%add3A_17] : memref<320000xi32, #tpu.memory_space<hbm>> -> memref<80xi32, #tpu.memory_space<hbm>>
      tpu.wait_dma2 semaphore(%run_scoped3A : memref<!tpu.dma_semaphore, #tpu.memory_space<semaphore_mem>>) src(%dma_wait3A_147 : memref<80xi32, #tpu.memory_space<hbm>>) dst(%arg9 : memref<80xi32, #tpu.memory_space<vmem>>)
      tpu.yield
    }) : () -> ()
    "tpu.region"() ({
      %run_scoped3A = tpu.sem_alloc : memref<!tpu.dma_semaphore, #tpu.memory_space<semaphore_mem>>
      %dma_start3A_144 = tpu.memref_slice %arg4[%add3A_17] : memref<320000xi32, #tpu.memory_space<hbm>> -> memref<80xi32, #tpu.memory_space<hbm>>
      %dma_start3A_145 = tpu.memref_slice %arg4[%add3A_17] : memref<320000xi32, #tpu.memory_space<hbm>> -> memref<80xi32, #tpu.memory_space<hbm>>
      tpu.enqueue_dma source(%dma_start3A_145 : memref<80xi32, #tpu.memory_space<hbm>>) target(%arg13 : memref<80xi32, #tpu.memory_space<vmem>>) target_semaphore(%run_scoped3A : memref<!tpu.dma_semaphore, #tpu.memory_space<semaphore_mem>>)
      %dma_wait3A_146 = tpu.memref_slice %arg4[%add3A_17] : memref<320000xi32, #tpu.memory_space<hbm>> -> memref<80xi32, #tpu.memory_space<hbm>>
      %dma_wait3A_147 = tpu.memref_slice %arg4[%add3A_17] : memref<320000xi32, #tpu.memory_space<hbm>> -> memref<80xi32, #tpu.memory_space<hbm>>
      tpu.wait_dma2 semaphore(%run_scoped3A : memref<!tpu.dma_semaphore, #tpu.memory_space<semaphore_mem>>) src(%dma_wait3A_147 : memref<80xi32, #tpu.memory_space<hbm>>) dst(%arg13 : memref<80xi32, #tpu.memory_space<vmem>>)
      tpu.yield
    }) : () -> ()
    %dma_start3A_18 = arith.constant 0 : i32
    %dma_start3A_19 = arith.constant 0 : i32
    %dma_start3A_20 = tpu.memref_slice %arg2[%dma_start3A_18, %dma_start3A_19] : memref<10000x128xf32, #tpu.memory_space<hbm>> -> memref<10000x128xf32, #tpu.memory_space<hbm>>
    tpu.enqueue_indirect_dma source(%dma_start3A_20 : memref<10000x128xf32, #tpu.memory_space<hbm>>) target(%arg17 : memref<80x128xf32, #tpu.memory_space<vmem>>) offsets(%arg9 : memref<80xi32, #tpu.memory_space<vmem>>) semaphore(%arg22 : memref<!tpu.dma_semaphore, #tpu.memory_space<semaphore_mem>>)
    %dma_wait3A = arith.constant 0 : i32
    %dma_wait3A_21 = arith.constant 0 : i32
    %dma_wait3A_22 = tpu.memref_slice %arg2[%dma_wait3A, %dma_wait3A_21] : memref<10000x128xf32, #tpu.memory_space<hbm>> -> memref<10000x128xf32, #tpu.memory_space<hbm>>
    tpu.wait_indirect_dma semaphore(%arg20 : memref<!tpu.dma_semaphore, #tpu.memory_space<semaphore_mem>>) src(%dma_wait3A_22 : memref<10000x128xf32, #tpu.memory_space<hbm>>) dst(%arg15 : memref<80x128xf32, #tpu.memory_space<vmem>>)
    %dma_start3A_23 = arith.constant 0 : i32
    %dma_start3A_24 = arith.constant 0 : i32
    %dma_start3A_25 = tpu.memref_slice %arg19[%dma_start3A_23, %dma_start3A_24] : memref<10000x128xf32, #tpu.memory_space<vmem_shared>> -> memref<10000x128xf32, #tpu.memory_space<vmem_shared>>
    tpu.enqueue_indirect_dma source(%arg15 : memref<80x128xf32, #tpu.memory_space<vmem>>) target(%dma_start3A_25 : memref<10000x128xf32, #tpu.memory_space<vmem_shared>>) offsets(%arg11 : memref<80xi32, #tpu.memory_space<vmem>>) semaphore(%arg24 : memref<!tpu.dma_semaphore, #tpu.memory_space<semaphore_mem>>) {add = true}
    %add3A_26 = arith.constant 240 : i32
    %add3A_27 = arith.addi %mul3A_6, %add3A_26 : i32
    "tpu.region"() ({
      %run_scoped3A = tpu.sem_alloc : memref<!tpu.dma_semaphore, #tpu.memory_space<semaphore_mem>>
      %dma_start3A_144 = tpu.memref_slice %arg3[%add3A_27] : memref<320000xi32, #tpu.memory_space<hbm>> -> memref<80xi32, #tpu.memory_space<hbm>>
      %dma_start3A_145 = tpu.memref_slice %arg3[%add3A_27] : memref<320000xi32, #tpu.memory_space<hbm>> -> memref<80xi32, #tpu.memory_space<hbm>>
      tpu.enqueue_dma source(%dma_start3A_145 : memref<80xi32, #tpu.memory_space<hbm>>) target(%arg10 : memref<80xi32, #tpu.memory_space<vmem>>) target_semaphore(%run_scoped3A : memref<!tpu.dma_semaphore, #tpu.memory_space<semaphore_mem>>)
      %dma_wait3A_146 = tpu.memref_slice %arg3[%add3A_27] : memref<320000xi32, #tpu.memory_space<hbm>> -> memref<80xi32, #tpu.memory_space<hbm>>
      %dma_wait3A_147 = tpu.memref_slice %arg3[%add3A_27] : memref<320000xi32, #tpu.memory_space<hbm>> -> memref<80xi32, #tpu.memory_space<hbm>>
      tpu.wait_dma2 semaphore(%run_scoped3A : memref<!tpu.dma_semaphore, #tpu.memory_space<semaphore_mem>>) src(%dma_wait3A_147 : memref<80xi32, #tpu.memory_space<hbm>>) dst(%arg10 : memref<80xi32, #tpu.memory_space<vmem>>)
      tpu.yield
    }) : () -> ()
    "tpu.region"() ({
      %run_scoped3A = tpu.sem_alloc : memref<!tpu.dma_semaphore, #tpu.memory_space<semaphore_mem>>
      %dma_start3A_144 = tpu.memref_slice %arg4[%add3A_27] : memref<320000xi32, #tpu.memory_space<hbm>> -> memref<80xi32, #tpu.memory_space<hbm>>
      %dma_start3A_145 = tpu.memref_slice %arg4[%add3A_27] : memref<320000xi32, #tpu.memory_space<hbm>> -> memref<80xi32, #tpu.memory_space<hbm>>
      tpu.enqueue_dma source(%dma_start3A_145 : memref<80xi32, #tpu.memory_space<hbm>>) target(%arg14 : memref<80xi32, #tpu.memory_space<vmem>>) target_semaphore(%run_scoped3A : memref<!tpu.dma_semaphore, #tpu.memory_space<semaphore_mem>>)
      %dma_wait3A_146 = tpu.memref_slice %arg4[%add3A_27] : memref<320000xi32, #tpu.memory_space<hbm>> -> memref<80xi32, #tpu.memory_space<hbm>>
      %dma_wait3A_147 = tpu.memref_slice %arg4[%add3A_27] : memref<320000xi32, #tpu.memory_space<hbm>> -> memref<80xi32, #tpu.memory_space<hbm>>
      tpu.wait_dma2 semaphore(%run_scoped3A : memref<!tpu.dma_semaphore, #tpu.memory_space<semaphore_mem>>) src(%dma_wait3A_147 : memref<80xi32, #tpu.memory_space<hbm>>) dst(%arg14 : memref<80xi32, #tpu.memory_space<vmem>>)
      tpu.yield
    }) : () -> ()
    %dma_start3A_28 = arith.constant 0 : i32
    %dma_start3A_29 = arith.constant 0 : i32
    %dma_start3A_30 = tpu.memref_slice %arg2[%dma_start3A_28, %dma_start3A_29] : memref<10000x128xf32, #tpu.memory_space<hbm>> -> memref<10000x128xf32, #tpu.memory_space<hbm>>
    tpu.enqueue_indirect_dma source(%dma_start3A_30 : memref<10000x128xf32, #tpu.memory_space<hbm>>) target(%arg18 : memref<80x128xf32, #tpu.memory_space<vmem>>) offsets(%arg10 : memref<80xi32, #tpu.memory_space<vmem>>) semaphore(%arg23 : memref<!tpu.dma_semaphore, #tpu.memory_space<semaphore_mem>>)
    %dma_wait3A_31 = arith.constant 0 : i32
    %dma_wait3A_32 = arith.constant 0 : i32
    %dma_wait3A_33 = tpu.memref_slice %arg2[%dma_wait3A_31, %dma_wait3A_32] : memref<10000x128xf32, #tpu.memory_space<hbm>> -> memref<10000x128xf32, #tpu.memory_space<hbm>>
    tpu.wait_indirect_dma semaphore(%arg21 : memref<!tpu.dma_semaphore, #tpu.memory_space<semaphore_mem>>) src(%dma_wait3A_33 : memref<10000x128xf32, #tpu.memory_space<hbm>>) dst(%arg16 : memref<80x128xf32, #tpu.memory_space<vmem>>)
    %dma_start3A_34 = arith.constant 0 : i32
    %dma_start3A_35 = arith.constant 0 : i32
    %dma_start3A_36 = tpu.memref_slice %arg19[%dma_start3A_34, %dma_start3A_35] : memref<10000x128xf32, #tpu.memory_space<vmem_shared>> -> memref<10000x128xf32, #tpu.memory_space<vmem_shared>>
    tpu.enqueue_indirect_dma source(%arg16 : memref<80x128xf32, #tpu.memory_space<vmem>>) target(%dma_start3A_36 : memref<10000x128xf32, #tpu.memory_space<vmem_shared>>) offsets(%arg12 : memref<80xi32, #tpu.memory_space<vmem>>) semaphore(%arg25 : memref<!tpu.dma_semaphore, #tpu.memory_space<semaphore_mem>>) {add = true}
    %dma_wait3A_37 = arith.constant 0 : i32
    %dma_wait3A_38 = arith.constant 0 : i32
    %dma_wait3A_39 = tpu.memref_slice %arg19[%dma_wait3A_37, %dma_wait3A_38] : memref<10000x128xf32, #tpu.memory_space<vmem_shared>> -> memref<10000x128xf32, #tpu.memory_space<vmem_shared>>
    tpu.wait_indirect_dma semaphore(%arg24 : memref<!tpu.dma_semaphore, #tpu.memory_space<semaphore_mem>>) src(%arg15 : memref<80x128xf32, #tpu.memory_space<vmem>>) dst(%dma_wait3A_39 : memref<10000x128xf32, #tpu.memory_space<vmem_shared>>)
    %add3A_40 = arith.constant 320 : i32
    %add3A_41 = arith.addi %mul3A_6, %add3A_40 : i32
    "tpu.region"() ({
      %run_scoped3A = tpu.sem_alloc : memref<!tpu.dma_semaphore, #tpu.memory_space<semaphore_mem>>
      %dma_start3A_144 = tpu.memref_slice %arg3[%add3A_41] : memref<320000xi32, #tpu.memory_space<hbm>> -> memref<80xi32, #tpu.memory_space<hbm>>
      %dma_start3A_145 = tpu.memref_slice %arg3[%add3A_41] : memref<320000xi32, #tpu.memory_space<hbm>> -> memref<80xi32, #tpu.memory_space<hbm>>
      tpu.enqueue_dma source(%dma_start3A_145 : memref<80xi32, #tpu.memory_space<hbm>>) target(%arg7 : memref<80xi32, #tpu.memory_space<vmem>>) target_semaphore(%run_scoped3A : memref<!tpu.dma_semaphore, #tpu.memory_space<semaphore_mem>>)
      %dma_wait3A_146 = tpu.memref_slice %arg3[%add3A_41] : memref<320000xi32, #tpu.memory_space<hbm>> -> memref<80xi32, #tpu.memory_space<hbm>>
      %dma_wait3A_147 = tpu.memref_slice %arg3[%add3A_41] : memref<320000xi32, #tpu.memory_space<hbm>> -> memref<80xi32, #tpu.memory_space<hbm>>
      tpu.wait_dma2 semaphore(%run_scoped3A : memref<!tpu.dma_semaphore, #tpu.memory_space<semaphore_mem>>) src(%dma_wait3A_147 : memref<80xi32, #tpu.memory_space<hbm>>) dst(%arg7 : memref<80xi32, #tpu.memory_space<vmem>>)
      tpu.yield
    }) : () -> ()
    "tpu.region"() ({
      %run_scoped3A = tpu.sem_alloc : memref<!tpu.dma_semaphore, #tpu.memory_space<semaphore_mem>>
      %dma_start3A_144 = tpu.memref_slice %arg4[%add3A_41] : memref<320000xi32, #tpu.memory_space<hbm>> -> memref<80xi32, #tpu.memory_space<hbm>>
      %dma_start3A_145 = tpu.memref_slice %arg4[%add3A_41] : memref<320000xi32, #tpu.memory_space<hbm>> -> memref<80xi32, #tpu.memory_space<hbm>>
      tpu.enqueue_dma source(%dma_start3A_145 : memref<80xi32, #tpu.memory_space<hbm>>) target(%arg11 : memref<80xi32, #tpu.memory_space<vmem>>) target_semaphore(%run_scoped3A : memref<!tpu.dma_semaphore, #tpu.memory_space<semaphore_mem>>)
      %dma_wait3A_146 = tpu.memref_slice %arg4[%add3A_41] : memref<320000xi32, #tpu.memory_space<hbm>> -> memref<80xi32, #tpu.memory_space<hbm>>
      %dma_wait3A_147 = tpu.memref_slice %arg4[%add3A_41] : memref<320000xi32, #tpu.memory_space<hbm>> -> memref<80xi32, #tpu.memory_space<hbm>>
      tpu.wait_dma2 semaphore(%run_scoped3A : memref<!tpu.dma_semaphore, #tpu.memory_space<semaphore_mem>>) src(%dma_wait3A_147 : memref<80xi32, #tpu.memory_space<hbm>>) dst(%arg11 : memref<80xi32, #tpu.memory_space<vmem>>)
      tpu.yield
    }) : () -> ()
    %dma_start3A_42 = arith.constant 0 : i32
    %dma_start3A_43 = arith.constant 0 : i32
    %dma_start3A_44 = tpu.memref_slice %arg2[%dma_start3A_42, %dma_start3A_43] : memref<10000x128xf32, #tpu.memory_space<hbm>> -> memref<10000x128xf32, #tpu.memory_space<hbm>>
    tpu.enqueue_indirect_dma source(%dma_start3A_44 : memref<10000x128xf32, #tpu.memory_space<hbm>>) target(%arg15 : memref<80x128xf32, #tpu.memory_space<vmem>>) offsets(%arg7 : memref<80xi32, #tpu.memory_space<vmem>>) semaphore(%arg20 : memref<!tpu.dma_semaphore, #tpu.memory_space<semaphore_mem>>)
    %dma_wait3A_45 = arith.constant 0 : i32
    %dma_wait3A_46 = arith.constant 0 : i32
    %dma_wait3A_47 = tpu.memref_slice %arg2[%dma_wait3A_45, %dma_wait3A_46] : memref<10000x128xf32, #tpu.memory_space<hbm>> -> memref<10000x128xf32, #tpu.memory_space<hbm>>
    tpu.wait_indirect_dma semaphore(%arg22 : memref<!tpu.dma_semaphore, #tpu.memory_space<semaphore_mem>>) src(%dma_wait3A_47 : memref<10000x128xf32, #tpu.memory_space<hbm>>) dst(%arg17 : memref<80x128xf32, #tpu.memory_space<vmem>>)
    %dma_start3A_48 = arith.constant 0 : i32
    %dma_start3A_49 = arith.constant 0 : i32
    %dma_start3A_50 = tpu.memref_slice %arg19[%dma_start3A_48, %dma_start3A_49] : memref<10000x128xf32, #tpu.memory_space<vmem_shared>> -> memref<10000x128xf32, #tpu.memory_space<vmem_shared>>
    tpu.enqueue_indirect_dma source(%arg17 : memref<80x128xf32, #tpu.memory_space<vmem>>) target(%dma_start3A_50 : memref<10000x128xf32, #tpu.memory_space<vmem_shared>>) offsets(%arg13 : memref<80xi32, #tpu.memory_space<vmem>>) semaphore(%arg26 : memref<!tpu.dma_semaphore, #tpu.memory_space<semaphore_mem>>) {add = true}
    %dma_wait3A_51 = arith.constant 0 : i32
    %dma_wait3A_52 = arith.constant 0 : i32
    %dma_wait3A_53 = tpu.memref_slice %arg19[%dma_wait3A_51, %dma_wait3A_52] : memref<10000x128xf32, #tpu.memory_space<vmem_shared>> -> memref<10000x128xf32, #tpu.memory_space<vmem_shared>>
    tpu.wait_indirect_dma semaphore(%arg25 : memref<!tpu.dma_semaphore, #tpu.memory_space<semaphore_mem>>) src(%arg16 : memref<80x128xf32, #tpu.memory_space<vmem>>) dst(%dma_wait3A_53 : memref<10000x128xf32, #tpu.memory_space<vmem_shared>>)
    %add3A_54 = arith.constant 400 : i32
    %add3A_55 = arith.addi %mul3A_6, %add3A_54 : i32
    "tpu.region"() ({
      %run_scoped3A = tpu.sem_alloc : memref<!tpu.dma_semaphore, #tpu.memory_space<semaphore_mem>>
      %dma_start3A_144 = tpu.memref_slice %arg3[%add3A_55] : memref<320000xi32, #tpu.memory_space<hbm>> -> memref<80xi32, #tpu.memory_space<hbm>>
      %dma_start3A_145 = tpu.memref_slice %arg3[%add3A_55] : memref<320000xi32, #tpu.memory_space<hbm>> -> memref<80xi32, #tpu.memory_space<hbm>>
      tpu.enqueue_dma source(%dma_start3A_145 : memref<80xi32, #tpu.memory_space<hbm>>) target(%arg8 : memref<80xi32, #tpu.memory_space<vmem>>) target_semaphore(%run_scoped3A : memref<!tpu.dma_semaphore, #tpu.memory_space<semaphore_mem>>)
      %dma_wait3A_146 = tpu.memref_slice %arg3[%add3A_55] : memref<320000xi32, #tpu.memory_space<hbm>> -> memref<80xi32, #tpu.memory_space<hbm>>
      %dma_wait3A_147 = tpu.memref_slice %arg3[%add3A_55] : memref<320000xi32, #tpu.memory_space<hbm>> -> memref<80xi32, #tpu.memory_space<hbm>>
      tpu.wait_dma2 semaphore(%run_scoped3A : memref<!tpu.dma_semaphore, #tpu.memory_space<semaphore_mem>>) src(%dma_wait3A_147 : memref<80xi32, #tpu.memory_space<hbm>>) dst(%arg8 : memref<80xi32, #tpu.memory_space<vmem>>)
      tpu.yield
    }) : () -> ()
    "tpu.region"() ({
      %run_scoped3A = tpu.sem_alloc : memref<!tpu.dma_semaphore, #tpu.memory_space<semaphore_mem>>
      %dma_start3A_144 = tpu.memref_slice %arg4[%add3A_55] : memref<320000xi32, #tpu.memory_space<hbm>> -> memref<80xi32, #tpu.memory_space<hbm>>
      %dma_start3A_145 = tpu.memref_slice %arg4[%add3A_55] : memref<320000xi32, #tpu.memory_space<hbm>> -> memref<80xi32, #tpu.memory_space<hbm>>
      tpu.enqueue_dma source(%dma_start3A_145 : memref<80xi32, #tpu.memory_space<hbm>>) target(%arg12 : memref<80xi32, #tpu.memory_space<vmem>>) target_semaphore(%run_scoped3A : memref<!tpu.dma_semaphore, #tpu.memory_space<semaphore_mem>>)
      %dma_wait3A_146 = tpu.memref_slice %arg4[%add3A_55] : memref<320000xi32, #tpu.memory_space<hbm>> -> memref<80xi32, #tpu.memory_space<hbm>>
      %dma_wait3A_147 = tpu.memref_slice %arg4[%add3A_55] : memref<320000xi32, #tpu.memory_space<hbm>> -> memref<80xi32, #tpu.memory_space<hbm>>
      tpu.wait_dma2 semaphore(%run_scoped3A : memref<!tpu.dma_semaphore, #tpu.memory_space<semaphore_mem>>) src(%dma_wait3A_147 : memref<80xi32, #tpu.memory_space<hbm>>) dst(%arg12 : memref<80xi32, #tpu.memory_space<vmem>>)
      tpu.yield
    }) : () -> ()
    %dma_start3A_56 = arith.constant 0 : i32
    %dma_start3A_57 = arith.constant 0 : i32
    %dma_start3A_58 = tpu.memref_slice %arg2[%dma_start3A_56, %dma_start3A_57] : memref<10000x128xf32, #tpu.memory_space<hbm>> -> memref<10000x128xf32, #tpu.memory_space<hbm>>
    tpu.enqueue_indirect_dma source(%dma_start3A_58 : memref<10000x128xf32, #tpu.memory_space<hbm>>) target(%arg16 : memref<80x128xf32, #tpu.memory_space<vmem>>) offsets(%arg8 : memref<80xi32, #tpu.memory_space<vmem>>) semaphore(%arg21 : memref<!tpu.dma_semaphore, #tpu.memory_space<semaphore_mem>>)
    %dma_wait3A_59 = arith.constant 0 : i32
    %dma_wait3A_60 = arith.constant 0 : i32
    %dma_wait3A_61 = tpu.memref_slice %arg2[%dma_wait3A_59, %dma_wait3A_60] : memref<10000x128xf32, #tpu.memory_space<hbm>> -> memref<10000x128xf32, #tpu.memory_space<hbm>>
    tpu.wait_indirect_dma semaphore(%arg23 : memref<!tpu.dma_semaphore, #tpu.memory_space<semaphore_mem>>) src(%dma_wait3A_61 : memref<10000x128xf32, #tpu.memory_space<hbm>>) dst(%arg18 : memref<80x128xf32, #tpu.memory_space<vmem>>)
    %dma_start3A_62 = arith.constant 0 : i32
    %dma_start3A_63 = arith.constant 0 : i32
    %dma_start3A_64 = tpu.memref_slice %arg19[%dma_start3A_62, %dma_start3A_63] : memref<10000x128xf32, #tpu.memory_space<vmem_shared>> -> memref<10000x128xf32, #tpu.memory_space<vmem_shared>>
    tpu.enqueue_indirect_dma source(%arg18 : memref<80x128xf32, #tpu.memory_space<vmem>>) target(%dma_start3A_64 : memref<10000x128xf32, #tpu.memory_space<vmem_shared>>) offsets(%arg14 : memref<80xi32, #tpu.memory_space<vmem>>) semaphore(%arg27 : memref<!tpu.dma_semaphore, #tpu.memory_space<semaphore_mem>>) {add = true}
    %scan3A = arith.constant 0 : i32
    %scan3A_65 = arith.constant 0 : i32
    %scan3A_66 = arith.constant 29 : i32
    %scan3A_67 = arith.addi %scan3A_65, %scan3A_66 : i32
    %scan3A_68 = arith.constant 1 : i32
    scf.for %scan3A_144 = %scan3A_65 to %scan3A_67 step %scan3A_68  : i32 {
      %mul3A_145 = arith.constant 4 : i32
      %mul3A_146 = arith.muli %mul3A_145, %scan3A_144 : i32
      %add3A_147 = arith.constant 4 : i32
      %add3A_148 = arith.addi %add3A_147, %mul3A_146 : i32
      %add3A_149 = arith.constant 0 : i32
      %add3A_150 = arith.addi %add3A_148, %add3A_149 : i32
      %dma_wait3A_151 = arith.constant 0 : i32
      %dma_wait3A_152 = arith.constant 0 : i32
      %dma_wait3A_153 = tpu.memref_slice %arg19[%dma_wait3A_151, %dma_wait3A_152] : memref<10000x128xf32, #tpu.memory_space<vmem_shared>> -> memref<10000x128xf32, #tpu.memory_space<vmem_shared>>
      tpu.wait_indirect_dma semaphore(%arg26 : memref<!tpu.dma_semaphore, #tpu.memory_space<semaphore_mem>>) src(%arg17 : memref<80x128xf32, #tpu.memory_space<vmem>>) dst(%dma_wait3A_153 : memref<10000x128xf32, #tpu.memory_space<vmem_shared>>)
      %add3A_154 = arith.constant 2 : i32
      %add3A_155 = arith.addi %add3A_150, %add3A_154 : i32
      %mul3A_156 = arith.constant 80 : i32
      %mul3A_157 = arith.muli %add3A_155, %mul3A_156 : i32
      %add3A_158 = arith.addi %mul3A_6, %mul3A_157 : i32
      "tpu.region"() ({
        %run_scoped3A = tpu.sem_alloc : memref<!tpu.dma_semaphore, #tpu.memory_space<semaphore_mem>>
        %dma_start3A_225 = tpu.memref_slice %arg3[%add3A_158] : memref<320000xi32, #tpu.memory_space<hbm>> -> memref<80xi32, #tpu.memory_space<hbm>>
        %dma_start3A_226 = tpu.memref_slice %arg3[%add3A_158] : memref<320000xi32, #tpu.memory_space<hbm>> -> memref<80xi32, #tpu.memory_space<hbm>>
        tpu.enqueue_dma source(%dma_start3A_226 : memref<80xi32, #tpu.memory_space<hbm>>) target(%arg9 : memref<80xi32, #tpu.memory_space<vmem>>) target_semaphore(%run_scoped3A : memref<!tpu.dma_semaphore, #tpu.memory_space<semaphore_mem>>)
        %dma_wait3A_227 = tpu.memref_slice %arg3[%add3A_158] : memref<320000xi32, #tpu.memory_space<hbm>> -> memref<80xi32, #tpu.memory_space<hbm>>
        %dma_wait3A_228 = tpu.memref_slice %arg3[%add3A_158] : memref<320000xi32, #tpu.memory_space<hbm>> -> memref<80xi32, #tpu.memory_space<hbm>>
        tpu.wait_dma2 semaphore(%run_scoped3A : memref<!tpu.dma_semaphore, #tpu.memory_space<semaphore_mem>>) src(%dma_wait3A_228 : memref<80xi32, #tpu.memory_space<hbm>>) dst(%arg9 : memref<80xi32, #tpu.memory_space<vmem>>)
        tpu.yield
      }) : () -> ()
      "tpu.region"() ({
        %run_scoped3A = tpu.sem_alloc : memref<!tpu.dma_semaphore, #tpu.memory_space<semaphore_mem>>
        %dma_start3A_225 = tpu.memref_slice %arg4[%add3A_158] : memref<320000xi32, #tpu.memory_space<hbm>> -> memref<80xi32, #tpu.memory_space<hbm>>
        %dma_start3A_226 = tpu.memref_slice %arg4[%add3A_158] : memref<320000xi32, #tpu.memory_space<hbm>> -> memref<80xi32, #tpu.memory_space<hbm>>
        tpu.enqueue_dma source(%dma_start3A_226 : memref<80xi32, #tpu.memory_space<hbm>>) target(%arg13 : memref<80xi32, #tpu.memory_space<vmem>>) target_semaphore(%run_scoped3A : memref<!tpu.dma_semaphore, #tpu.memory_space<semaphore_mem>>)
        %dma_wait3A_227 = tpu.memref_slice %arg4[%add3A_158] : memref<320000xi32, #tpu.memory_space<hbm>> -> memref<80xi32, #tpu.memory_space<hbm>>
        %dma_wait3A_228 = tpu.memref_slice %arg4[%add3A_158] : memref<320000xi32, #tpu.memory_space<hbm>> -> memref<80xi32, #tpu.memory_space<hbm>>
        tpu.wait_dma2 semaphore(%run_scoped3A : memref<!tpu.dma_semaphore, #tpu.memory_space<semaphore_mem>>) src(%dma_wait3A_228 : memref<80xi32, #tpu.memory_space<hbm>>) dst(%arg13 : memref<80xi32, #tpu.memory_space<vmem>>)
        tpu.yield
      }) : () -> ()
      %dma_start3A_159 = arith.constant 0 : i32
      %dma_start3A_160 = arith.constant 0 : i32
      %dma_start3A_161 = tpu.memref_slice %arg2[%dma_start3A_159, %dma_start3A_160] : memref<10000x128xf32, #tpu.memory_space<hbm>> -> memref<10000x128xf32, #tpu.memory_space<hbm>>
      tpu.enqueue_indirect_dma source(%dma_start3A_161 : memref<10000x128xf32, #tpu.memory_space<hbm>>) target(%arg17 : memref<80x128xf32, #tpu.memory_space<vmem>>) offsets(%arg9 : memref<80xi32, #tpu.memory_space<vmem>>) semaphore(%arg22 : memref<!tpu.dma_semaphore, #tpu.memory_space<semaphore_mem>>)
      %dma_wait3A_162 = arith.constant 0 : i32
      %dma_wait3A_163 = arith.constant 0 : i32
      %dma_wait3A_164 = tpu.memref_slice %arg2[%dma_wait3A_162, %dma_wait3A_163] : memref<10000x128xf32, #tpu.memory_space<hbm>> -> memref<10000x128xf32, #tpu.memory_space<hbm>>
      tpu.wait_indirect_dma semaphore(%arg20 : memref<!tpu.dma_semaphore, #tpu.memory_space<semaphore_mem>>) src(%dma_wait3A_164 : memref<10000x128xf32, #tpu.memory_space<hbm>>) dst(%arg15 : memref<80x128xf32, #tpu.memory_space<vmem>>)
      %dma_start3A_165 = arith.constant 0 : i32
      %dma_start3A_166 = arith.constant 0 : i32
      %dma_start3A_167 = tpu.memref_slice %arg19[%dma_start3A_165, %dma_start3A_166] : memref<10000x128xf32, #tpu.memory_space<vmem_shared>> -> memref<10000x128xf32, #tpu.memory_space<vmem_shared>>
      tpu.enqueue_indirect_dma source(%arg15 : memref<80x128xf32, #tpu.memory_space<vmem>>) target(%dma_start3A_167 : memref<10000x128xf32, #tpu.memory_space<vmem_shared>>) offsets(%arg11 : memref<80xi32, #tpu.memory_space<vmem>>) semaphore(%arg24 : memref<!tpu.dma_semaphore, #tpu.memory_space<semaphore_mem>>) {add = true}
      %add3A_168 = arith.constant 1 : i32
      %add3A_169 = arith.addi %add3A_148, %add3A_168 : i32
      %dma_wait3A_170 = arith.constant 0 : i32
      %dma_wait3A_171 = arith.constant 0 : i32
      %dma_wait3A_172 = tpu.memref_slice %arg19[%dma_wait3A_170, %dma_wait3A_171] : memref<10000x128xf32, #tpu.memory_space<vmem_shared>> -> memref<10000x128xf32, #tpu.memory_space<vmem_shared>>
      tpu.wait_indirect_dma semaphore(%arg27 : memref<!tpu.dma_semaphore, #tpu.memory_space<semaphore_mem>>) src(%arg18 : memref<80x128xf32, #tpu.memory_space<vmem>>) dst(%dma_wait3A_172 : memref<10000x128xf32, #tpu.memory_space<vmem_shared>>)
      %add3A_173 = arith.constant 2 : i32
      %add3A_174 = arith.addi %add3A_169, %add3A_173 : i32
      %mul3A_175 = arith.constant 80 : i32
      %mul3A_176 = arith.muli %add3A_174, %mul3A_175 : i32
      %add3A_177 = arith.addi %mul3A_6, %mul3A_176 : i32
      "tpu.region"() ({
        %run_scoped3A = tpu.sem_alloc : memref<!tpu.dma_semaphore, #tpu.memory_space<semaphore_mem>>
        %dma_start3A_225 = tpu.memref_slice %arg3[%add3A_177] : memref<320000xi32, #tpu.memory_space<hbm>> -> memref<80xi32, #tpu.memory_space<hbm>>
        %dma_start3A_226 = tpu.memref_slice %arg3[%add3A_177] : memref<320000xi32, #tpu.memory_space<hbm>> -> memref<80xi32, #tpu.memory_space<hbm>>
        tpu.enqueue_dma source(%dma_start3A_226 : memref<80xi32, #tpu.memory_space<hbm>>) target(%arg10 : memref<80xi32, #tpu.memory_space<vmem>>) target_semaphore(%run_scoped3A : memref<!tpu.dma_semaphore, #tpu.memory_space<semaphore_mem>>)
        %dma_wait3A_227 = tpu.memref_slice %arg3[%add3A_177] : memref<320000xi32, #tpu.memory_space<hbm>> -> memref<80xi32, #tpu.memory_space<hbm>>
        %dma_wait3A_228 = tpu.memref_slice %arg3[%add3A_177] : memref<320000xi32, #tpu.memory_space<hbm>> -> memref<80xi32, #tpu.memory_space<hbm>>
        tpu.wait_dma2 semaphore(%run_scoped3A : memref<!tpu.dma_semaphore, #tpu.memory_space<semaphore_mem>>) src(%dma_wait3A_228 : memref<80xi32, #tpu.memory_space<hbm>>) dst(%arg10 : memref<80xi32, #tpu.memory_space<vmem>>)
        tpu.yield
      }) : () -> ()
      "tpu.region"() ({
        %run_scoped3A = tpu.sem_alloc : memref<!tpu.dma_semaphore, #tpu.memory_space<semaphore_mem>>
        %dma_start3A_225 = tpu.memref_slice %arg4[%add3A_177] : memref<320000xi32, #tpu.memory_space<hbm>> -> memref<80xi32, #tpu.memory_space<hbm>>
        %dma_start3A_226 = tpu.memref_slice %arg4[%add3A_177] : memref<320000xi32, #tpu.memory_space<hbm>> -> memref<80xi32, #tpu.memory_space<hbm>>
        tpu.enqueue_dma source(%dma_start3A_226 : memref<80xi32, #tpu.memory_space<hbm>>) target(%arg14 : memref<80xi32, #tpu.memory_space<vmem>>) target_semaphore(%run_scoped3A : memref<!tpu.dma_semaphore, #tpu.memory_space<semaphore_mem>>)
        %dma_wait3A_227 = tpu.memref_slice %arg4[%add3A_177] : memref<320000xi32, #tpu.memory_space<hbm>> -> memref<80xi32, #tpu.memory_space<hbm>>
        %dma_wait3A_228 = tpu.memref_slice %arg4[%add3A_177] : memref<320000xi32, #tpu.memory_space<hbm>> -> memref<80xi32, #tpu.memory_space<hbm>>
        tpu.wait_dma2 semaphore(%run_scoped3A : memref<!tpu.dma_semaphore, #tpu.memory_space<semaphore_mem>>) src(%dma_wait3A_228 : memref<80xi32, #tpu.memory_space<hbm>>) dst(%arg14 : memref<80xi32, #tpu.memory_space<vmem>>)
        tpu.yield
      }) : () -> ()
      %dma_start3A_178 = arith.constant 0 : i32
      %dma_start3A_179 = arith.constant 0 : i32
      %dma_start3A_180 = tpu.memref_slice %arg2[%dma_start3A_178, %dma_start3A_179] : memref<10000x128xf32, #tpu.memory_space<hbm>> -> memref<10000x128xf32, #tpu.memory_space<hbm>>
      tpu.enqueue_indirect_dma source(%dma_start3A_180 : memref<10000x128xf32, #tpu.memory_space<hbm>>) target(%arg18 : memref<80x128xf32, #tpu.memory_space<vmem>>) offsets(%arg10 : memref<80xi32, #tpu.memory_space<vmem>>) semaphore(%arg23 : memref<!tpu.dma_semaphore, #tpu.memory_space<semaphore_mem>>)
      %dma_wait3A_181 = arith.constant 0 : i32
      %dma_wait3A_182 = arith.constant 0 : i32
      %dma_wait3A_183 = tpu.memref_slice %arg2[%dma_wait3A_181, %dma_wait3A_182] : memref<10000x128xf32, #tpu.memory_space<hbm>> -> memref<10000x128xf32, #tpu.memory_space<hbm>>
      tpu.wait_indirect_dma semaphore(%arg21 : memref<!tpu.dma_semaphore, #tpu.memory_space<semaphore_mem>>) src(%dma_wait3A_183 : memref<10000x128xf32, #tpu.memory_space<hbm>>) dst(%arg16 : memref<80x128xf32, #tpu.memory_space<vmem>>)
      %dma_start3A_184 = arith.constant 0 : i32
      %dma_start3A_185 = arith.constant 0 : i32
      %dma_start3A_186 = tpu.memref_slice %arg19[%dma_start3A_184, %dma_start3A_185] : memref<10000x128xf32, #tpu.memory_space<vmem_shared>> -> memref<10000x128xf32, #tpu.memory_space<vmem_shared>>
      tpu.enqueue_indirect_dma source(%arg16 : memref<80x128xf32, #tpu.memory_space<vmem>>) target(%dma_start3A_186 : memref<10000x128xf32, #tpu.memory_space<vmem_shared>>) offsets(%arg12 : memref<80xi32, #tpu.memory_space<vmem>>) semaphore(%arg25 : memref<!tpu.dma_semaphore, #tpu.memory_space<semaphore_mem>>) {add = true}
      %add3A_187 = arith.constant 2 : i32
      %add3A_188 = arith.addi %add3A_148, %add3A_187 : i32
      %dma_wait3A_189 = arith.constant 0 : i32
      %dma_wait3A_190 = arith.constant 0 : i32
      %dma_wait3A_191 = tpu.memref_slice %arg19[%dma_wait3A_189, %dma_wait3A_190] : memref<10000x128xf32, #tpu.memory_space<vmem_shared>> -> memref<10000x128xf32, #tpu.memory_space<vmem_shared>>
      tpu.wait_indirect_dma semaphore(%arg24 : memref<!tpu.dma_semaphore, #tpu.memory_space<semaphore_mem>>) src(%arg15 : memref<80x128xf32, #tpu.memory_space<vmem>>) dst(%dma_wait3A_191 : memref<10000x128xf32, #tpu.memory_space<vmem_shared>>)
      %add3A_192 = arith.constant 2 : i32
      %add3A_193 = arith.addi %add3A_188, %add3A_192 : i32
      %mul3A_194 = arith.constant 80 : i32
      %mul3A_195 = arith.muli %add3A_193, %mul3A_194 : i32
      %add3A_196 = arith.addi %mul3A_6, %mul3A_195 : i32
      "tpu.region"() ({
        %run_scoped3A = tpu.sem_alloc : memref<!tpu.dma_semaphore, #tpu.memory_space<semaphore_mem>>
        %dma_start3A_225 = tpu.memref_slice %arg3[%add3A_196] : memref<320000xi32, #tpu.memory_space<hbm>> -> memref<80xi32, #tpu.memory_space<hbm>>
        %dma_start3A_226 = tpu.memref_slice %arg3[%add3A_196] : memref<320000xi32, #tpu.memory_space<hbm>> -> memref<80xi32, #tpu.memory_space<hbm>>
        tpu.enqueue_dma source(%dma_start3A_226 : memref<80xi32, #tpu.memory_space<hbm>>) target(%arg7 : memref<80xi32, #tpu.memory_space<vmem>>) target_semaphore(%run_scoped3A : memref<!tpu.dma_semaphore, #tpu.memory_space<semaphore_mem>>)
        %dma_wait3A_227 = tpu.memref_slice %arg3[%add3A_196] : memref<320000xi32, #tpu.memory_space<hbm>> -> memref<80xi32, #tpu.memory_space<hbm>>
        %dma_wait3A_228 = tpu.memref_slice %arg3[%add3A_196] : memref<320000xi32, #tpu.memory_space<hbm>> -> memref<80xi32, #tpu.memory_space<hbm>>
        tpu.wait_dma2 semaphore(%run_scoped3A : memref<!tpu.dma_semaphore, #tpu.memory_space<semaphore_mem>>) src(%dma_wait3A_228 : memref<80xi32, #tpu.memory_space<hbm>>) dst(%arg7 : memref<80xi32, #tpu.memory_space<vmem>>)
        tpu.yield
      }) : () -> ()
      "tpu.region"() ({
        %run_scoped3A = tpu.sem_alloc : memref<!tpu.dma_semaphore, #tpu.memory_space<semaphore_mem>>
        %dma_start3A_225 = tpu.memref_slice %arg4[%add3A_196] : memref<320000xi32, #tpu.memory_space<hbm>> -> memref<80xi32, #tpu.memory_space<hbm>>
        %dma_start3A_226 = tpu.memref_slice %arg4[%add3A_196] : memref<320000xi32, #tpu.memory_space<hbm>> -> memref<80xi32, #tpu.memory_space<hbm>>
        tpu.enqueue_dma source(%dma_start3A_226 : memref<80xi32, #tpu.memory_space<hbm>>) target(%arg11 : memref<80xi32, #tpu.memory_space<vmem>>) target_semaphore(%run_scoped3A : memref<!tpu.dma_semaphore, #tpu.memory_space<semaphore_mem>>)
        %dma_wait3A_227 = tpu.memref_slice %arg4[%add3A_196] : memref<320000xi32, #tpu.memory_space<hbm>> -> memref<80xi32, #tpu.memory_space<hbm>>
        %dma_wait3A_228 = tpu.memref_slice %arg4[%add3A_196] : memref<320000xi32, #tpu.memory_space<hbm>> -> memref<80xi32, #tpu.memory_space<hbm>>
        tpu.wait_dma2 semaphore(%run_scoped3A : memref<!tpu.dma_semaphore, #tpu.memory_space<semaphore_mem>>) src(%dma_wait3A_228 : memref<80xi32, #tpu.memory_space<hbm>>) dst(%arg11 : memref<80xi32, #tpu.memory_space<vmem>>)
        tpu.yield
      }) : () -> ()
      %dma_start3A_197 = arith.constant 0 : i32
      %dma_start3A_198 = arith.constant 0 : i32
      %dma_start3A_199 = tpu.memref_slice %arg2[%dma_start3A_197, %dma_start3A_198] : memref<10000x128xf32, #tpu.memory_space<hbm>> -> memref<10000x128xf32, #tpu.memory_space<hbm>>
      tpu.enqueue_indirect_dma source(%dma_start3A_199 : memref<10000x128xf32, #tpu.memory_space<hbm>>) target(%arg15 : memref<80x128xf32, #tpu.memory_space<vmem>>) offsets(%arg7 : memref<80xi32, #tpu.memory_space<vmem>>) semaphore(%arg20 : memref<!tpu.dma_semaphore, #tpu.memory_space<semaphore_mem>>)
      %dma_wait3A_200 = arith.constant 0 : i32
      %dma_wait3A_201 = arith.constant 0 : i32
      %dma_wait3A_202 = tpu.memref_slice %arg2[%dma_wait3A_200, %dma_wait3A_201] : memref<10000x128xf32, #tpu.memory_space<hbm>> -> memref<10000x128xf32, #tpu.memory_space<hbm>>
      tpu.wait_indirect_dma semaphore(%arg22 : memref<!tpu.dma_semaphore, #tpu.memory_space<semaphore_mem>>) src(%dma_wait3A_202 : memref<10000x128xf32, #tpu.memory_space<hbm>>) dst(%arg17 : memref<80x128xf32, #tpu.memory_space<vmem>>)
      %dma_start3A_203 = arith.constant 0 : i32
      %dma_start3A_204 = arith.constant 0 : i32
      %dma_start3A_205 = tpu.memref_slice %arg19[%dma_start3A_203, %dma_start3A_204] : memref<10000x128xf32, #tpu.memory_space<vmem_shared>> -> memref<10000x128xf32, #tpu.memory_space<vmem_shared>>
      tpu.enqueue_indirect_dma source(%arg17 : memref<80x128xf32, #tpu.memory_space<vmem>>) target(%dma_start3A_205 : memref<10000x128xf32, #tpu.memory_space<vmem_shared>>) offsets(%arg13 : memref<80xi32, #tpu.memory_space<vmem>>) semaphore(%arg26 : memref<!tpu.dma_semaphore, #tpu.memory_space<semaphore_mem>>) {add = true}
      %add3A_206 = arith.constant 3 : i32
      %add3A_207 = arith.addi %add3A_148, %add3A_206 : i32
      %dma_wait3A_208 = arith.constant 0 : i32
      %dma_wait3A_209 = arith.constant 0 : i32
      %dma_wait3A_210 = tpu.memref_slice %arg19[%dma_wait3A_208, %dma_wait3A_209] : memref<10000x128xf32, #tpu.memory_space<vmem_shared>> -> memref<10000x128xf32, #tpu.memory_space<vmem_shared>>
      tpu.wait_indirect_dma semaphore(%arg25 : memref<!tpu.dma_semaphore, #tpu.memory_space<semaphore_mem>>) src(%arg16 : memref<80x128xf32, #tpu.memory_space<vmem>>) dst(%dma_wait3A_210 : memref<10000x128xf32, #tpu.memory_space<vmem_shared>>)
      %add3A_211 = arith.constant 2 : i32
      %add3A_212 = arith.addi %add3A_207, %add3A_211 : i32
      %mul3A_213 = arith.constant 80 : i32
      %mul3A_214 = arith.muli %add3A_212, %mul3A_213 : i32
      %add3A_215 = arith.addi %mul3A_6, %mul3A_214 : i32
      "tpu.region"() ({
        %run_scoped3A = tpu.sem_alloc : memref<!tpu.dma_semaphore, #tpu.memory_space<semaphore_mem>>
        %dma_start3A_225 = tpu.memref_slice %arg3[%add3A_215] : memref<320000xi32, #tpu.memory_space<hbm>> -> memref<80xi32, #tpu.memory_space<hbm>>
        %dma_start3A_226 = tpu.memref_slice %arg3[%add3A_215] : memref<320000xi32, #tpu.memory_space<hbm>> -> memref<80xi32, #tpu.memory_space<hbm>>
        tpu.enqueue_dma source(%dma_start3A_226 : memref<80xi32, #tpu.memory_space<hbm>>) target(%arg8 : memref<80xi32, #tpu.memory_space<vmem>>) target_semaphore(%run_scoped3A : memref<!tpu.dma_semaphore, #tpu.memory_space<semaphore_mem>>)
        %dma_wait3A_227 = tpu.memref_slice %arg3[%add3A_215] : memref<320000xi32, #tpu.memory_space<hbm>> -> memref<80xi32, #tpu.memory_space<hbm>>
        %dma_wait3A_228 = tpu.memref_slice %arg3[%add3A_215] : memref<320000xi32, #tpu.memory_space<hbm>> -> memref<80xi32, #tpu.memory_space<hbm>>
        tpu.wait_dma2 semaphore(%run_scoped3A : memref<!tpu.dma_semaphore, #tpu.memory_space<semaphore_mem>>) src(%dma_wait3A_228 : memref<80xi32, #tpu.memory_space<hbm>>) dst(%arg8 : memref<80xi32, #tpu.memory_space<vmem>>)
        tpu.yield
      }) : () -> ()
      "tpu.region"() ({
        %run_scoped3A = tpu.sem_alloc : memref<!tpu.dma_semaphore, #tpu.memory_space<semaphore_mem>>
        %dma_start3A_225 = tpu.memref_slice %arg4[%add3A_215] : memref<320000xi32, #tpu.memory_space<hbm>> -> memref<80xi32, #tpu.memory_space<hbm>>
        %dma_start3A_226 = tpu.memref_slice %arg4[%add3A_215] : memref<320000xi32, #tpu.memory_space<hbm>> -> memref<80xi32, #tpu.memory_space<hbm>>
        tpu.enqueue_dma source(%dma_start3A_226 : memref<80xi32, #tpu.memory_space<hbm>>) target(%arg12 : memref<80xi32, #tpu.memory_space<vmem>>) target_semaphore(%run_scoped3A : memref<!tpu.dma_semaphore, #tpu.memory_space<semaphore_mem>>)
        %dma_wait3A_227 = tpu.memref_slice %arg4[%add3A_215] : memref<320000xi32, #tpu.memory_space<hbm>> -> memref<80xi32, #tpu.memory_space<hbm>>
        %dma_wait3A_228 = tpu.memref_slice %arg4[%add3A_215] : memref<320000xi32, #tpu.memory_space<hbm>> -> memref<80xi32, #tpu.memory_space<hbm>>
        tpu.wait_dma2 semaphore(%run_scoped3A : memref<!tpu.dma_semaphore, #tpu.memory_space<semaphore_mem>>) src(%dma_wait3A_228 : memref<80xi32, #tpu.memory_space<hbm>>) dst(%arg12 : memref<80xi32, #tpu.memory_space<vmem>>)
        tpu.yield
      }) : () -> ()
      %dma_start3A_216 = arith.constant 0 : i32
      %dma_start3A_217 = arith.constant 0 : i32
      %dma_start3A_218 = tpu.memref_slice %arg2[%dma_start3A_216, %dma_start3A_217] : memref<10000x128xf32, #tpu.memory_space<hbm>> -> memref<10000x128xf32, #tpu.memory_space<hbm>>
      tpu.enqueue_indirect_dma source(%dma_start3A_218 : memref<10000x128xf32, #tpu.memory_space<hbm>>) target(%arg16 : memref<80x128xf32, #tpu.memory_space<vmem>>) offsets(%arg8 : memref<80xi32, #tpu.memory_space<vmem>>) semaphore(%arg21 : memref<!tpu.dma_semaphore, #tpu.memory_space<semaphore_mem>>)
      %dma_wait3A_219 = arith.constant 0 : i32
      %dma_wait3A_220 = arith.constant 0 : i32
      %dma_wait3A_221 = tpu.memref_slice %arg2[%dma_wait3A_219, %dma_wait3A_220] : memref<10000x128xf32, #tpu.memory_space<hbm>> -> memref<10000x128xf32, #tpu.memory_space<hbm>>
      tpu.wait_indirect_dma semaphore(%arg23 : memref<!tpu.dma_semaphore, #tpu.memory_space<semaphore_mem>>) src(%dma_wait3A_221 : memref<10000x128xf32, #tpu.memory_space<hbm>>) dst(%arg18 : memref<80x128xf32, #tpu.memory_space<vmem>>)
      %dma_start3A_222 = arith.constant 0 : i32
      %dma_start3A_223 = arith.constant 0 : i32
      %dma_start3A_224 = tpu.memref_slice %arg19[%dma_start3A_222, %dma_start3A_223] : memref<10000x128xf32, #tpu.memory_space<vmem_shared>> -> memref<10000x128xf32, #tpu.memory_space<vmem_shared>>
      tpu.enqueue_indirect_dma source(%arg18 : memref<80x128xf32, #tpu.memory_space<vmem>>) target(%dma_start3A_224 : memref<10000x128xf32, #tpu.memory_space<vmem_shared>>) offsets(%arg14 : memref<80xi32, #tpu.memory_space<vmem>>) semaphore(%arg27 : memref<!tpu.dma_semaphore, #tpu.memory_space<semaphore_mem>>) {add = true}
    }
    %scan3A_69 = arith.constant 29 : i32
    %dma_wait3A_70 = arith.constant 0 : i32
    %dma_wait3A_71 = arith.constant 0 : i32
    %dma_wait3A_72 = tpu.memref_slice %arg19[%dma_wait3A_70, %dma_wait3A_71] : memref<10000x128xf32, #tpu.memory_space<vmem_shared>> -> memref<10000x128xf32, #tpu.memory_space<vmem_shared>>
    tpu.wait_indirect_dma semaphore(%arg26 : memref<!tpu.dma_semaphore, #tpu.memory_space<semaphore_mem>>) src(%arg17 : memref<80x128xf32, #tpu.memory_space<vmem>>) dst(%dma_wait3A_72 : memref<10000x128xf32, #tpu.memory_space<vmem_shared>>)
    %add3A_73 = arith.constant 9760 : i32
    %add3A_74 = arith.addi %mul3A_6, %add3A_73 : i32
    "tpu.region"() ({
      %run_scoped3A = tpu.sem_alloc : memref<!tpu.dma_semaphore, #tpu.memory_space<semaphore_mem>>
      %dma_start3A_144 = tpu.memref_slice %arg3[%add3A_74] : memref<320000xi32, #tpu.memory_space<hbm>> -> memref<80xi32, #tpu.memory_space<hbm>>
      %dma_start3A_145 = tpu.memref_slice %arg3[%add3A_74] : memref<320000xi32, #tpu.memory_space<hbm>> -> memref<80xi32, #tpu.memory_space<hbm>>
      tpu.enqueue_dma source(%dma_start3A_145 : memref<80xi32, #tpu.memory_space<hbm>>) target(%arg9 : memref<80xi32, #tpu.memory_space<vmem>>) target_semaphore(%run_scoped3A : memref<!tpu.dma_semaphore, #tpu.memory_space<semaphore_mem>>)
      %dma_wait3A_146 = tpu.memref_slice %arg3[%add3A_74] : memref<320000xi32, #tpu.memory_space<hbm>> -> memref<80xi32, #tpu.memory_space<hbm>>
      %dma_wait3A_147 = tpu.memref_slice %arg3[%add3A_74] : memref<320000xi32, #tpu.memory_space<hbm>> -> memref<80xi32, #tpu.memory_space<hbm>>
      tpu.wait_dma2 semaphore(%run_scoped3A : memref<!tpu.dma_semaphore, #tpu.memory_space<semaphore_mem>>) src(%dma_wait3A_147 : memref<80xi32, #tpu.memory_space<hbm>>) dst(%arg9 : memref<80xi32, #tpu.memory_space<vmem>>)
      tpu.yield
    }) : () -> ()
    "tpu.region"() ({
      %run_scoped3A = tpu.sem_alloc : memref<!tpu.dma_semaphore, #tpu.memory_space<semaphore_mem>>
      %dma_start3A_144 = tpu.memref_slice %arg4[%add3A_74] : memref<320000xi32, #tpu.memory_space<hbm>> -> memref<80xi32, #tpu.memory_space<hbm>>
      %dma_start3A_145 = tpu.memref_slice %arg4[%add3A_74] : memref<320000xi32, #tpu.memory_space<hbm>> -> memref<80xi32, #tpu.memory_space<hbm>>
      tpu.enqueue_dma source(%dma_start3A_145 : memref<80xi32, #tpu.memory_space<hbm>>) target(%arg13 : memref<80xi32, #tpu.memory_space<vmem>>) target_semaphore(%run_scoped3A : memref<!tpu.dma_semaphore, #tpu.memory_space<semaphore_mem>>)
      %dma_wait3A_146 = tpu.memref_slice %arg4[%add3A_74] : memref<320000xi32, #tpu.memory_space<hbm>> -> memref<80xi32, #tpu.memory_space<hbm>>
      %dma_wait3A_147 = tpu.memref_slice %arg4[%add3A_74] : memref<320000xi32, #tpu.memory_space<hbm>> -> memref<80xi32, #tpu.memory_space<hbm>>
      tpu.wait_dma2 semaphore(%run_scoped3A : memref<!tpu.dma_semaphore, #tpu.memory_space<semaphore_mem>>) src(%dma_wait3A_147 : memref<80xi32, #tpu.memory_space<hbm>>) dst(%arg13 : memref<80xi32, #tpu.memory_space<vmem>>)
      tpu.yield
    }) : () -> ()
    %dma_start3A_75 = arith.constant 0 : i32
    %dma_start3A_76 = arith.constant 0 : i32
    %dma_start3A_77 = tpu.memref_slice %arg2[%dma_start3A_75, %dma_start3A_76] : memref<10000x128xf32, #tpu.memory_space<hbm>> -> memref<10000x128xf32, #tpu.memory_space<hbm>>
    tpu.enqueue_indirect_dma source(%dma_start3A_77 : memref<10000x128xf32, #tpu.memory_space<hbm>>) target(%arg17 : memref<80x128xf32, #tpu.memory_space<vmem>>) offsets(%arg9 : memref<80xi32, #tpu.memory_space<vmem>>) semaphore(%arg22 : memref<!tpu.dma_semaphore, #tpu.memory_space<semaphore_mem>>)
    %dma_wait3A_78 = arith.constant 0 : i32
    %dma_wait3A_79 = arith.constant 0 : i32
    %dma_wait3A_80 = tpu.memref_slice %arg2[%dma_wait3A_78, %dma_wait3A_79] : memref<10000x128xf32, #tpu.memory_space<hbm>> -> memref<10000x128xf32, #tpu.memory_space<hbm>>
    tpu.wait_indirect_dma semaphore(%arg20 : memref<!tpu.dma_semaphore, #tpu.memory_space<semaphore_mem>>) src(%dma_wait3A_80 : memref<10000x128xf32, #tpu.memory_space<hbm>>) dst(%arg15 : memref<80x128xf32, #tpu.memory_space<vmem>>)
    %dma_start3A_81 = arith.constant 0 : i32
    %dma_start3A_82 = arith.constant 0 : i32
    %dma_start3A_83 = tpu.memref_slice %arg19[%dma_start3A_81, %dma_start3A_82] : memref<10000x128xf32, #tpu.memory_space<vmem_shared>> -> memref<10000x128xf32, #tpu.memory_space<vmem_shared>>
    tpu.enqueue_indirect_dma source(%arg15 : memref<80x128xf32, #tpu.memory_space<vmem>>) target(%dma_start3A_83 : memref<10000x128xf32, #tpu.memory_space<vmem_shared>>) offsets(%arg11 : memref<80xi32, #tpu.memory_space<vmem>>) semaphore(%arg24 : memref<!tpu.dma_semaphore, #tpu.memory_space<semaphore_mem>>) {add = true}
    %dma_wait3A_84 = arith.constant 0 : i32
    %dma_wait3A_85 = arith.constant 0 : i32
    %dma_wait3A_86 = tpu.memref_slice %arg19[%dma_wait3A_84, %dma_wait3A_85] : memref<10000x128xf32, #tpu.memory_space<vmem_shared>> -> memref<10000x128xf32, #tpu.memory_space<vmem_shared>>
    tpu.wait_indirect_dma semaphore(%arg27 : memref<!tpu.dma_semaphore, #tpu.memory_space<semaphore_mem>>) src(%arg18 : memref<80x128xf32, #tpu.memory_space<vmem>>) dst(%dma_wait3A_86 : memref<10000x128xf32, #tpu.memory_space<vmem_shared>>)
    %add3A_87 = arith.constant 9840 : i32
    %add3A_88 = arith.addi %mul3A_6, %add3A_87 : i32
    "tpu.region"() ({
      %run_scoped3A = tpu.sem_alloc : memref<!tpu.dma_semaphore, #tpu.memory_space<semaphore_mem>>
      %dma_start3A_144 = tpu.memref_slice %arg3[%add3A_88] : memref<320000xi32, #tpu.memory_space<hbm>> -> memref<80xi32, #tpu.memory_space<hbm>>
      %dma_start3A_145 = tpu.memref_slice %arg3[%add3A_88] : memref<320000xi32, #tpu.memory_space<hbm>> -> memref<80xi32, #tpu.memory_space<hbm>>
      tpu.enqueue_dma source(%dma_start3A_145 : memref<80xi32, #tpu.memory_space<hbm>>) target(%arg10 : memref<80xi32, #tpu.memory_space<vmem>>) target_semaphore(%run_scoped3A : memref<!tpu.dma_semaphore, #tpu.memory_space<semaphore_mem>>)
      %dma_wait3A_146 = tpu.memref_slice %arg3[%add3A_88] : memref<320000xi32, #tpu.memory_space<hbm>> -> memref<80xi32, #tpu.memory_space<hbm>>
      %dma_wait3A_147 = tpu.memref_slice %arg3[%add3A_88] : memref<320000xi32, #tpu.memory_space<hbm>> -> memref<80xi32, #tpu.memory_space<hbm>>
      tpu.wait_dma2 semaphore(%run_scoped3A : memref<!tpu.dma_semaphore, #tpu.memory_space<semaphore_mem>>) src(%dma_wait3A_147 : memref<80xi32, #tpu.memory_space<hbm>>) dst(%arg10 : memref<80xi32, #tpu.memory_space<vmem>>)
      tpu.yield
    }) : () -> ()
    "tpu.region"() ({
      %run_scoped3A = tpu.sem_alloc : memref<!tpu.dma_semaphore, #tpu.memory_space<semaphore_mem>>
      %dma_start3A_144 = tpu.memref_slice %arg4[%add3A_88] : memref<320000xi32, #tpu.memory_space<hbm>> -> memref<80xi32, #tpu.memory_space<hbm>>
      %dma_start3A_145 = tpu.memref_slice %arg4[%add3A_88] : memref<320000xi32, #tpu.memory_space<hbm>> -> memref<80xi32, #tpu.memory_space<hbm>>
      tpu.enqueue_dma source(%dma_start3A_145 : memref<80xi32, #tpu.memory_space<hbm>>) target(%arg14 : memref<80xi32, #tpu.memory_space<vmem>>) target_semaphore(%run_scoped3A : memref<!tpu.dma_semaphore, #tpu.memory_space<semaphore_mem>>)
      %dma_wait3A_146 = tpu.memref_slice %arg4[%add3A_88] : memref<320000xi32, #tpu.memory_space<hbm>> -> memref<80xi32, #tpu.memory_space<hbm>>
      %dma_wait3A_147 = tpu.memref_slice %arg4[%add3A_88] : memref<320000xi32, #tpu.memory_space<hbm>> -> memref<80xi32, #tpu.memory_space<hbm>>
      tpu.wait_dma2 semaphore(%run_scoped3A : memref<!tpu.dma_semaphore, #tpu.memory_space<semaphore_mem>>) src(%dma_wait3A_147 : memref<80xi32, #tpu.memory_space<hbm>>) dst(%arg14 : memref<80xi32, #tpu.memory_space<vmem>>)
      tpu.yield
    }) : () -> ()
    %dma_start3A_89 = arith.constant 0 : i32
    %dma_start3A_90 = arith.constant 0 : i32
    %dma_start3A_91 = tpu.memref_slice %arg2[%dma_start3A_89, %dma_start3A_90] : memref<10000x128xf32, #tpu.memory_space<hbm>> -> memref<10000x128xf32, #tpu.memory_space<hbm>>
    tpu.enqueue_indirect_dma source(%dma_start3A_91 : memref<10000x128xf32, #tpu.memory_space<hbm>>) target(%arg18 : memref<80x128xf32, #tpu.memory_space<vmem>>) offsets(%arg10 : memref<80xi32, #tpu.memory_space<vmem>>) semaphore(%arg23 : memref<!tpu.dma_semaphore, #tpu.memory_space<semaphore_mem>>)
    %dma_wait3A_92 = arith.constant 0 : i32
    %dma_wait3A_93 = arith.constant 0 : i32
    %dma_wait3A_94 = tpu.memref_slice %arg2[%dma_wait3A_92, %dma_wait3A_93] : memref<10000x128xf32, #tpu.memory_space<hbm>> -> memref<10000x128xf32, #tpu.memory_space<hbm>>
    tpu.wait_indirect_dma semaphore(%arg21 : memref<!tpu.dma_semaphore, #tpu.memory_space<semaphore_mem>>) src(%dma_wait3A_94 : memref<10000x128xf32, #tpu.memory_space<hbm>>) dst(%arg16 : memref<80x128xf32, #tpu.memory_space<vmem>>)
    %dma_start3A_95 = arith.constant 0 : i32
    %dma_start3A_96 = arith.constant 0 : i32
    %dma_start3A_97 = tpu.memref_slice %arg19[%dma_start3A_95, %dma_start3A_96] : memref<10000x128xf32, #tpu.memory_space<vmem_shared>> -> memref<10000x128xf32, #tpu.memory_space<vmem_shared>>
    tpu.enqueue_indirect_dma source(%arg16 : memref<80x128xf32, #tpu.memory_space<vmem>>) target(%dma_start3A_97 : memref<10000x128xf32, #tpu.memory_space<vmem_shared>>) offsets(%arg12 : memref<80xi32, #tpu.memory_space<vmem>>) semaphore(%arg25 : memref<!tpu.dma_semaphore, #tpu.memory_space<semaphore_mem>>) {add = true}
    %dma_wait3A_98 = arith.constant 0 : i32
    %dma_wait3A_99 = arith.constant 0 : i32
    %dma_wait3A_100 = tpu.memref_slice %arg19[%dma_wait3A_98, %dma_wait3A_99] : memref<10000x128xf32, #tpu.memory_space<vmem_shared>> -> memref<10000x128xf32, #tpu.memory_space<vmem_shared>>
    tpu.wait_indirect_dma semaphore(%arg24 : memref<!tpu.dma_semaphore, #tpu.memory_space<semaphore_mem>>) src(%arg15 : memref<80x128xf32, #tpu.memory_space<vmem>>) dst(%dma_wait3A_100 : memref<10000x128xf32, #tpu.memory_space<vmem_shared>>)
    %add3A_101 = arith.constant 9920 : i32
    %add3A_102 = arith.addi %mul3A_6, %add3A_101 : i32
    "tpu.region"() ({
      %run_scoped3A = tpu.sem_alloc : memref<!tpu.dma_semaphore, #tpu.memory_space<semaphore_mem>>
      %dma_start3A_144 = tpu.memref_slice %arg3[%add3A_102] : memref<320000xi32, #tpu.memory_space<hbm>> -> memref<80xi32, #tpu.memory_space<hbm>>
      %dma_start3A_145 = tpu.memref_slice %arg3[%add3A_102] : memref<320000xi32, #tpu.memory_space<hbm>> -> memref<80xi32, #tpu.memory_space<hbm>>
      tpu.enqueue_dma source(%dma_start3A_145 : memref<80xi32, #tpu.memory_space<hbm>>) target(%arg7 : memref<80xi32, #tpu.memory_space<vmem>>) target_semaphore(%run_scoped3A : memref<!tpu.dma_semaphore, #tpu.memory_space<semaphore_mem>>)
      %dma_wait3A_146 = tpu.memref_slice %arg3[%add3A_102] : memref<320000xi32, #tpu.memory_space<hbm>> -> memref<80xi32, #tpu.memory_space<hbm>>
      %dma_wait3A_147 = tpu.memref_slice %arg3[%add3A_102] : memref<320000xi32, #tpu.memory_space<hbm>> -> memref<80xi32, #tpu.memory_space<hbm>>
      tpu.wait_dma2 semaphore(%run_scoped3A : memref<!tpu.dma_semaphore, #tpu.memory_space<semaphore_mem>>) src(%dma_wait3A_147 : memref<80xi32, #tpu.memory_space<hbm>>) dst(%arg7 : memref<80xi32, #tpu.memory_space<vmem>>)
      tpu.yield
    }) : () -> ()
    "tpu.region"() ({
      %run_scoped3A = tpu.sem_alloc : memref<!tpu.dma_semaphore, #tpu.memory_space<semaphore_mem>>
      %dma_start3A_144 = tpu.memref_slice %arg4[%add3A_102] : memref<320000xi32, #tpu.memory_space<hbm>> -> memref<80xi32, #tpu.memory_space<hbm>>
      %dma_start3A_145 = tpu.memref_slice %arg4[%add3A_102] : memref<320000xi32, #tpu.memory_space<hbm>> -> memref<80xi32, #tpu.memory_space<hbm>>
      tpu.enqueue_dma source(%dma_start3A_145 : memref<80xi32, #tpu.memory_space<hbm>>) target(%arg11 : memref<80xi32, #tpu.memory_space<vmem>>) target_semaphore(%run_scoped3A : memref<!tpu.dma_semaphore, #tpu.memory_space<semaphore_mem>>)
      %dma_wait3A_146 = tpu.memref_slice %arg4[%add3A_102] : memref<320000xi32, #tpu.memory_space<hbm>> -> memref<80xi32, #tpu.memory_space<hbm>>
      %dma_wait3A_147 = tpu.memref_slice %arg4[%add3A_102] : memref<320000xi32, #tpu.memory_space<hbm>> -> memref<80xi32, #tpu.memory_space<hbm>>
      tpu.wait_dma2 semaphore(%run_scoped3A : memref<!tpu.dma_semaphore, #tpu.memory_space<semaphore_mem>>) src(%dma_wait3A_147 : memref<80xi32, #tpu.memory_space<hbm>>) dst(%arg11 : memref<80xi32, #tpu.memory_space<vmem>>)
      tpu.yield
    }) : () -> ()
    %dma_start3A_103 = arith.constant 0 : i32
    %dma_start3A_104 = arith.constant 0 : i32
    %dma_start3A_105 = tpu.memref_slice %arg2[%dma_start3A_103, %dma_start3A_104] : memref<10000x128xf32, #tpu.memory_space<hbm>> -> memref<10000x128xf32, #tpu.memory_space<hbm>>
    tpu.enqueue_indirect_dma source(%dma_start3A_105 : memref<10000x128xf32, #tpu.memory_space<hbm>>) target(%arg15 : memref<80x128xf32, #tpu.memory_space<vmem>>) offsets(%arg7 : memref<80xi32, #tpu.memory_space<vmem>>) semaphore(%arg20 : memref<!tpu.dma_semaphore, #tpu.memory_space<semaphore_mem>>)
    %dma_wait3A_106 = arith.constant 0 : i32
    %dma_wait3A_107 = arith.constant 0 : i32
    %dma_wait3A_108 = tpu.memref_slice %arg2[%dma_wait3A_106, %dma_wait3A_107] : memref<10000x128xf32, #tpu.memory_space<hbm>> -> memref<10000x128xf32, #tpu.memory_space<hbm>>
    tpu.wait_indirect_dma semaphore(%arg22 : memref<!tpu.dma_semaphore, #tpu.memory_space<semaphore_mem>>) src(%dma_wait3A_108 : memref<10000x128xf32, #tpu.memory_space<hbm>>) dst(%arg17 : memref<80x128xf32, #tpu.memory_space<vmem>>)
    %dma_start3A_109 = arith.constant 0 : i32
    %dma_start3A_110 = arith.constant 0 : i32
    %dma_start3A_111 = tpu.memref_slice %arg19[%dma_start3A_109, %dma_start3A_110] : memref<10000x128xf32, #tpu.memory_space<vmem_shared>> -> memref<10000x128xf32, #tpu.memory_space<vmem_shared>>
    tpu.enqueue_indirect_dma source(%arg17 : memref<80x128xf32, #tpu.memory_space<vmem>>) target(%dma_start3A_111 : memref<10000x128xf32, #tpu.memory_space<vmem_shared>>) offsets(%arg13 : memref<80xi32, #tpu.memory_space<vmem>>) semaphore(%arg26 : memref<!tpu.dma_semaphore, #tpu.memory_space<semaphore_mem>>) {add = true}
    %dma_wait3A_112 = arith.constant 0 : i32
    %dma_wait3A_113 = arith.constant 0 : i32
    %dma_wait3A_114 = tpu.memref_slice %arg2[%dma_wait3A_112, %dma_wait3A_113] : memref<10000x128xf32, #tpu.memory_space<hbm>> -> memref<10000x128xf32, #tpu.memory_space<hbm>>
    tpu.wait_indirect_dma semaphore(%arg23 : memref<!tpu.dma_semaphore, #tpu.memory_space<semaphore_mem>>) src(%dma_wait3A_114 : memref<10000x128xf32, #tpu.memory_space<hbm>>) dst(%arg18 : memref<80x128xf32, #tpu.memory_space<vmem>>)
    %dma_start3A_115 = arith.constant 0 : i32
    %dma_start3A_116 = arith.constant 0 : i32
    %dma_start3A_117 = tpu.memref_slice %arg19[%dma_start3A_115, %dma_start3A_116] : memref<10000x128xf32, #tpu.memory_space<vmem_shared>> -> memref<10000x128xf32, #tpu.memory_space<vmem_shared>>
    tpu.enqueue_indirect_dma source(%arg18 : memref<80x128xf32, #tpu.memory_space<vmem>>) target(%dma_start3A_117 : memref<10000x128xf32, #tpu.memory_space<vmem_shared>>) offsets(%arg14 : memref<80xi32, #tpu.memory_space<vmem>>) semaphore(%arg27 : memref<!tpu.dma_semaphore, #tpu.memory_space<semaphore_mem>>) {add = true}
    %dma_wait3A_118 = arith.constant 0 : i32
    %dma_wait3A_119 = arith.constant 0 : i32
    %dma_wait3A_120 = tpu.memref_slice %arg2[%dma_wait3A_118, %dma_wait3A_119] : memref<10000x128xf32, #tpu.memory_space<hbm>> -> memref<10000x128xf32, #tpu.memory_space<hbm>>
    tpu.wait_indirect_dma semaphore(%arg20 : memref<!tpu.dma_semaphore, #tpu.memory_space<semaphore_mem>>) src(%dma_wait3A_120 : memref<10000x128xf32, #tpu.memory_space<hbm>>) dst(%arg15 : memref<80x128xf32, #tpu.memory_space<vmem>>)
    %dma_start3A_121 = arith.constant 0 : i32
    %dma_start3A_122 = arith.constant 0 : i32
    %dma_start3A_123 = tpu.memref_slice %arg19[%dma_start3A_121, %dma_start3A_122] : memref<10000x128xf32, #tpu.memory_space<vmem_shared>> -> memref<10000x128xf32, #tpu.memory_space<vmem_shared>>
    tpu.enqueue_indirect_dma source(%arg15 : memref<80x128xf32, #tpu.memory_space<vmem>>) target(%dma_start3A_123 : memref<10000x128xf32, #tpu.memory_space<vmem_shared>>) offsets(%arg11 : memref<80xi32, #tpu.memory_space<vmem>>) semaphore(%arg24 : memref<!tpu.dma_semaphore, #tpu.memory_space<semaphore_mem>>) {add = true}
    %dma_wait3A_124 = arith.constant 0 : i32
    %dma_wait3A_125 = arith.constant 0 : i32
    %dma_wait3A_126 = tpu.memref_slice %arg19[%dma_wait3A_124, %dma_wait3A_125] : memref<10000x128xf32, #tpu.memory_space<vmem_shared>> -> memref<10000x128xf32, #tpu.memory_space<vmem_shared>>
    tpu.wait_indirect_dma semaphore(%arg25 : memref<!tpu.dma_semaphore, #tpu.memory_space<semaphore_mem>>) src(%arg16 : memref<80x128xf32, #tpu.memory_space<vmem>>) dst(%dma_wait3A_126 : memref<10000x128xf32, #tpu.memory_space<vmem_shared>>)
    %dma_wait3A_127 = arith.constant 0 : i32
    %dma_wait3A_128 = arith.constant 0 : i32
    %dma_wait3A_129 = tpu.memref_slice %arg19[%dma_wait3A_127, %dma_wait3A_128] : memref<10000x128xf32, #tpu.memory_space<vmem_shared>> -> memref<10000x128xf32, #tpu.memory_space<vmem_shared>>
    tpu.wait_indirect_dma semaphore(%arg26 : memref<!tpu.dma_semaphore, #tpu.memory_space<semaphore_mem>>) src(%arg17 : memref<80x128xf32, #tpu.memory_space<vmem>>) dst(%dma_wait3A_129 : memref<10000x128xf32, #tpu.memory_space<vmem_shared>>)
    %dma_wait3A_130 = arith.constant 0 : i32
    %dma_wait3A_131 = arith.constant 0 : i32
    %dma_wait3A_132 = tpu.memref_slice %arg19[%dma_wait3A_130, %dma_wait3A_131] : memref<10000x128xf32, #tpu.memory_space<vmem_shared>> -> memref<10000x128xf32, #tpu.memory_space<vmem_shared>>
    tpu.wait_indirect_dma semaphore(%arg27 : memref<!tpu.dma_semaphore, #tpu.memory_space<semaphore_mem>>) src(%arg18 : memref<80x128xf32, #tpu.memory_space<vmem>>) dst(%dma_wait3A_132 : memref<10000x128xf32, #tpu.memory_space<vmem_shared>>)
    %dma_wait3A_133 = arith.constant 0 : i32
    %dma_wait3A_134 = arith.constant 0 : i32
    %dma_wait3A_135 = tpu.memref_slice %arg19[%dma_wait3A_133, %dma_wait3A_134] : memref<10000x128xf32, #tpu.memory_space<vmem_shared>> -> memref<10000x128xf32, #tpu.memory_space<vmem_shared>>
    tpu.wait_indirect_dma semaphore(%arg24 : memref<!tpu.dma_semaphore, #tpu.memory_space<semaphore_mem>>) src(%arg15 : memref<80x128xf32, #tpu.memory_space<vmem>>) dst(%dma_wait3A_135 : memref<10000x128xf32, #tpu.memory_space<vmem_shared>>)
    %barrier3A_136 = arith.constant 0 : index
    tpu.barrier barrier_id(%barrier3A_136)
    %mul3A_137 = arith.constant 624 : i32
    %mul3A_138 = arith.muli %arg1, %mul3A_137 : i32
    "tpu.region"() ({
      %run_scoped3A = tpu.sem_alloc : memref<!tpu.dma_semaphore, #tpu.memory_space<semaphore_mem>>
      %dma_start3A_144 = arith.constant 0 : i32
      %dma_start3A_145 = tpu.memref_slice %arg6[%arg0, %mul3A_138, %dma_start3A_144] : memref<2x10000x128xf32, #tpu.memory_space<hbm>> -> memref<1x624x128xf32, #tpu.memory_space<hbm>>
      %dma_start3A_146 = tpu.memref_squeeze %dma_start3A_145 : memref<1x624x128xf32, #tpu.memory_space<hbm>> -> memref<624x128xf32, #tpu.memory_space<hbm>>
      %dma_start3A_147 = arith.constant 0 : i32
      %dma_start3A_148 = tpu.memref_slice %arg19[%mul3A_138, %dma_start3A_147] : memref<10000x128xf32, #tpu.memory_space<vmem_shared>> -> memref<624x128xf32, #tpu.memory_space<vmem_shared>>
      tpu.enqueue_dma source(%dma_start3A_148 : memref<624x128xf32, #tpu.memory_space<vmem_shared>>) target(%dma_start3A_146 : memref<624x128xf32, #tpu.memory_space<hbm>>) target_semaphore(%run_scoped3A : memref<!tpu.dma_semaphore, #tpu.memory_space<semaphore_mem>>)
      %dma_wait3A_149 = arith.constant 0 : i32
      %dma_wait3A_150 = tpu.memref_slice %arg6[%arg0, %mul3A_138, %dma_wait3A_149] : memref<2x10000x128xf32, #tpu.memory_space<hbm>> -> memref<1x624x128xf32, #tpu.memory_space<hbm>>
      %dma_wait3A_151 = tpu.memref_squeeze %dma_wait3A_150 : memref<1x624x128xf32, #tpu.memory_space<hbm>> -> memref<624x128xf32, #tpu.memory_space<hbm>>
      %dma_wait3A_152 = arith.constant 0 : i32
      %dma_wait3A_153 = tpu.memref_slice %arg19[%mul3A_138, %dma_wait3A_152] : memref<10000x128xf32, #tpu.memory_space<vmem_shared>> -> memref<624x128xf32, #tpu.memory_space<vmem_shared>>
      tpu.wait_dma2 semaphore(%run_scoped3A : memref<!tpu.dma_semaphore, #tpu.memory_space<semaphore_mem>>) src(%dma_wait3A_153 : memref<624x128xf32, #tpu.memory_space<vmem_shared>>) dst(%dma_wait3A_151 : memref<624x128xf32, #tpu.memory_space<hbm>>)
      tpu.yield
    }) : () -> ()
    %eq3A_139 = arith.constant 15 : i32
    %eq3A_140 = arith.cmpi eq, %arg1, %eq3A_139 : i32
    %convert_element_type3A_141 = arith.extui %eq3A_140 : i1 to i32
    %cond3A_142 = arith.constant 0 : i32
    %cond3A_143 = arith.cmpi ne, %convert_element_type3A_141, %cond3A_142 : i32
    scf.if %cond3A_143 {
      "tpu.region"() ({
        %run_scoped3A = tpu.sem_alloc : memref<!tpu.dma_semaphore, #tpu.memory_space<semaphore_mem>>
        %dma_start3A_144 = arith.constant 9984 : i32
        %dma_start3A_145 = arith.constant 0 : i32
        %dma_start3A_146 = tpu.memref_slice %arg6[%arg0, %dma_start3A_144, %dma_start3A_145] : memref<2x10000x128xf32, #tpu.memory_space<hbm>> -> memref<1x16x128xf32, #tpu.memory_space<hbm>>
        %dma_start3A_147 = tpu.memref_squeeze %dma_start3A_146 : memref<1x16x128xf32, #tpu.memory_space<hbm>> -> memref<16x128xf32, #tpu.memory_space<hbm>>
        %dma_start3A_148 = arith.constant 9984 : i32
        %dma_start3A_149 = arith.constant 0 : i32
        %dma_start3A_150 = tpu.memref_slice %arg19[%dma_start3A_148, %dma_start3A_149] : memref<10000x128xf32, #tpu.memory_space<vmem_shared>> -> memref<16x128xf32, #tpu.memory_space<vmem_shared>>
        tpu.enqueue_dma source(%dma_start3A_150 : memref<16x128xf32, #tpu.memory_space<vmem_shared>>) target(%dma_start3A_147 : memref<16x128xf32, #tpu.memory_space<hbm>>) target_semaphore(%run_scoped3A : memref<!tpu.dma_semaphore, #tpu.memory_space<semaphore_mem>>)
        %dma_wait3A_151 = arith.constant 9984 : i32
        %dma_wait3A_152 = arith.constant 0 : i32
        %dma_wait3A_153 = tpu.memref_slice %arg6[%arg0, %dma_wait3A_151, %dma_wait3A_152] : memref<2x10000x128xf32, #tpu.memory_space<hbm>> -> memref<1x16x128xf32, #tpu.memory_space<hbm>>
        %dma_wait3A_154 = tpu.memref_squeeze %dma_wait3A_153 : memref<1x16x128xf32, #tpu.memory_space<hbm>> -> memref<16x128xf32, #tpu.memory_space<hbm>>
        %dma_wait3A_155 = arith.constant 9984 : i32
        %dma_wait3A_156 = arith.constant 0 : i32
        %dma_wait3A_157 = tpu.memref_slice %arg19[%dma_wait3A_155, %dma_wait3A_156] : memref<10000x128xf32, #tpu.memory_space<vmem_shared>> -> memref<16x128xf32, #tpu.memory_space<vmem_shared>>
        tpu.wait_dma2 semaphore(%run_scoped3A : memref<!tpu.dma_semaphore, #tpu.memory_space<semaphore_mem>>) src(%dma_wait3A_157 : memref<16x128xf32, #tpu.memory_space<vmem_shared>>) dst(%dma_wait3A_154 : memref<16x128xf32, #tpu.memory_space<hbm>>)
        tpu.yield
      }) : () -> ()
    } else {
    }
    return
  }
}

#map = affine_map<(d0, d1) -> (0, 0)>
#map1 = affine_map<(d0, d1) -> (0)>
#map2 = affine_map<(d0, d1) -> (0, 0, 0)>
module attributes {stable_mosaic.version = 14 : i64} {
  func.func @_agg_counts(%arg0: i32, %arg1: i32, %arg2: memref<10000x128xf32, #tpu.memory_space<hbm>>, %arg3: memref<320000xi32, #tpu.memory_space<hbm>>, %arg4: memref<320000xi32, #tpu.memory_space<hbm>>, %arg5: memref<10000x128xf32, #tpu.memory_space<hbm>>, %arg6: memref<80x128xf32, #tpu.memory_space<hbm>>, %arg7: memref<2x10000x128xf32, #tpu.memory_space<hbm>>, %arg8: memref<2x10000x128xf32, #tpu.memory_space<hbm>>, %arg9: memref<80xi32, #tpu.memory_space<vmem>>, %arg10: memref<80xi32, #tpu.memory_space<vmem>>, %arg11: memref<80xi32, #tpu.memory_space<vmem>>, %arg12: memref<80xi32, #tpu.memory_space<vmem>>, %arg13: memref<80xi32, #tpu.memory_space<vmem>>, %arg14: memref<80xi32, #tpu.memory_space<vmem>>, %arg15: memref<80xi32, #tpu.memory_space<vmem>>, %arg16: memref<80xi32, #tpu.memory_space<vmem>>, %arg17: memref<80x128xf32, #tpu.memory_space<vmem>>, %arg18: memref<80x128xf32, #tpu.memory_space<vmem>>, %arg19: memref<80x128xf32, #tpu.memory_space<vmem>>, %arg20: memref<80x128xf32, #tpu.memory_space<vmem>>, %arg21: memref<10000x128xf32, #tpu.memory_space<vmem_shared>>, %arg22: memref<!tpu.dma_semaphore, #tpu.memory_space<semaphore_mem>>, %arg23: memref<!tpu.dma_semaphore, #tpu.memory_space<semaphore_mem>>, %arg24: memref<!tpu.dma_semaphore, #tpu.memory_space<semaphore_mem>>, %arg25: memref<!tpu.dma_semaphore, #tpu.memory_space<semaphore_mem>>, %arg26: memref<!tpu.dma_semaphore, #tpu.memory_space<semaphore_mem>>, %arg27: memref<!tpu.dma_semaphore, #tpu.memory_space<semaphore_mem>>, %arg28: memref<!tpu.dma_semaphore, #tpu.memory_space<semaphore_mem>>, %arg29: memref<!tpu.dma_semaphore, #tpu.memory_space<semaphore_mem>>) attributes {dimension_semantics = [#tpu.dimension_semantics<core_parallel>, #tpu.dimension_semantics<subcore_parallel>], iteration_bounds = array<i64: 2, 16>, scalar_prefetch = 0 : i64, scratch_operands = 21 : i64, tpu.core_type = #tpu.core_type<sc_vector_subcore>, window_params = [{transform_indices = #map}, {transform_indices = #map1}, {transform_indices = #map1}, {transform_indices = #map}, {transform_indices = #map}, {transform_indices = #map2}, {transform_indices = #map2}]} {
    %mul3A = arith.constant 2 : i32
    %mul3A_0 = arith.muli %arg1, %mul3A : i32
    %add3A = arith.addi %mul3A_0, %arg0 : i32
    %mul3A_1 = arith.constant 10000 : i32
    %mul3A_2 = arith.muli %add3A, %mul3A_1 : i32
    %mul3A_3 = arith.constant 624 : i32
    %mul3A_4 = arith.muli %arg1, %mul3A_3 : i32
    "tpu.region"() ({
      %run_scoped3A = tpu.sem_alloc : memref<!tpu.dma_semaphore, #tpu.memory_space<semaphore_mem>>
      %dma_start3A_174 = arith.constant 0 : i32
      %dma_start3A_175 = tpu.memref_slice %arg21[%mul3A_4, %dma_start3A_174] : memref<10000x128xf32, #tpu.memory_space<vmem_shared>> -> memref<624x128xf32, #tpu.memory_space<vmem_shared>>
      %dma_start3A_176 = arith.constant 0 : i32
      %dma_start3A_177 = tpu.memref_slice %arg5[%mul3A_4, %dma_start3A_176] : memref<10000x128xf32, #tpu.memory_space<hbm>> -> memref<624x128xf32, #tpu.memory_space<hbm>>
      tpu.enqueue_dma source(%dma_start3A_177 : memref<624x128xf32, #tpu.memory_space<hbm>>) target(%dma_start3A_175 : memref<624x128xf32, #tpu.memory_space<vmem_shared>>) target_semaphore(%run_scoped3A : memref<!tpu.dma_semaphore, #tpu.memory_space<semaphore_mem>>)
      %dma_wait3A_178 = arith.constant 0 : i32
      %dma_wait3A_179 = tpu.memref_slice %arg21[%mul3A_4, %dma_wait3A_178] : memref<10000x128xf32, #tpu.memory_space<vmem_shared>> -> memref<624x128xf32, #tpu.memory_space<vmem_shared>>
      %dma_wait3A_180 = arith.constant 0 : i32
      %dma_wait3A_181 = tpu.memref_slice %arg5[%mul3A_4, %dma_wait3A_180] : memref<10000x128xf32, #tpu.memory_space<hbm>> -> memref<624x128xf32, #tpu.memory_space<hbm>>
      tpu.wait_dma2 semaphore(%run_scoped3A : memref<!tpu.dma_semaphore, #tpu.memory_space<semaphore_mem>>) src(%dma_wait3A_181 : memref<624x128xf32, #tpu.memory_space<hbm>>) dst(%dma_wait3A_179 : memref<624x128xf32, #tpu.memory_space<vmem_shared>>)
      tpu.yield
    }) : () -> ()
    %eq3A = arith.constant 15 : i32
    %eq3A_5 = arith.cmpi eq, %arg1, %eq3A : i32
    %convert_element_type3A = arith.extui %eq3A_5 : i1 to i32
    %cond3A = arith.constant 0 : i32
    %cond3A_6 = arith.cmpi ne, %convert_element_type3A, %cond3A : i32
    scf.if %cond3A_6 {
      "tpu.region"() ({
        %run_scoped3A = tpu.sem_alloc : memref<!tpu.dma_semaphore, #tpu.memory_space<semaphore_mem>>
        %dma_start3A_174 = arith.constant 9984 : i32
        %dma_start3A_175 = arith.constant 0 : i32
        %dma_start3A_176 = tpu.memref_slice %arg21[%dma_start3A_174, %dma_start3A_175] : memref<10000x128xf32, #tpu.memory_space<vmem_shared>> -> memref<16x128xf32, #tpu.memory_space<vmem_shared>>
        %dma_start3A_177 = arith.constant 9984 : i32
        %dma_start3A_178 = arith.constant 0 : i32
        %dma_start3A_179 = tpu.memref_slice %arg5[%dma_start3A_177, %dma_start3A_178] : memref<10000x128xf32, #tpu.memory_space<hbm>> -> memref<16x128xf32, #tpu.memory_space<hbm>>
        tpu.enqueue_dma source(%dma_start3A_179 : memref<16x128xf32, #tpu.memory_space<hbm>>) target(%dma_start3A_176 : memref<16x128xf32, #tpu.memory_space<vmem_shared>>) target_semaphore(%run_scoped3A : memref<!tpu.dma_semaphore, #tpu.memory_space<semaphore_mem>>)
        %dma_wait3A_180 = arith.constant 9984 : i32
        %dma_wait3A_181 = arith.constant 0 : i32
        %dma_wait3A_182 = tpu.memref_slice %arg21[%dma_wait3A_180, %dma_wait3A_181] : memref<10000x128xf32, #tpu.memory_space<vmem_shared>> -> memref<16x128xf32, #tpu.memory_space<vmem_shared>>
        %dma_wait3A_183 = arith.constant 9984 : i32
        %dma_wait3A_184 = arith.constant 0 : i32
        %dma_wait3A_185 = tpu.memref_slice %arg5[%dma_wait3A_183, %dma_wait3A_184] : memref<10000x128xf32, #tpu.memory_space<hbm>> -> memref<16x128xf32, #tpu.memory_space<hbm>>
        tpu.wait_dma2 semaphore(%run_scoped3A : memref<!tpu.dma_semaphore, #tpu.memory_space<semaphore_mem>>) src(%dma_wait3A_185 : memref<16x128xf32, #tpu.memory_space<hbm>>) dst(%dma_wait3A_182 : memref<16x128xf32, #tpu.memory_space<vmem_shared>>)
        tpu.yield
      }) : () -> ()
    } else {
    }
    "tpu.region"() ({
      %run_scoped3A = tpu.sem_alloc : memref<!tpu.dma_semaphore, #tpu.memory_space<semaphore_mem>>
      tpu.enqueue_dma source(%arg6 : memref<80x128xf32, #tpu.memory_space<hbm>>) target(%arg17 : memref<80x128xf32, #tpu.memory_space<vmem>>) target_semaphore(%run_scoped3A : memref<!tpu.dma_semaphore, #tpu.memory_space<semaphore_mem>>)
      tpu.wait_dma2 semaphore(%run_scoped3A : memref<!tpu.dma_semaphore, #tpu.memory_space<semaphore_mem>>) src(%arg6 : memref<80x128xf32, #tpu.memory_space<hbm>>) dst(%arg17 : memref<80x128xf32, #tpu.memory_space<vmem>>)
      tpu.yield
    }) : () -> ()
    %barrier3A = arith.constant 0 : index
    tpu.barrier barrier_id(%barrier3A)
    %add3A_7 = arith.constant 0 : i32
    %add3A_8 = arith.addi %mul3A_2, %add3A_7 : i32
    "tpu.region"() ({
      %run_scoped3A = tpu.sem_alloc : memref<!tpu.dma_semaphore, #tpu.memory_space<semaphore_mem>>
      %dma_start3A_174 = tpu.memref_slice %arg4[%add3A_8] : memref<320000xi32, #tpu.memory_space<hbm>> -> memref<80xi32, #tpu.memory_space<hbm>>
      %dma_start3A_175 = tpu.memref_slice %arg4[%add3A_8] : memref<320000xi32, #tpu.memory_space<hbm>> -> memref<80xi32, #tpu.memory_space<hbm>>
      tpu.enqueue_dma source(%dma_start3A_175 : memref<80xi32, #tpu.memory_space<hbm>>) target(%arg13 : memref<80xi32, #tpu.memory_space<vmem>>) target_semaphore(%run_scoped3A : memref<!tpu.dma_semaphore, #tpu.memory_space<semaphore_mem>>)
      %dma_wait3A_176 = tpu.memref_slice %arg4[%add3A_8] : memref<320000xi32, #tpu.memory_space<hbm>> -> memref<80xi32, #tpu.memory_space<hbm>>
      %dma_wait3A_177 = tpu.memref_slice %arg4[%add3A_8] : memref<320000xi32, #tpu.memory_space<hbm>> -> memref<80xi32, #tpu.memory_space<hbm>>
      tpu.wait_dma2 semaphore(%run_scoped3A : memref<!tpu.dma_semaphore, #tpu.memory_space<semaphore_mem>>) src(%dma_wait3A_177 : memref<80xi32, #tpu.memory_space<hbm>>) dst(%arg13 : memref<80xi32, #tpu.memory_space<vmem>>)
      tpu.yield
    }) : () -> ()
    %dma_start3A = arith.constant 0 : i32
    %dma_start3A_9 = arith.constant 0 : i32
    %dma_start3A_10 = tpu.memref_slice %arg21[%dma_start3A, %dma_start3A_9] : memref<10000x128xf32, #tpu.memory_space<vmem_shared>> -> memref<10000x128xf32, #tpu.memory_space<vmem_shared>>
    tpu.enqueue_indirect_dma source(%arg17 : memref<80x128xf32, #tpu.memory_space<vmem>>) target(%dma_start3A_10 : memref<10000x128xf32, #tpu.memory_space<vmem_shared>>) offsets(%arg13 : memref<80xi32, #tpu.memory_space<vmem>>) semaphore(%arg26 : memref<!tpu.dma_semaphore, #tpu.memory_space<semaphore_mem>>) {add = true}
    %scan3A = arith.constant 0 : i32
    %scan3A_11 = arith.constant 0 : i32
    %scan3A_12 = arith.constant 62 : i32
    %scan3A_13 = arith.addi %scan3A_11, %scan3A_12 : i32
    %scan3A_14 = arith.constant 1 : i32
    scf.for %scan3A_174 = %scan3A_11 to %scan3A_13 step %scan3A_14  : i32 {
      %mul3A_175 = arith.constant 2 : i32
      %mul3A_176 = arith.muli %mul3A_175, %scan3A_174 : i32
      %add3A_177 = arith.constant 1 : i32
      %add3A_178 = arith.addi %mul3A_176, %add3A_177 : i32
      %mul3A_179 = arith.constant 80 : i32
      %mul3A_180 = arith.muli %add3A_178, %mul3A_179 : i32
      %add3A_181 = arith.addi %mul3A_2, %mul3A_180 : i32
      "tpu.region"() ({
        %run_scoped3A = tpu.sem_alloc : memref<!tpu.dma_semaphore, #tpu.memory_space<semaphore_mem>>
        %dma_start3A_199 = tpu.memref_slice %arg4[%add3A_181] : memref<320000xi32, #tpu.memory_space<hbm>> -> memref<80xi32, #tpu.memory_space<hbm>>
        %dma_start3A_200 = tpu.memref_slice %arg4[%add3A_181] : memref<320000xi32, #tpu.memory_space<hbm>> -> memref<80xi32, #tpu.memory_space<hbm>>
        tpu.enqueue_dma source(%dma_start3A_200 : memref<80xi32, #tpu.memory_space<hbm>>) target(%arg14 : memref<80xi32, #tpu.memory_space<vmem>>) target_semaphore(%run_scoped3A : memref<!tpu.dma_semaphore, #tpu.memory_space<semaphore_mem>>)
        %dma_wait3A_201 = tpu.memref_slice %arg4[%add3A_181] : memref<320000xi32, #tpu.memory_space<hbm>> -> memref<80xi32, #tpu.memory_space<hbm>>
        %dma_wait3A_202 = tpu.memref_slice %arg4[%add3A_181] : memref<320000xi32, #tpu.memory_space<hbm>> -> memref<80xi32, #tpu.memory_space<hbm>>
        tpu.wait_dma2 semaphore(%run_scoped3A : memref<!tpu.dma_semaphore, #tpu.memory_space<semaphore_mem>>) src(%dma_wait3A_202 : memref<80xi32, #tpu.memory_space<hbm>>) dst(%arg14 : memref<80xi32, #tpu.memory_space<vmem>>)
        tpu.yield
      }) : () -> ()
      %dma_start3A_182 = arith.constant 0 : i32
      %dma_start3A_183 = arith.constant 0 : i32
      %dma_start3A_184 = tpu.memref_slice %arg21[%dma_start3A_182, %dma_start3A_183] : memref<10000x128xf32, #tpu.memory_space<vmem_shared>> -> memref<10000x128xf32, #tpu.memory_space<vmem_shared>>
      tpu.enqueue_indirect_dma source(%arg17 : memref<80x128xf32, #tpu.memory_space<vmem>>) target(%dma_start3A_184 : memref<10000x128xf32, #tpu.memory_space<vmem_shared>>) offsets(%arg14 : memref<80xi32, #tpu.memory_space<vmem>>) semaphore(%arg27 : memref<!tpu.dma_semaphore, #tpu.memory_space<semaphore_mem>>) {add = true}
      %dma_wait3A_185 = arith.constant 0 : i32
      %dma_wait3A_186 = arith.constant 0 : i32
      %dma_wait3A_187 = tpu.memref_slice %arg21[%dma_wait3A_185, %dma_wait3A_186] : memref<10000x128xf32, #tpu.memory_space<vmem_shared>> -> memref<10000x128xf32, #tpu.memory_space<vmem_shared>>
      tpu.wait_indirect_dma semaphore(%arg26 : memref<!tpu.dma_semaphore, #tpu.memory_space<semaphore_mem>>) src(%arg17 : memref<80x128xf32, #tpu.memory_space<vmem>>) dst(%dma_wait3A_187 : memref<10000x128xf32, #tpu.memory_space<vmem_shared>>)
      %add3A_188 = arith.constant 2 : i32
      %add3A_189 = arith.addi %mul3A_176, %add3A_188 : i32
      %mul3A_190 = arith.constant 80 : i32
      %mul3A_191 = arith.muli %add3A_189, %mul3A_190 : i32
      %add3A_192 = arith.addi %mul3A_2, %mul3A_191 : i32
      "tpu.region"() ({
        %run_scoped3A = tpu.sem_alloc : memref<!tpu.dma_semaphore, #tpu.memory_space<semaphore_mem>>
        %dma_start3A_199 = tpu.memref_slice %arg4[%add3A_192] : memref<320000xi32, #tpu.memory_space<hbm>> -> memref<80xi32, #tpu.memory_space<hbm>>
        %dma_start3A_200 = tpu.memref_slice %arg4[%add3A_192] : memref<320000xi32, #tpu.memory_space<hbm>> -> memref<80xi32, #tpu.memory_space<hbm>>
        tpu.enqueue_dma source(%dma_start3A_200 : memref<80xi32, #tpu.memory_space<hbm>>) target(%arg13 : memref<80xi32, #tpu.memory_space<vmem>>) target_semaphore(%run_scoped3A : memref<!tpu.dma_semaphore, #tpu.memory_space<semaphore_mem>>)
        %dma_wait3A_201 = tpu.memref_slice %arg4[%add3A_192] : memref<320000xi32, #tpu.memory_space<hbm>> -> memref<80xi32, #tpu.memory_space<hbm>>
        %dma_wait3A_202 = tpu.memref_slice %arg4[%add3A_192] : memref<320000xi32, #tpu.memory_space<hbm>> -> memref<80xi32, #tpu.memory_space<hbm>>
        tpu.wait_dma2 semaphore(%run_scoped3A : memref<!tpu.dma_semaphore, #tpu.memory_space<semaphore_mem>>) src(%dma_wait3A_202 : memref<80xi32, #tpu.memory_space<hbm>>) dst(%arg13 : memref<80xi32, #tpu.memory_space<vmem>>)
        tpu.yield
      }) : () -> ()
      %dma_start3A_193 = arith.constant 0 : i32
      %dma_start3A_194 = arith.constant 0 : i32
      %dma_start3A_195 = tpu.memref_slice %arg21[%dma_start3A_193, %dma_start3A_194] : memref<10000x128xf32, #tpu.memory_space<vmem_shared>> -> memref<10000x128xf32, #tpu.memory_space<vmem_shared>>
      tpu.enqueue_indirect_dma source(%arg17 : memref<80x128xf32, #tpu.memory_space<vmem>>) target(%dma_start3A_195 : memref<10000x128xf32, #tpu.memory_space<vmem_shared>>) offsets(%arg13 : memref<80xi32, #tpu.memory_space<vmem>>) semaphore(%arg26 : memref<!tpu.dma_semaphore, #tpu.memory_space<semaphore_mem>>) {add = true}
      %dma_wait3A_196 = arith.constant 0 : i32
      %dma_wait3A_197 = arith.constant 0 : i32
      %dma_wait3A_198 = tpu.memref_slice %arg21[%dma_wait3A_196, %dma_wait3A_197] : memref<10000x128xf32, #tpu.memory_space<vmem_shared>> -> memref<10000x128xf32, #tpu.memory_space<vmem_shared>>
      tpu.wait_indirect_dma semaphore(%arg27 : memref<!tpu.dma_semaphore, #tpu.memory_space<semaphore_mem>>) src(%arg17 : memref<80x128xf32, #tpu.memory_space<vmem>>) dst(%dma_wait3A_198 : memref<10000x128xf32, #tpu.memory_space<vmem_shared>>)
    }
    %scan3A_15 = arith.constant 62 : i32
    %dma_wait3A = arith.constant 0 : i32
    %dma_wait3A_16 = arith.constant 0 : i32
    %dma_wait3A_17 = tpu.memref_slice %arg21[%dma_wait3A, %dma_wait3A_16] : memref<10000x128xf32, #tpu.memory_space<vmem_shared>> -> memref<10000x128xf32, #tpu.memory_space<vmem_shared>>
    tpu.wait_indirect_dma semaphore(%arg26 : memref<!tpu.dma_semaphore, #tpu.memory_space<semaphore_mem>>) src(%arg17 : memref<80x128xf32, #tpu.memory_space<vmem>>) dst(%dma_wait3A_17 : memref<10000x128xf32, #tpu.memory_space<vmem_shared>>)
    %barrier3A_18 = arith.constant 0 : index
    tpu.barrier barrier_id(%barrier3A_18)
    %mul3A_19 = arith.constant 624 : i32
    %mul3A_20 = arith.muli %arg1, %mul3A_19 : i32
    "tpu.region"() ({
      %run_scoped3A = tpu.sem_alloc : memref<!tpu.dma_semaphore, #tpu.memory_space<semaphore_mem>>
      %dma_start3A_174 = arith.constant 0 : i32
      %dma_start3A_175 = tpu.memref_slice %arg8[%arg0, %mul3A_20, %dma_start3A_174] : memref<2x10000x128xf32, #tpu.memory_space<hbm>> -> memref<1x624x128xf32, #tpu.memory_space<hbm>>
      %dma_start3A_176 = tpu.memref_squeeze %dma_start3A_175 : memref<1x624x128xf32, #tpu.memory_space<hbm>> -> memref<624x128xf32, #tpu.memory_space<hbm>>
      %dma_start3A_177 = arith.constant 0 : i32
      %dma_start3A_178 = tpu.memref_slice %arg21[%mul3A_20, %dma_start3A_177] : memref<10000x128xf32, #tpu.memory_space<vmem_shared>> -> memref<624x128xf32, #tpu.memory_space<vmem_shared>>
      tpu.enqueue_dma source(%dma_start3A_178 : memref<624x128xf32, #tpu.memory_space<vmem_shared>>) target(%dma_start3A_176 : memref<624x128xf32, #tpu.memory_space<hbm>>) target_semaphore(%run_scoped3A : memref<!tpu.dma_semaphore, #tpu.memory_space<semaphore_mem>>)
      %dma_wait3A_179 = arith.constant 0 : i32
      %dma_wait3A_180 = tpu.memref_slice %arg8[%arg0, %mul3A_20, %dma_wait3A_179] : memref<2x10000x128xf32, #tpu.memory_space<hbm>> -> memref<1x624x128xf32, #tpu.memory_space<hbm>>
      %dma_wait3A_181 = tpu.memref_squeeze %dma_wait3A_180 : memref<1x624x128xf32, #tpu.memory_space<hbm>> -> memref<624x128xf32, #tpu.memory_space<hbm>>
      %dma_wait3A_182 = arith.constant 0 : i32
      %dma_wait3A_183 = tpu.memref_slice %arg21[%mul3A_20, %dma_wait3A_182] : memref<10000x128xf32, #tpu.memory_space<vmem_shared>> -> memref<624x128xf32, #tpu.memory_space<vmem_shared>>
      tpu.wait_dma2 semaphore(%run_scoped3A : memref<!tpu.dma_semaphore, #tpu.memory_space<semaphore_mem>>) src(%dma_wait3A_183 : memref<624x128xf32, #tpu.memory_space<vmem_shared>>) dst(%dma_wait3A_181 : memref<624x128xf32, #tpu.memory_space<hbm>>)
      tpu.yield
    }) : () -> ()
    %eq3A_21 = arith.constant 15 : i32
    %eq3A_22 = arith.cmpi eq, %arg1, %eq3A_21 : i32
    %convert_element_type3A_23 = arith.extui %eq3A_22 : i1 to i32
    %cond3A_24 = arith.constant 0 : i32
    %cond3A_25 = arith.cmpi ne, %convert_element_type3A_23, %cond3A_24 : i32
    scf.if %cond3A_25 {
      "tpu.region"() ({
        %run_scoped3A = tpu.sem_alloc : memref<!tpu.dma_semaphore, #tpu.memory_space<semaphore_mem>>
        %dma_start3A_174 = arith.constant 9984 : i32
        %dma_start3A_175 = arith.constant 0 : i32
        %dma_start3A_176 = tpu.memref_slice %arg8[%arg0, %dma_start3A_174, %dma_start3A_175] : memref<2x10000x128xf32, #tpu.memory_space<hbm>> -> memref<1x16x128xf32, #tpu.memory_space<hbm>>
        %dma_start3A_177 = tpu.memref_squeeze %dma_start3A_176 : memref<1x16x128xf32, #tpu.memory_space<hbm>> -> memref<16x128xf32, #tpu.memory_space<hbm>>
        %dma_start3A_178 = arith.constant 9984 : i32
        %dma_start3A_179 = arith.constant 0 : i32
        %dma_start3A_180 = tpu.memref_slice %arg21[%dma_start3A_178, %dma_start3A_179] : memref<10000x128xf32, #tpu.memory_space<vmem_shared>> -> memref<16x128xf32, #tpu.memory_space<vmem_shared>>
        tpu.enqueue_dma source(%dma_start3A_180 : memref<16x128xf32, #tpu.memory_space<vmem_shared>>) target(%dma_start3A_177 : memref<16x128xf32, #tpu.memory_space<hbm>>) target_semaphore(%run_scoped3A : memref<!tpu.dma_semaphore, #tpu.memory_space<semaphore_mem>>)
        %dma_wait3A_181 = arith.constant 9984 : i32
        %dma_wait3A_182 = arith.constant 0 : i32
        %dma_wait3A_183 = tpu.memref_slice %arg8[%arg0, %dma_wait3A_181, %dma_wait3A_182] : memref<2x10000x128xf32, #tpu.memory_space<hbm>> -> memref<1x16x128xf32, #tpu.memory_space<hbm>>
        %dma_wait3A_184 = tpu.memref_squeeze %dma_wait3A_183 : memref<1x16x128xf32, #tpu.memory_space<hbm>> -> memref<16x128xf32, #tpu.memory_space<hbm>>
        %dma_wait3A_185 = arith.constant 9984 : i32
        %dma_wait3A_186 = arith.constant 0 : i32
        %dma_wait3A_187 = tpu.memref_slice %arg21[%dma_wait3A_185, %dma_wait3A_186] : memref<10000x128xf32, #tpu.memory_space<vmem_shared>> -> memref<16x128xf32, #tpu.memory_space<vmem_shared>>
        tpu.wait_dma2 semaphore(%run_scoped3A : memref<!tpu.dma_semaphore, #tpu.memory_space<semaphore_mem>>) src(%dma_wait3A_187 : memref<16x128xf32, #tpu.memory_space<vmem_shared>>) dst(%dma_wait3A_184 : memref<16x128xf32, #tpu.memory_space<hbm>>)
        tpu.yield
      }) : () -> ()
    } else {
    }
    %mul3A_26 = arith.constant 624 : i32
    %mul3A_27 = arith.muli %arg1, %mul3A_26 : i32
    "tpu.region"() ({
      %run_scoped3A = tpu.sem_alloc : memref<!tpu.dma_semaphore, #tpu.memory_space<semaphore_mem>>
      %dma_start3A_174 = arith.constant 0 : i32
      %dma_start3A_175 = tpu.memref_slice %arg21[%mul3A_27, %dma_start3A_174] : memref<10000x128xf32, #tpu.memory_space<vmem_shared>> -> memref<624x128xf32, #tpu.memory_space<vmem_shared>>
      %dma_start3A_176 = arith.constant 0 : i32
      %dma_start3A_177 = tpu.memref_slice %arg5[%mul3A_27, %dma_start3A_176] : memref<10000x128xf32, #tpu.memory_space<hbm>> -> memref<624x128xf32, #tpu.memory_space<hbm>>
      tpu.enqueue_dma source(%dma_start3A_177 : memref<624x128xf32, #tpu.memory_space<hbm>>) target(%dma_start3A_175 : memref<624x128xf32, #tpu.memory_space<vmem_shared>>) target_semaphore(%run_scoped3A : memref<!tpu.dma_semaphore, #tpu.memory_space<semaphore_mem>>)
      %dma_wait3A_178 = arith.constant 0 : i32
      %dma_wait3A_179 = tpu.memref_slice %arg21[%mul3A_27, %dma_wait3A_178] : memref<10000x128xf32, #tpu.memory_space<vmem_shared>> -> memref<624x128xf32, #tpu.memory_space<vmem_shared>>
      %dma_wait3A_180 = arith.constant 0 : i32
      %dma_wait3A_181 = tpu.memref_slice %arg5[%mul3A_27, %dma_wait3A_180] : memref<10000x128xf32, #tpu.memory_space<hbm>> -> memref<624x128xf32, #tpu.memory_space<hbm>>
      tpu.wait_dma2 semaphore(%run_scoped3A : memref<!tpu.dma_semaphore, #tpu.memory_space<semaphore_mem>>) src(%dma_wait3A_181 : memref<624x128xf32, #tpu.memory_space<hbm>>) dst(%dma_wait3A_179 : memref<624x128xf32, #tpu.memory_space<vmem_shared>>)
      tpu.yield
    }) : () -> ()
    %eq3A_28 = arith.constant 15 : i32
    %eq3A_29 = arith.cmpi eq, %arg1, %eq3A_28 : i32
    %convert_element_type3A_30 = arith.extui %eq3A_29 : i1 to i32
    %cond3A_31 = arith.constant 0 : i32
    %cond3A_32 = arith.cmpi ne, %convert_element_type3A_30, %cond3A_31 : i32
    scf.if %cond3A_32 {
      "tpu.region"() ({
        %run_scoped3A = tpu.sem_alloc : memref<!tpu.dma_semaphore, #tpu.memory_space<semaphore_mem>>
        %dma_start3A_174 = arith.constant 9984 : i32
        %dma_start3A_175 = arith.constant 0 : i32
        %dma_start3A_176 = tpu.memref_slice %arg21[%dma_start3A_174, %dma_start3A_175] : memref<10000x128xf32, #tpu.memory_space<vmem_shared>> -> memref<16x128xf32, #tpu.memory_space<vmem_shared>>
        %dma_start3A_177 = arith.constant 9984 : i32
        %dma_start3A_178 = arith.constant 0 : i32
        %dma_start3A_179 = tpu.memref_slice %arg5[%dma_start3A_177, %dma_start3A_178] : memref<10000x128xf32, #tpu.memory_space<hbm>> -> memref<16x128xf32, #tpu.memory_space<hbm>>
        tpu.enqueue_dma source(%dma_start3A_179 : memref<16x128xf32, #tpu.memory_space<hbm>>) target(%dma_start3A_176 : memref<16x128xf32, #tpu.memory_space<vmem_shared>>) target_semaphore(%run_scoped3A : memref<!tpu.dma_semaphore, #tpu.memory_space<semaphore_mem>>)
        %dma_wait3A_180 = arith.constant 9984 : i32
        %dma_wait3A_181 = arith.constant 0 : i32
        %dma_wait3A_182 = tpu.memref_slice %arg21[%dma_wait3A_180, %dma_wait3A_181] : memref<10000x128xf32, #tpu.memory_space<vmem_shared>> -> memref<16x128xf32, #tpu.memory_space<vmem_shared>>
        %dma_wait3A_183 = arith.constant 9984 : i32
        %dma_wait3A_184 = arith.constant 0 : i32
        %dma_wait3A_185 = tpu.memref_slice %arg5[%dma_wait3A_183, %dma_wait3A_184] : memref<10000x128xf32, #tpu.memory_space<hbm>> -> memref<16x128xf32, #tpu.memory_space<hbm>>
        tpu.wait_dma2 semaphore(%run_scoped3A : memref<!tpu.dma_semaphore, #tpu.memory_space<semaphore_mem>>) src(%dma_wait3A_185 : memref<16x128xf32, #tpu.memory_space<hbm>>) dst(%dma_wait3A_182 : memref<16x128xf32, #tpu.memory_space<vmem_shared>>)
        tpu.yield
      }) : () -> ()
    } else {
    }
    %barrier3A_33 = arith.constant 0 : index
    tpu.barrier barrier_id(%barrier3A_33)
    %add3A_34 = arith.constant 0 : i32
    %add3A_35 = arith.addi %mul3A_2, %add3A_34 : i32
    "tpu.region"() ({
      %run_scoped3A = tpu.sem_alloc : memref<!tpu.dma_semaphore, #tpu.memory_space<semaphore_mem>>
      %dma_start3A_174 = tpu.memref_slice %arg3[%add3A_35] : memref<320000xi32, #tpu.memory_space<hbm>> -> memref<80xi32, #tpu.memory_space<hbm>>
      %dma_start3A_175 = tpu.memref_slice %arg3[%add3A_35] : memref<320000xi32, #tpu.memory_space<hbm>> -> memref<80xi32, #tpu.memory_space<hbm>>
      tpu.enqueue_dma source(%dma_start3A_175 : memref<80xi32, #tpu.memory_space<hbm>>) target(%arg9 : memref<80xi32, #tpu.memory_space<vmem>>) target_semaphore(%run_scoped3A : memref<!tpu.dma_semaphore, #tpu.memory_space<semaphore_mem>>)
      %dma_wait3A_176 = tpu.memref_slice %arg3[%add3A_35] : memref<320000xi32, #tpu.memory_space<hbm>> -> memref<80xi32, #tpu.memory_space<hbm>>
      %dma_wait3A_177 = tpu.memref_slice %arg3[%add3A_35] : memref<320000xi32, #tpu.memory_space<hbm>> -> memref<80xi32, #tpu.memory_space<hbm>>
      tpu.wait_dma2 semaphore(%run_scoped3A : memref<!tpu.dma_semaphore, #tpu.memory_space<semaphore_mem>>) src(%dma_wait3A_177 : memref<80xi32, #tpu.memory_space<hbm>>) dst(%arg9 : memref<80xi32, #tpu.memory_space<vmem>>)
      tpu.yield
    }) : () -> ()
    "tpu.region"() ({
      %run_scoped3A = tpu.sem_alloc : memref<!tpu.dma_semaphore, #tpu.memory_space<semaphore_mem>>
      %dma_start3A_174 = tpu.memref_slice %arg4[%add3A_35] : memref<320000xi32, #tpu.memory_space<hbm>> -> memref<80xi32, #tpu.memory_space<hbm>>
      %dma_start3A_175 = tpu.memref_slice %arg4[%add3A_35] : memref<320000xi32, #tpu.memory_space<hbm>> -> memref<80xi32, #tpu.memory_space<hbm>>
      tpu.enqueue_dma source(%dma_start3A_175 : memref<80xi32, #tpu.memory_space<hbm>>) target(%arg13 : memref<80xi32, #tpu.memory_space<vmem>>) target_semaphore(%run_scoped3A : memref<!tpu.dma_semaphore, #tpu.memory_space<semaphore_mem>>)
      %dma_wait3A_176 = tpu.memref_slice %arg4[%add3A_35] : memref<320000xi32, #tpu.memory_space<hbm>> -> memref<80xi32, #tpu.memory_space<hbm>>
      %dma_wait3A_177 = tpu.memref_slice %arg4[%add3A_35] : memref<320000xi32, #tpu.memory_space<hbm>> -> memref<80xi32, #tpu.memory_space<hbm>>
      tpu.wait_dma2 semaphore(%run_scoped3A : memref<!tpu.dma_semaphore, #tpu.memory_space<semaphore_mem>>) src(%dma_wait3A_177 : memref<80xi32, #tpu.memory_space<hbm>>) dst(%arg13 : memref<80xi32, #tpu.memory_space<vmem>>)
      tpu.yield
    }) : () -> ()
    %dma_start3A_36 = arith.constant 0 : i32
    %dma_start3A_37 = arith.constant 0 : i32
    %dma_start3A_38 = tpu.memref_slice %arg2[%dma_start3A_36, %dma_start3A_37] : memref<10000x128xf32, #tpu.memory_space<hbm>> -> memref<10000x128xf32, #tpu.memory_space<hbm>>
    tpu.enqueue_indirect_dma source(%dma_start3A_38 : memref<10000x128xf32, #tpu.memory_space<hbm>>) target(%arg17 : memref<80x128xf32, #tpu.memory_space<vmem>>) offsets(%arg9 : memref<80xi32, #tpu.memory_space<vmem>>) semaphore(%arg22 : memref<!tpu.dma_semaphore, #tpu.memory_space<semaphore_mem>>)
    %add3A_39 = arith.constant 80 : i32
    %add3A_40 = arith.addi %mul3A_2, %add3A_39 : i32
    "tpu.region"() ({
      %run_scoped3A = tpu.sem_alloc : memref<!tpu.dma_semaphore, #tpu.memory_space<semaphore_mem>>
      %dma_start3A_174 = tpu.memref_slice %arg3[%add3A_40] : memref<320000xi32, #tpu.memory_space<hbm>> -> memref<80xi32, #tpu.memory_space<hbm>>
      %dma_start3A_175 = tpu.memref_slice %arg3[%add3A_40] : memref<320000xi32, #tpu.memory_space<hbm>> -> memref<80xi32, #tpu.memory_space<hbm>>
      tpu.enqueue_dma source(%dma_start3A_175 : memref<80xi32, #tpu.memory_space<hbm>>) target(%arg10 : memref<80xi32, #tpu.memory_space<vmem>>) target_semaphore(%run_scoped3A : memref<!tpu.dma_semaphore, #tpu.memory_space<semaphore_mem>>)
      %dma_wait3A_176 = tpu.memref_slice %arg3[%add3A_40] : memref<320000xi32, #tpu.memory_space<hbm>> -> memref<80xi32, #tpu.memory_space<hbm>>
      %dma_wait3A_177 = tpu.memref_slice %arg3[%add3A_40] : memref<320000xi32, #tpu.memory_space<hbm>> -> memref<80xi32, #tpu.memory_space<hbm>>
      tpu.wait_dma2 semaphore(%run_scoped3A : memref<!tpu.dma_semaphore, #tpu.memory_space<semaphore_mem>>) src(%dma_wait3A_177 : memref<80xi32, #tpu.memory_space<hbm>>) dst(%arg10 : memref<80xi32, #tpu.memory_space<vmem>>)
      tpu.yield
    }) : () -> ()
    "tpu.region"() ({
      %run_scoped3A = tpu.sem_alloc : memref<!tpu.dma_semaphore, #tpu.memory_space<semaphore_mem>>
      %dma_start3A_174 = tpu.memref_slice %arg4[%add3A_40] : memref<320000xi32, #tpu.memory_space<hbm>> -> memref<80xi32, #tpu.memory_space<hbm>>
      %dma_start3A_175 = tpu.memref_slice %arg4[%add3A_40] : memref<320000xi32, #tpu.memory_space<hbm>> -> memref<80xi32, #tpu.memory_space<hbm>>
      tpu.enqueue_dma source(%dma_start3A_175 : memref<80xi32, #tpu.memory_space<hbm>>) target(%arg14 : memref<80xi32, #tpu.memory_space<vmem>>) target_semaphore(%run_scoped3A : memref<!tpu.dma_semaphore, #tpu.memory_space<semaphore_mem>>)
      %dma_wait3A_176 = tpu.memref_slice %arg4[%add3A_40] : memref<320000xi32, #tpu.memory_space<hbm>> -> memref<80xi32, #tpu.memory_space<hbm>>
      %dma_wait3A_177 = tpu.memref_slice %arg4[%add3A_40] : memref<320000xi32, #tpu.memory_space<hbm>> -> memref<80xi32, #tpu.memory_space<hbm>>
      tpu.wait_dma2 semaphore(%run_scoped3A : memref<!tpu.dma_semaphore, #tpu.memory_space<semaphore_mem>>) src(%dma_wait3A_177 : memref<80xi32, #tpu.memory_space<hbm>>) dst(%arg14 : memref<80xi32, #tpu.memory_space<vmem>>)
      tpu.yield
    }) : () -> ()
    %dma_start3A_41 = arith.constant 0 : i32
    %dma_start3A_42 = arith.constant 0 : i32
    %dma_start3A_43 = tpu.memref_slice %arg2[%dma_start3A_41, %dma_start3A_42] : memref<10000x128xf32, #tpu.memory_space<hbm>> -> memref<10000x128xf32, #tpu.memory_space<hbm>>
    tpu.enqueue_indirect_dma source(%dma_start3A_43 : memref<10000x128xf32, #tpu.memory_space<hbm>>) target(%arg18 : memref<80x128xf32, #tpu.memory_space<vmem>>) offsets(%arg10 : memref<80xi32, #tpu.memory_space<vmem>>) semaphore(%arg23 : memref<!tpu.dma_semaphore, #tpu.memory_space<semaphore_mem>>)
    %add3A_44 = arith.constant 160 : i32
    %add3A_45 = arith.addi %mul3A_2, %add3A_44 : i32
    "tpu.region"() ({
      %run_scoped3A = tpu.sem_alloc : memref<!tpu.dma_semaphore, #tpu.memory_space<semaphore_mem>>
      %dma_start3A_174 = tpu.memref_slice %arg3[%add3A_45] : memref<320000xi32, #tpu.memory_space<hbm>> -> memref<80xi32, #tpu.memory_space<hbm>>
      %dma_start3A_175 = tpu.memref_slice %arg3[%add3A_45] : memref<320000xi32, #tpu.memory_space<hbm>> -> memref<80xi32, #tpu.memory_space<hbm>>
      tpu.enqueue_dma source(%dma_start3A_175 : memref<80xi32, #tpu.memory_space<hbm>>) target(%arg11 : memref<80xi32, #tpu.memory_space<vmem>>) target_semaphore(%run_scoped3A : memref<!tpu.dma_semaphore, #tpu.memory_space<semaphore_mem>>)
      %dma_wait3A_176 = tpu.memref_slice %arg3[%add3A_45] : memref<320000xi32, #tpu.memory_space<hbm>> -> memref<80xi32, #tpu.memory_space<hbm>>
      %dma_wait3A_177 = tpu.memref_slice %arg3[%add3A_45] : memref<320000xi32, #tpu.memory_space<hbm>> -> memref<80xi32, #tpu.memory_space<hbm>>
      tpu.wait_dma2 semaphore(%run_scoped3A : memref<!tpu.dma_semaphore, #tpu.memory_space<semaphore_mem>>) src(%dma_wait3A_177 : memref<80xi32, #tpu.memory_space<hbm>>) dst(%arg11 : memref<80xi32, #tpu.memory_space<vmem>>)
      tpu.yield
    }) : () -> ()
    "tpu.region"() ({
      %run_scoped3A = tpu.sem_alloc : memref<!tpu.dma_semaphore, #tpu.memory_space<semaphore_mem>>
      %dma_start3A_174 = tpu.memref_slice %arg4[%add3A_45] : memref<320000xi32, #tpu.memory_space<hbm>> -> memref<80xi32, #tpu.memory_space<hbm>>
      %dma_start3A_175 = tpu.memref_slice %arg4[%add3A_45] : memref<320000xi32, #tpu.memory_space<hbm>> -> memref<80xi32, #tpu.memory_space<hbm>>
      tpu.enqueue_dma source(%dma_start3A_175 : memref<80xi32, #tpu.memory_space<hbm>>) target(%arg15 : memref<80xi32, #tpu.memory_space<vmem>>) target_semaphore(%run_scoped3A : memref<!tpu.dma_semaphore, #tpu.memory_space<semaphore_mem>>)
      %dma_wait3A_176 = tpu.memref_slice %arg4[%add3A_45] : memref<320000xi32, #tpu.memory_space<hbm>> -> memref<80xi32, #tpu.memory_space<hbm>>
      %dma_wait3A_177 = tpu.memref_slice %arg4[%add3A_45] : memref<320000xi32, #tpu.memory_space<hbm>> -> memref<80xi32, #tpu.memory_space<hbm>>
      tpu.wait_dma2 semaphore(%run_scoped3A : memref<!tpu.dma_semaphore, #tpu.memory_space<semaphore_mem>>) src(%dma_wait3A_177 : memref<80xi32, #tpu.memory_space<hbm>>) dst(%arg15 : memref<80xi32, #tpu.memory_space<vmem>>)
      tpu.yield
    }) : () -> ()
    %dma_start3A_46 = arith.constant 0 : i32
    %dma_start3A_47 = arith.constant 0 : i32
    %dma_start3A_48 = tpu.memref_slice %arg2[%dma_start3A_46, %dma_start3A_47] : memref<10000x128xf32, #tpu.memory_space<hbm>> -> memref<10000x128xf32, #tpu.memory_space<hbm>>
    tpu.enqueue_indirect_dma source(%dma_start3A_48 : memref<10000x128xf32, #tpu.memory_space<hbm>>) target(%arg19 : memref<80x128xf32, #tpu.memory_space<vmem>>) offsets(%arg11 : memref<80xi32, #tpu.memory_space<vmem>>) semaphore(%arg24 : memref<!tpu.dma_semaphore, #tpu.memory_space<semaphore_mem>>)
    %dma_wait3A_49 = arith.constant 0 : i32
    %dma_wait3A_50 = arith.constant 0 : i32
    %dma_wait3A_51 = tpu.memref_slice %arg2[%dma_wait3A_49, %dma_wait3A_50] : memref<10000x128xf32, #tpu.memory_space<hbm>> -> memref<10000x128xf32, #tpu.memory_space<hbm>>
    tpu.wait_indirect_dma semaphore(%arg22 : memref<!tpu.dma_semaphore, #tpu.memory_space<semaphore_mem>>) src(%dma_wait3A_51 : memref<10000x128xf32, #tpu.memory_space<hbm>>) dst(%arg17 : memref<80x128xf32, #tpu.memory_space<vmem>>)
    %dma_start3A_52 = arith.constant 0 : i32
    %dma_start3A_53 = arith.constant 0 : i32
    %dma_start3A_54 = tpu.memref_slice %arg21[%dma_start3A_52, %dma_start3A_53] : memref<10000x128xf32, #tpu.memory_space<vmem_shared>> -> memref<10000x128xf32, #tpu.memory_space<vmem_shared>>
    tpu.enqueue_indirect_dma source(%arg17 : memref<80x128xf32, #tpu.memory_space<vmem>>) target(%dma_start3A_54 : memref<10000x128xf32, #tpu.memory_space<vmem_shared>>) offsets(%arg13 : memref<80xi32, #tpu.memory_space<vmem>>) semaphore(%arg26 : memref<!tpu.dma_semaphore, #tpu.memory_space<semaphore_mem>>) {add = true}
    %add3A_55 = arith.constant 240 : i32
    %add3A_56 = arith.addi %mul3A_2, %add3A_55 : i32
    "tpu.region"() ({
      %run_scoped3A = tpu.sem_alloc : memref<!tpu.dma_semaphore, #tpu.memory_space<semaphore_mem>>
      %dma_start3A_174 = tpu.memref_slice %arg3[%add3A_56] : memref<320000xi32, #tpu.memory_space<hbm>> -> memref<80xi32, #tpu.memory_space<hbm>>
      %dma_start3A_175 = tpu.memref_slice %arg3[%add3A_56] : memref<320000xi32, #tpu.memory_space<hbm>> -> memref<80xi32, #tpu.memory_space<hbm>>
      tpu.enqueue_dma source(%dma_start3A_175 : memref<80xi32, #tpu.memory_space<hbm>>) target(%arg12 : memref<80xi32, #tpu.memory_space<vmem>>) target_semaphore(%run_scoped3A : memref<!tpu.dma_semaphore, #tpu.memory_space<semaphore_mem>>)
      %dma_wait3A_176 = tpu.memref_slice %arg3[%add3A_56] : memref<320000xi32, #tpu.memory_space<hbm>> -> memref<80xi32, #tpu.memory_space<hbm>>
      %dma_wait3A_177 = tpu.memref_slice %arg3[%add3A_56] : memref<320000xi32, #tpu.memory_space<hbm>> -> memref<80xi32, #tpu.memory_space<hbm>>
      tpu.wait_dma2 semaphore(%run_scoped3A : memref<!tpu.dma_semaphore, #tpu.memory_space<semaphore_mem>>) src(%dma_wait3A_177 : memref<80xi32, #tpu.memory_space<hbm>>) dst(%arg12 : memref<80xi32, #tpu.memory_space<vmem>>)
      tpu.yield
    }) : () -> ()
    "tpu.region"() ({
      %run_scoped3A = tpu.sem_alloc : memref<!tpu.dma_semaphore, #tpu.memory_space<semaphore_mem>>
      %dma_start3A_174 = tpu.memref_slice %arg4[%add3A_56] : memref<320000xi32, #tpu.memory_space<hbm>> -> memref<80xi32, #tpu.memory_space<hbm>>
      %dma_start3A_175 = tpu.memref_slice %arg4[%add3A_56] : memref<320000xi32, #tpu.memory_space<hbm>> -> memref<80xi32, #tpu.memory_space<hbm>>
      tpu.enqueue_dma source(%dma_start3A_175 : memref<80xi32, #tpu.memory_space<hbm>>) target(%arg16 : memref<80xi32, #tpu.memory_space<vmem>>) target_semaphore(%run_scoped3A : memref<!tpu.dma_semaphore, #tpu.memory_space<semaphore_mem>>)
      %dma_wait3A_176 = tpu.memref_slice %arg4[%add3A_56] : memref<320000xi32, #tpu.memory_space<hbm>> -> memref<80xi32, #tpu.memory_space<hbm>>
      %dma_wait3A_177 = tpu.memref_slice %arg4[%add3A_56] : memref<320000xi32, #tpu.memory_space<hbm>> -> memref<80xi32, #tpu.memory_space<hbm>>
      tpu.wait_dma2 semaphore(%run_scoped3A : memref<!tpu.dma_semaphore, #tpu.memory_space<semaphore_mem>>) src(%dma_wait3A_177 : memref<80xi32, #tpu.memory_space<hbm>>) dst(%arg16 : memref<80xi32, #tpu.memory_space<vmem>>)
      tpu.yield
    }) : () -> ()
    %dma_start3A_57 = arith.constant 0 : i32
    %dma_start3A_58 = arith.constant 0 : i32
    %dma_start3A_59 = tpu.memref_slice %arg2[%dma_start3A_57, %dma_start3A_58] : memref<10000x128xf32, #tpu.memory_space<hbm>> -> memref<10000x128xf32, #tpu.memory_space<hbm>>
    tpu.enqueue_indirect_dma source(%dma_start3A_59 : memref<10000x128xf32, #tpu.memory_space<hbm>>) target(%arg20 : memref<80x128xf32, #tpu.memory_space<vmem>>) offsets(%arg12 : memref<80xi32, #tpu.memory_space<vmem>>) semaphore(%arg25 : memref<!tpu.dma_semaphore, #tpu.memory_space<semaphore_mem>>)
    %dma_wait3A_60 = arith.constant 0 : i32
    %dma_wait3A_61 = arith.constant 0 : i32
    %dma_wait3A_62 = tpu.memref_slice %arg2[%dma_wait3A_60, %dma_wait3A_61] : memref<10000x128xf32, #tpu.memory_space<hbm>> -> memref<10000x128xf32, #tpu.memory_space<hbm>>
    tpu.wait_indirect_dma semaphore(%arg23 : memref<!tpu.dma_semaphore, #tpu.memory_space<semaphore_mem>>) src(%dma_wait3A_62 : memref<10000x128xf32, #tpu.memory_space<hbm>>) dst(%arg18 : memref<80x128xf32, #tpu.memory_space<vmem>>)
    %dma_start3A_63 = arith.constant 0 : i32
    %dma_start3A_64 = arith.constant 0 : i32
    %dma_start3A_65 = tpu.memref_slice %arg21[%dma_start3A_63, %dma_start3A_64] : memref<10000x128xf32, #tpu.memory_space<vmem_shared>> -> memref<10000x128xf32, #tpu.memory_space<vmem_shared>>
    tpu.enqueue_indirect_dma source(%arg18 : memref<80x128xf32, #tpu.memory_space<vmem>>) target(%dma_start3A_65 : memref<10000x128xf32, #tpu.memory_space<vmem_shared>>) offsets(%arg14 : memref<80xi32, #tpu.memory_space<vmem>>) semaphore(%arg27 : memref<!tpu.dma_semaphore, #tpu.memory_space<semaphore_mem>>) {add = true}
    %dma_wait3A_66 = arith.constant 0 : i32
    %dma_wait3A_67 = arith.constant 0 : i32
    %dma_wait3A_68 = tpu.memref_slice %arg21[%dma_wait3A_66, %dma_wait3A_67] : memref<10000x128xf32, #tpu.memory_space<vmem_shared>> -> memref<10000x128xf32, #tpu.memory_space<vmem_shared>>
    tpu.wait_indirect_dma semaphore(%arg26 : memref<!tpu.dma_semaphore, #tpu.memory_space<semaphore_mem>>) src(%arg17 : memref<80x128xf32, #tpu.memory_space<vmem>>) dst(%dma_wait3A_68 : memref<10000x128xf32, #tpu.memory_space<vmem_shared>>)
    %add3A_69 = arith.constant 320 : i32
    %add3A_70 = arith.addi %mul3A_2, %add3A_69 : i32
    "tpu.region"() ({
      %run_scoped3A = tpu.sem_alloc : memref<!tpu.dma_semaphore, #tpu.memory_space<semaphore_mem>>
      %dma_start3A_174 = tpu.memref_slice %arg3[%add3A_70] : memref<320000xi32, #tpu.memory_space<hbm>> -> memref<80xi32, #tpu.memory_space<hbm>>
      %dma_start3A_175 = tpu.memref_slice %arg3[%add3A_70] : memref<320000xi32, #tpu.memory_space<hbm>> -> memref<80xi32, #tpu.memory_space<hbm>>
      tpu.enqueue_dma source(%dma_start3A_175 : memref<80xi32, #tpu.memory_space<hbm>>) target(%arg9 : memref<80xi32, #tpu.memory_space<vmem>>) target_semaphore(%run_scoped3A : memref<!tpu.dma_semaphore, #tpu.memory_space<semaphore_mem>>)
      %dma_wait3A_176 = tpu.memref_slice %arg3[%add3A_70] : memref<320000xi32, #tpu.memory_space<hbm>> -> memref<80xi32, #tpu.memory_space<hbm>>
      %dma_wait3A_177 = tpu.memref_slice %arg3[%add3A_70] : memref<320000xi32, #tpu.memory_space<hbm>> -> memref<80xi32, #tpu.memory_space<hbm>>
      tpu.wait_dma2 semaphore(%run_scoped3A : memref<!tpu.dma_semaphore, #tpu.memory_space<semaphore_mem>>) src(%dma_wait3A_177 : memref<80xi32, #tpu.memory_space<hbm>>) dst(%arg9 : memref<80xi32, #tpu.memory_space<vmem>>)
      tpu.yield
    }) : () -> ()
    "tpu.region"() ({
      %run_scoped3A = tpu.sem_alloc : memref<!tpu.dma_semaphore, #tpu.memory_space<semaphore_mem>>
      %dma_start3A_174 = tpu.memref_slice %arg4[%add3A_70] : memref<320000xi32, #tpu.memory_space<hbm>> -> memref<80xi32, #tpu.memory_space<hbm>>
      %dma_start3A_175 = tpu.memref_slice %arg4[%add3A_70] : memref<320000xi32, #tpu.memory_space<hbm>> -> memref<80xi32, #tpu.memory_space<hbm>>
      tpu.enqueue_dma source(%dma_start3A_175 : memref<80xi32, #tpu.memory_space<hbm>>) target(%arg13 : memref<80xi32, #tpu.memory_space<vmem>>) target_semaphore(%run_scoped3A : memref<!tpu.dma_semaphore, #tpu.memory_space<semaphore_mem>>)
      %dma_wait3A_176 = tpu.memref_slice %arg4[%add3A_70] : memref<320000xi32, #tpu.memory_space<hbm>> -> memref<80xi32, #tpu.memory_space<hbm>>
      %dma_wait3A_177 = tpu.memref_slice %arg4[%add3A_70] : memref<320000xi32, #tpu.memory_space<hbm>> -> memref<80xi32, #tpu.memory_space<hbm>>
      tpu.wait_dma2 semaphore(%run_scoped3A : memref<!tpu.dma_semaphore, #tpu.memory_space<semaphore_mem>>) src(%dma_wait3A_177 : memref<80xi32, #tpu.memory_space<hbm>>) dst(%arg13 : memref<80xi32, #tpu.memory_space<vmem>>)
      tpu.yield
    }) : () -> ()
    %dma_start3A_71 = arith.constant 0 : i32
    %dma_start3A_72 = arith.constant 0 : i32
    %dma_start3A_73 = tpu.memref_slice %arg2[%dma_start3A_71, %dma_start3A_72] : memref<10000x128xf32, #tpu.memory_space<hbm>> -> memref<10000x128xf32, #tpu.memory_space<hbm>>
    tpu.enqueue_indirect_dma source(%dma_start3A_73 : memref<10000x128xf32, #tpu.memory_space<hbm>>) target(%arg17 : memref<80x128xf32, #tpu.memory_space<vmem>>) offsets(%arg9 : memref<80xi32, #tpu.memory_space<vmem>>) semaphore(%arg22 : memref<!tpu.dma_semaphore, #tpu.memory_space<semaphore_mem>>)
    %dma_wait3A_74 = arith.constant 0 : i32
    %dma_wait3A_75 = arith.constant 0 : i32
    %dma_wait3A_76 = tpu.memref_slice %arg2[%dma_wait3A_74, %dma_wait3A_75] : memref<10000x128xf32, #tpu.memory_space<hbm>> -> memref<10000x128xf32, #tpu.memory_space<hbm>>
    tpu.wait_indirect_dma semaphore(%arg24 : memref<!tpu.dma_semaphore, #tpu.memory_space<semaphore_mem>>) src(%dma_wait3A_76 : memref<10000x128xf32, #tpu.memory_space<hbm>>) dst(%arg19 : memref<80x128xf32, #tpu.memory_space<vmem>>)
    %dma_start3A_77 = arith.constant 0 : i32
    %dma_start3A_78 = arith.constant 0 : i32
    %dma_start3A_79 = tpu.memref_slice %arg21[%dma_start3A_77, %dma_start3A_78] : memref<10000x128xf32, #tpu.memory_space<vmem_shared>> -> memref<10000x128xf32, #tpu.memory_space<vmem_shared>>
    tpu.enqueue_indirect_dma source(%arg19 : memref<80x128xf32, #tpu.memory_space<vmem>>) target(%dma_start3A_79 : memref<10000x128xf32, #tpu.memory_space<vmem_shared>>) offsets(%arg15 : memref<80xi32, #tpu.memory_space<vmem>>) semaphore(%arg28 : memref<!tpu.dma_semaphore, #tpu.memory_space<semaphore_mem>>) {add = true}
    %dma_wait3A_80 = arith.constant 0 : i32
    %dma_wait3A_81 = arith.constant 0 : i32
    %dma_wait3A_82 = tpu.memref_slice %arg21[%dma_wait3A_80, %dma_wait3A_81] : memref<10000x128xf32, #tpu.memory_space<vmem_shared>> -> memref<10000x128xf32, #tpu.memory_space<vmem_shared>>
    tpu.wait_indirect_dma semaphore(%arg27 : memref<!tpu.dma_semaphore, #tpu.memory_space<semaphore_mem>>) src(%arg18 : memref<80x128xf32, #tpu.memory_space<vmem>>) dst(%dma_wait3A_82 : memref<10000x128xf32, #tpu.memory_space<vmem_shared>>)
    %add3A_83 = arith.constant 400 : i32
    %add3A_84 = arith.addi %mul3A_2, %add3A_83 : i32
    "tpu.region"() ({
      %run_scoped3A = tpu.sem_alloc : memref<!tpu.dma_semaphore, #tpu.memory_space<semaphore_mem>>
      %dma_start3A_174 = tpu.memref_slice %arg3[%add3A_84] : memref<320000xi32, #tpu.memory_space<hbm>> -> memref<80xi32, #tpu.memory_space<hbm>>
      %dma_start3A_175 = tpu.memref_slice %arg3[%add3A_84] : memref<320000xi32, #tpu.memory_space<hbm>> -> memref<80xi32, #tpu.memory_space<hbm>>
      tpu.enqueue_dma source(%dma_start3A_175 : memref<80xi32, #tpu.memory_space<hbm>>) target(%arg10 : memref<80xi32, #tpu.memory_space<vmem>>) target_semaphore(%run_scoped3A : memref<!tpu.dma_semaphore, #tpu.memory_space<semaphore_mem>>)
      %dma_wait3A_176 = tpu.memref_slice %arg3[%add3A_84] : memref<320000xi32, #tpu.memory_space<hbm>> -> memref<80xi32, #tpu.memory_space<hbm>>
      %dma_wait3A_177 = tpu.memref_slice %arg3[%add3A_84] : memref<320000xi32, #tpu.memory_space<hbm>> -> memref<80xi32, #tpu.memory_space<hbm>>
      tpu.wait_dma2 semaphore(%run_scoped3A : memref<!tpu.dma_semaphore, #tpu.memory_space<semaphore_mem>>) src(%dma_wait3A_177 : memref<80xi32, #tpu.memory_space<hbm>>) dst(%arg10 : memref<80xi32, #tpu.memory_space<vmem>>)
      tpu.yield
    }) : () -> ()
    "tpu.region"() ({
      %run_scoped3A = tpu.sem_alloc : memref<!tpu.dma_semaphore, #tpu.memory_space<semaphore_mem>>
      %dma_start3A_174 = tpu.memref_slice %arg4[%add3A_84] : memref<320000xi32, #tpu.memory_space<hbm>> -> memref<80xi32, #tpu.memory_space<hbm>>
      %dma_start3A_175 = tpu.memref_slice %arg4[%add3A_84] : memref<320000xi32, #tpu.memory_space<hbm>> -> memref<80xi32, #tpu.memory_space<hbm>>
      tpu.enqueue_dma source(%dma_start3A_175 : memref<80xi32, #tpu.memory_space<hbm>>) target(%arg14 : memref<80xi32, #tpu.memory_space<vmem>>) target_semaphore(%run_scoped3A : memref<!tpu.dma_semaphore, #tpu.memory_space<semaphore_mem>>)
      %dma_wait3A_176 = tpu.memref_slice %arg4[%add3A_84] : memref<320000xi32, #tpu.memory_space<hbm>> -> memref<80xi32, #tpu.memory_space<hbm>>
      %dma_wait3A_177 = tpu.memref_slice %arg4[%add3A_84] : memref<320000xi32, #tpu.memory_space<hbm>> -> memref<80xi32, #tpu.memory_space<hbm>>
      tpu.wait_dma2 semaphore(%run_scoped3A : memref<!tpu.dma_semaphore, #tpu.memory_space<semaphore_mem>>) src(%dma_wait3A_177 : memref<80xi32, #tpu.memory_space<hbm>>) dst(%arg14 : memref<80xi32, #tpu.memory_space<vmem>>)
      tpu.yield
    }) : () -> ()
    %dma_start3A_85 = arith.constant 0 : i32
    %dma_start3A_86 = arith.constant 0 : i32
    %dma_start3A_87 = tpu.memref_slice %arg2[%dma_start3A_85, %dma_start3A_86] : memref<10000x128xf32, #tpu.memory_space<hbm>> -> memref<10000x128xf32, #tpu.memory_space<hbm>>
    tpu.enqueue_indirect_dma source(%dma_start3A_87 : memref<10000x128xf32, #tpu.memory_space<hbm>>) target(%arg18 : memref<80x128xf32, #tpu.memory_space<vmem>>) offsets(%arg10 : memref<80xi32, #tpu.memory_space<vmem>>) semaphore(%arg23 : memref<!tpu.dma_semaphore, #tpu.memory_space<semaphore_mem>>)
    %dma_wait3A_88 = arith.constant 0 : i32
    %dma_wait3A_89 = arith.constant 0 : i32
    %dma_wait3A_90 = tpu.memref_slice %arg2[%dma_wait3A_88, %dma_wait3A_89] : memref<10000x128xf32, #tpu.memory_space<hbm>> -> memref<10000x128xf32, #tpu.memory_space<hbm>>
    tpu.wait_indirect_dma semaphore(%arg25 : memref<!tpu.dma_semaphore, #tpu.memory_space<semaphore_mem>>) src(%dma_wait3A_90 : memref<10000x128xf32, #tpu.memory_space<hbm>>) dst(%arg20 : memref<80x128xf32, #tpu.memory_space<vmem>>)
    %dma_start3A_91 = arith.constant 0 : i32
    %dma_start3A_92 = arith.constant 0 : i32
    %dma_start3A_93 = tpu.memref_slice %arg21[%dma_start3A_91, %dma_start3A_92] : memref<10000x128xf32, #tpu.memory_space<vmem_shared>> -> memref<10000x128xf32, #tpu.memory_space<vmem_shared>>
    tpu.enqueue_indirect_dma source(%arg20 : memref<80x128xf32, #tpu.memory_space<vmem>>) target(%dma_start3A_93 : memref<10000x128xf32, #tpu.memory_space<vmem_shared>>) offsets(%arg16 : memref<80xi32, #tpu.memory_space<vmem>>) semaphore(%arg29 : memref<!tpu.dma_semaphore, #tpu.memory_space<semaphore_mem>>) {add = true}
    %scan3A_94 = arith.constant 0 : i32
    %scan3A_95 = arith.constant 0 : i32
    %scan3A_96 = arith.constant 29 : i32
    %scan3A_97 = arith.addi %scan3A_95, %scan3A_96 : i32
    %scan3A_98 = arith.constant 1 : i32
    scf.for %scan3A_174 = %scan3A_95 to %scan3A_97 step %scan3A_98  : i32 {
      %mul3A_175 = arith.constant 4 : i32
      %mul3A_176 = arith.muli %mul3A_175, %scan3A_174 : i32
      %add3A_177 = arith.constant 4 : i32
      %add3A_178 = arith.addi %add3A_177, %mul3A_176 : i32
      %add3A_179 = arith.constant 0 : i32
      %add3A_180 = arith.addi %add3A_178, %add3A_179 : i32
      %dma_wait3A_181 = arith.constant 0 : i32
      %dma_wait3A_182 = arith.constant 0 : i32
      %dma_wait3A_183 = tpu.memref_slice %arg21[%dma_wait3A_181, %dma_wait3A_182] : memref<10000x128xf32, #tpu.memory_space<vmem_shared>> -> memref<10000x128xf32, #tpu.memory_space<vmem_shared>>
      tpu.wait_indirect_dma semaphore(%arg28 : memref<!tpu.dma_semaphore, #tpu.memory_space<semaphore_mem>>) src(%arg19 : memref<80x128xf32, #tpu.memory_space<vmem>>) dst(%dma_wait3A_183 : memref<10000x128xf32, #tpu.memory_space<vmem_shared>>)
      %add3A_184 = arith.constant 2 : i32
      %add3A_185 = arith.addi %add3A_180, %add3A_184 : i32
      %mul3A_186 = arith.constant 80 : i32
      %mul3A_187 = arith.muli %add3A_185, %mul3A_186 : i32
      %add3A_188 = arith.addi %mul3A_2, %mul3A_187 : i32
      "tpu.region"() ({
        %run_scoped3A = tpu.sem_alloc : memref<!tpu.dma_semaphore, #tpu.memory_space<semaphore_mem>>
        %dma_start3A_255 = tpu.memref_slice %arg3[%add3A_188] : memref<320000xi32, #tpu.memory_space<hbm>> -> memref<80xi32, #tpu.memory_space<hbm>>
        %dma_start3A_256 = tpu.memref_slice %arg3[%add3A_188] : memref<320000xi32, #tpu.memory_space<hbm>> -> memref<80xi32, #tpu.memory_space<hbm>>
        tpu.enqueue_dma source(%dma_start3A_256 : memref<80xi32, #tpu.memory_space<hbm>>) target(%arg11 : memref<80xi32, #tpu.memory_space<vmem>>) target_semaphore(%run_scoped3A : memref<!tpu.dma_semaphore, #tpu.memory_space<semaphore_mem>>)
        %dma_wait3A_257 = tpu.memref_slice %arg3[%add3A_188] : memref<320000xi32, #tpu.memory_space<hbm>> -> memref<80xi32, #tpu.memory_space<hbm>>
        %dma_wait3A_258 = tpu.memref_slice %arg3[%add3A_188] : memref<320000xi32, #tpu.memory_space<hbm>> -> memref<80xi32, #tpu.memory_space<hbm>>
        tpu.wait_dma2 semaphore(%run_scoped3A : memref<!tpu.dma_semaphore, #tpu.memory_space<semaphore_mem>>) src(%dma_wait3A_258 : memref<80xi32, #tpu.memory_space<hbm>>) dst(%arg11 : memref<80xi32, #tpu.memory_space<vmem>>)
        tpu.yield
      }) : () -> ()
      "tpu.region"() ({
        %run_scoped3A = tpu.sem_alloc : memref<!tpu.dma_semaphore, #tpu.memory_space<semaphore_mem>>
        %dma_start3A_255 = tpu.memref_slice %arg4[%add3A_188] : memref<320000xi32, #tpu.memory_space<hbm>> -> memref<80xi32, #tpu.memory_space<hbm>>
        %dma_start3A_256 = tpu.memref_slice %arg4[%add3A_188] : memref<320000xi32, #tpu.memory_space<hbm>> -> memref<80xi32, #tpu.memory_space<hbm>>
        tpu.enqueue_dma source(%dma_start3A_256 : memref<80xi32, #tpu.memory_space<hbm>>) target(%arg15 : memref<80xi32, #tpu.memory_space<vmem>>) target_semaphore(%run_scoped3A : memref<!tpu.dma_semaphore, #tpu.memory_space<semaphore_mem>>)
        %dma_wait3A_257 = tpu.memref_slice %arg4[%add3A_188] : memref<320000xi32, #tpu.memory_space<hbm>> -> memref<80xi32, #tpu.memory_space<hbm>>
        %dma_wait3A_258 = tpu.memref_slice %arg4[%add3A_188] : memref<320000xi32, #tpu.memory_space<hbm>> -> memref<80xi32, #tpu.memory_space<hbm>>
        tpu.wait_dma2 semaphore(%run_scoped3A : memref<!tpu.dma_semaphore, #tpu.memory_space<semaphore_mem>>) src(%dma_wait3A_258 : memref<80xi32, #tpu.memory_space<hbm>>) dst(%arg15 : memref<80xi32, #tpu.memory_space<vmem>>)
        tpu.yield
      }) : () -> ()
      %dma_start3A_189 = arith.constant 0 : i32
      %dma_start3A_190 = arith.constant 0 : i32
      %dma_start3A_191 = tpu.memref_slice %arg2[%dma_start3A_189, %dma_start3A_190] : memref<10000x128xf32, #tpu.memory_space<hbm>> -> memref<10000x128xf32, #tpu.memory_space<hbm>>
      tpu.enqueue_indirect_dma source(%dma_start3A_191 : memref<10000x128xf32, #tpu.memory_space<hbm>>) target(%arg19 : memref<80x128xf32, #tpu.memory_space<vmem>>) offsets(%arg11 : memref<80xi32, #tpu.memory_space<vmem>>) semaphore(%arg24 : memref<!tpu.dma_semaphore, #tpu.memory_space<semaphore_mem>>)
      %dma_wait3A_192 = arith.constant 0 : i32
      %dma_wait3A_193 = arith.constant 0 : i32
      %dma_wait3A_194 = tpu.memref_slice %arg2[%dma_wait3A_192, %dma_wait3A_193] : memref<10000x128xf32, #tpu.memory_space<hbm>> -> memref<10000x128xf32, #tpu.memory_space<hbm>>
      tpu.wait_indirect_dma semaphore(%arg22 : memref<!tpu.dma_semaphore, #tpu.memory_space<semaphore_mem>>) src(%dma_wait3A_194 : memref<10000x128xf32, #tpu.memory_space<hbm>>) dst(%arg17 : memref<80x128xf32, #tpu.memory_space<vmem>>)
      %dma_start3A_195 = arith.constant 0 : i32
      %dma_start3A_196 = arith.constant 0 : i32
      %dma_start3A_197 = tpu.memref_slice %arg21[%dma_start3A_195, %dma_start3A_196] : memref<10000x128xf32, #tpu.memory_space<vmem_shared>> -> memref<10000x128xf32, #tpu.memory_space<vmem_shared>>
      tpu.enqueue_indirect_dma source(%arg17 : memref<80x128xf32, #tpu.memory_space<vmem>>) target(%dma_start3A_197 : memref<10000x128xf32, #tpu.memory_space<vmem_shared>>) offsets(%arg13 : memref<80xi32, #tpu.memory_space<vmem>>) semaphore(%arg26 : memref<!tpu.dma_semaphore, #tpu.memory_space<semaphore_mem>>) {add = true}
      %add3A_198 = arith.constant 1 : i32
      %add3A_199 = arith.addi %add3A_178, %add3A_198 : i32
      %dma_wait3A_200 = arith.constant 0 : i32
      %dma_wait3A_201 = arith.constant 0 : i32
      %dma_wait3A_202 = tpu.memref_slice %arg21[%dma_wait3A_200, %dma_wait3A_201] : memref<10000x128xf32, #tpu.memory_space<vmem_shared>> -> memref<10000x128xf32, #tpu.memory_space<vmem_shared>>
      tpu.wait_indirect_dma semaphore(%arg29 : memref<!tpu.dma_semaphore, #tpu.memory_space<semaphore_mem>>) src(%arg20 : memref<80x128xf32, #tpu.memory_space<vmem>>) dst(%dma_wait3A_202 : memref<10000x128xf32, #tpu.memory_space<vmem_shared>>)
      %add3A_203 = arith.constant 2 : i32
      %add3A_204 = arith.addi %add3A_199, %add3A_203 : i32
      %mul3A_205 = arith.constant 80 : i32
      %mul3A_206 = arith.muli %add3A_204, %mul3A_205 : i32
      %add3A_207 = arith.addi %mul3A_2, %mul3A_206 : i32
      "tpu.region"() ({
        %run_scoped3A = tpu.sem_alloc : memref<!tpu.dma_semaphore, #tpu.memory_space<semaphore_mem>>
        %dma_start3A_255 = tpu.memref_slice %arg3[%add3A_207] : memref<320000xi32, #tpu.memory_space<hbm>> -> memref<80xi32, #tpu.memory_space<hbm>>
        %dma_start3A_256 = tpu.memref_slice %arg3[%add3A_207] : memref<320000xi32, #tpu.memory_space<hbm>> -> memref<80xi32, #tpu.memory_space<hbm>>
        tpu.enqueue_dma source(%dma_start3A_256 : memref<80xi32, #tpu.memory_space<hbm>>) target(%arg12 : memref<80xi32, #tpu.memory_space<vmem>>) target_semaphore(%run_scoped3A : memref<!tpu.dma_semaphore, #tpu.memory_space<semaphore_mem>>)
        %dma_wait3A_257 = tpu.memref_slice %arg3[%add3A_207] : memref<320000xi32, #tpu.memory_space<hbm>> -> memref<80xi32, #tpu.memory_space<hbm>>
        %dma_wait3A_258 = tpu.memref_slice %arg3[%add3A_207] : memref<320000xi32, #tpu.memory_space<hbm>> -> memref<80xi32, #tpu.memory_space<hbm>>
        tpu.wait_dma2 semaphore(%run_scoped3A : memref<!tpu.dma_semaphore, #tpu.memory_space<semaphore_mem>>) src(%dma_wait3A_258 : memref<80xi32, #tpu.memory_space<hbm>>) dst(%arg12 : memref<80xi32, #tpu.memory_space<vmem>>)
        tpu.yield
      }) : () -> ()
      "tpu.region"() ({
        %run_scoped3A = tpu.sem_alloc : memref<!tpu.dma_semaphore, #tpu.memory_space<semaphore_mem>>
        %dma_start3A_255 = tpu.memref_slice %arg4[%add3A_207] : memref<320000xi32, #tpu.memory_space<hbm>> -> memref<80xi32, #tpu.memory_space<hbm>>
        %dma_start3A_256 = tpu.memref_slice %arg4[%add3A_207] : memref<320000xi32, #tpu.memory_space<hbm>> -> memref<80xi32, #tpu.memory_space<hbm>>
        tpu.enqueue_dma source(%dma_start3A_256 : memref<80xi32, #tpu.memory_space<hbm>>) target(%arg16 : memref<80xi32, #tpu.memory_space<vmem>>) target_semaphore(%run_scoped3A : memref<!tpu.dma_semaphore, #tpu.memory_space<semaphore_mem>>)
        %dma_wait3A_257 = tpu.memref_slice %arg4[%add3A_207] : memref<320000xi32, #tpu.memory_space<hbm>> -> memref<80xi32, #tpu.memory_space<hbm>>
        %dma_wait3A_258 = tpu.memref_slice %arg4[%add3A_207] : memref<320000xi32, #tpu.memory_space<hbm>> -> memref<80xi32, #tpu.memory_space<hbm>>
        tpu.wait_dma2 semaphore(%run_scoped3A : memref<!tpu.dma_semaphore, #tpu.memory_space<semaphore_mem>>) src(%dma_wait3A_258 : memref<80xi32, #tpu.memory_space<hbm>>) dst(%arg16 : memref<80xi32, #tpu.memory_space<vmem>>)
        tpu.yield
      }) : () -> ()
      %dma_start3A_208 = arith.constant 0 : i32
      %dma_start3A_209 = arith.constant 0 : i32
      %dma_start3A_210 = tpu.memref_slice %arg2[%dma_start3A_208, %dma_start3A_209] : memref<10000x128xf32, #tpu.memory_space<hbm>> -> memref<10000x128xf32, #tpu.memory_space<hbm>>
      tpu.enqueue_indirect_dma source(%dma_start3A_210 : memref<10000x128xf32, #tpu.memory_space<hbm>>) target(%arg20 : memref<80x128xf32, #tpu.memory_space<vmem>>) offsets(%arg12 : memref<80xi32, #tpu.memory_space<vmem>>) semaphore(%arg25 : memref<!tpu.dma_semaphore, #tpu.memory_space<semaphore_mem>>)
      %dma_wait3A_211 = arith.constant 0 : i32
      %dma_wait3A_212 = arith.constant 0 : i32
      %dma_wait3A_213 = tpu.memref_slice %arg2[%dma_wait3A_211, %dma_wait3A_212] : memref<10000x128xf32, #tpu.memory_space<hbm>> -> memref<10000x128xf32, #tpu.memory_space<hbm>>
      tpu.wait_indirect_dma semaphore(%arg23 : memref<!tpu.dma_semaphore, #tpu.memory_space<semaphore_mem>>) src(%dma_wait3A_213 : memref<10000x128xf32, #tpu.memory_space<hbm>>) dst(%arg18 : memref<80x128xf32, #tpu.memory_space<vmem>>)
      %dma_start3A_214 = arith.constant 0 : i32
      %dma_start3A_215 = arith.constant 0 : i32
      %dma_start3A_216 = tpu.memref_slice %arg21[%dma_start3A_214, %dma_start3A_215] : memref<10000x128xf32, #tpu.memory_space<vmem_shared>> -> memref<10000x128xf32, #tpu.memory_space<vmem_shared>>
      tpu.enqueue_indirect_dma source(%arg18 : memref<80x128xf32, #tpu.memory_space<vmem>>) target(%dma_start3A_216 : memref<10000x128xf32, #tpu.memory_space<vmem_shared>>) offsets(%arg14 : memref<80xi32, #tpu.memory_space<vmem>>) semaphore(%arg27 : memref<!tpu.dma_semaphore, #tpu.memory_space<semaphore_mem>>) {add = true}
      %add3A_217 = arith.constant 2 : i32
      %add3A_218 = arith.addi %add3A_178, %add3A_217 : i32
      %dma_wait3A_219 = arith.constant 0 : i32
      %dma_wait3A_220 = arith.constant 0 : i32
      %dma_wait3A_221 = tpu.memref_slice %arg21[%dma_wait3A_219, %dma_wait3A_220] : memref<10000x128xf32, #tpu.memory_space<vmem_shared>> -> memref<10000x128xf32, #tpu.memory_space<vmem_shared>>
      tpu.wait_indirect_dma semaphore(%arg26 : memref<!tpu.dma_semaphore, #tpu.memory_space<semaphore_mem>>) src(%arg17 : memref<80x128xf32, #tpu.memory_space<vmem>>) dst(%dma_wait3A_221 : memref<10000x128xf32, #tpu.memory_space<vmem_shared>>)
      %add3A_222 = arith.constant 2 : i32
      %add3A_223 = arith.addi %add3A_218, %add3A_222 : i32
      %mul3A_224 = arith.constant 80 : i32
      %mul3A_225 = arith.muli %add3A_223, %mul3A_224 : i32
      %add3A_226 = arith.addi %mul3A_2, %mul3A_225 : i32
      "tpu.region"() ({
        %run_scoped3A = tpu.sem_alloc : memref<!tpu.dma_semaphore, #tpu.memory_space<semaphore_mem>>
        %dma_start3A_255 = tpu.memref_slice %arg3[%add3A_226] : memref<320000xi32, #tpu.memory_space<hbm>> -> memref<80xi32, #tpu.memory_space<hbm>>
        %dma_start3A_256 = tpu.memref_slice %arg3[%add3A_226] : memref<320000xi32, #tpu.memory_space<hbm>> -> memref<80xi32, #tpu.memory_space<hbm>>
        tpu.enqueue_dma source(%dma_start3A_256 : memref<80xi32, #tpu.memory_space<hbm>>) target(%arg9 : memref<80xi32, #tpu.memory_space<vmem>>) target_semaphore(%run_scoped3A : memref<!tpu.dma_semaphore, #tpu.memory_space<semaphore_mem>>)
        %dma_wait3A_257 = tpu.memref_slice %arg3[%add3A_226] : memref<320000xi32, #tpu.memory_space<hbm>> -> memref<80xi32, #tpu.memory_space<hbm>>
        %dma_wait3A_258 = tpu.memref_slice %arg3[%add3A_226] : memref<320000xi32, #tpu.memory_space<hbm>> -> memref<80xi32, #tpu.memory_space<hbm>>
        tpu.wait_dma2 semaphore(%run_scoped3A : memref<!tpu.dma_semaphore, #tpu.memory_space<semaphore_mem>>) src(%dma_wait3A_258 : memref<80xi32, #tpu.memory_space<hbm>>) dst(%arg9 : memref<80xi32, #tpu.memory_space<vmem>>)
        tpu.yield
      }) : () -> ()
      "tpu.region"() ({
        %run_scoped3A = tpu.sem_alloc : memref<!tpu.dma_semaphore, #tpu.memory_space<semaphore_mem>>
        %dma_start3A_255 = tpu.memref_slice %arg4[%add3A_226] : memref<320000xi32, #tpu.memory_space<hbm>> -> memref<80xi32, #tpu.memory_space<hbm>>
        %dma_start3A_256 = tpu.memref_slice %arg4[%add3A_226] : memref<320000xi32, #tpu.memory_space<hbm>> -> memref<80xi32, #tpu.memory_space<hbm>>
        tpu.enqueue_dma source(%dma_start3A_256 : memref<80xi32, #tpu.memory_space<hbm>>) target(%arg13 : memref<80xi32, #tpu.memory_space<vmem>>) target_semaphore(%run_scoped3A : memref<!tpu.dma_semaphore, #tpu.memory_space<semaphore_mem>>)
        %dma_wait3A_257 = tpu.memref_slice %arg4[%add3A_226] : memref<320000xi32, #tpu.memory_space<hbm>> -> memref<80xi32, #tpu.memory_space<hbm>>
        %dma_wait3A_258 = tpu.memref_slice %arg4[%add3A_226] : memref<320000xi32, #tpu.memory_space<hbm>> -> memref<80xi32, #tpu.memory_space<hbm>>
        tpu.wait_dma2 semaphore(%run_scoped3A : memref<!tpu.dma_semaphore, #tpu.memory_space<semaphore_mem>>) src(%dma_wait3A_258 : memref<80xi32, #tpu.memory_space<hbm>>) dst(%arg13 : memref<80xi32, #tpu.memory_space<vmem>>)
        tpu.yield
      }) : () -> ()
      %dma_start3A_227 = arith.constant 0 : i32
      %dma_start3A_228 = arith.constant 0 : i32
      %dma_start3A_229 = tpu.memref_slice %arg2[%dma_start3A_227, %dma_start3A_228] : memref<10000x128xf32, #tpu.memory_space<hbm>> -> memref<10000x128xf32, #tpu.memory_space<hbm>>
      tpu.enqueue_indirect_dma source(%dma_start3A_229 : memref<10000x128xf32, #tpu.memory_space<hbm>>) target(%arg17 : memref<80x128xf32, #tpu.memory_space<vmem>>) offsets(%arg9 : memref<80xi32, #tpu.memory_space<vmem>>) semaphore(%arg22 : memref<!tpu.dma_semaphore, #tpu.memory_space<semaphore_mem>>)
      %dma_wait3A_230 = arith.constant 0 : i32
      %dma_wait3A_231 = arith.constant 0 : i32
      %dma_wait3A_232 = tpu.memref_slice %arg2[%dma_wait3A_230, %dma_wait3A_231] : memref<10000x128xf32, #tpu.memory_space<hbm>> -> memref<10000x128xf32, #tpu.memory_space<hbm>>
      tpu.wait_indirect_dma semaphore(%arg24 : memref<!tpu.dma_semaphore, #tpu.memory_space<semaphore_mem>>) src(%dma_wait3A_232 : memref<10000x128xf32, #tpu.memory_space<hbm>>) dst(%arg19 : memref<80x128xf32, #tpu.memory_space<vmem>>)
      %dma_start3A_233 = arith.constant 0 : i32
      %dma_start3A_234 = arith.constant 0 : i32
      %dma_start3A_235 = tpu.memref_slice %arg21[%dma_start3A_233, %dma_start3A_234] : memref<10000x128xf32, #tpu.memory_space<vmem_shared>> -> memref<10000x128xf32, #tpu.memory_space<vmem_shared>>
      tpu.enqueue_indirect_dma source(%arg19 : memref<80x128xf32, #tpu.memory_space<vmem>>) target(%dma_start3A_235 : memref<10000x128xf32, #tpu.memory_space<vmem_shared>>) offsets(%arg15 : memref<80xi32, #tpu.memory_space<vmem>>) semaphore(%arg28 : memref<!tpu.dma_semaphore, #tpu.memory_space<semaphore_mem>>) {add = true}
      %add3A_236 = arith.constant 3 : i32
      %add3A_237 = arith.addi %add3A_178, %add3A_236 : i32
      %dma_wait3A_238 = arith.constant 0 : i32
      %dma_wait3A_239 = arith.constant 0 : i32
      %dma_wait3A_240 = tpu.memref_slice %arg21[%dma_wait3A_238, %dma_wait3A_239] : memref<10000x128xf32, #tpu.memory_space<vmem_shared>> -> memref<10000x128xf32, #tpu.memory_space<vmem_shared>>
      tpu.wait_indirect_dma semaphore(%arg27 : memref<!tpu.dma_semaphore, #tpu.memory_space<semaphore_mem>>) src(%arg18 : memref<80x128xf32, #tpu.memory_space<vmem>>) dst(%dma_wait3A_240 : memref<10000x128xf32, #tpu.memory_space<vmem_shared>>)
      %add3A_241 = arith.constant 2 : i32
      %add3A_242 = arith.addi %add3A_237, %add3A_241 : i32
      %mul3A_243 = arith.constant 80 : i32
      %mul3A_244 = arith.muli %add3A_242, %mul3A_243 : i32
      %add3A_245 = arith.addi %mul3A_2, %mul3A_244 : i32
      "tpu.region"() ({
        %run_scoped3A = tpu.sem_alloc : memref<!tpu.dma_semaphore, #tpu.memory_space<semaphore_mem>>
        %dma_start3A_255 = tpu.memref_slice %arg3[%add3A_245] : memref<320000xi32, #tpu.memory_space<hbm>> -> memref<80xi32, #tpu.memory_space<hbm>>
        %dma_start3A_256 = tpu.memref_slice %arg3[%add3A_245] : memref<320000xi32, #tpu.memory_space<hbm>> -> memref<80xi32, #tpu.memory_space<hbm>>
        tpu.enqueue_dma source(%dma_start3A_256 : memref<80xi32, #tpu.memory_space<hbm>>) target(%arg10 : memref<80xi32, #tpu.memory_space<vmem>>) target_semaphore(%run_scoped3A : memref<!tpu.dma_semaphore, #tpu.memory_space<semaphore_mem>>)
        %dma_wait3A_257 = tpu.memref_slice %arg3[%add3A_245] : memref<320000xi32, #tpu.memory_space<hbm>> -> memref<80xi32, #tpu.memory_space<hbm>>
        %dma_wait3A_258 = tpu.memref_slice %arg3[%add3A_245] : memref<320000xi32, #tpu.memory_space<hbm>> -> memref<80xi32, #tpu.memory_space<hbm>>
        tpu.wait_dma2 semaphore(%run_scoped3A : memref<!tpu.dma_semaphore, #tpu.memory_space<semaphore_mem>>) src(%dma_wait3A_258 : memref<80xi32, #tpu.memory_space<hbm>>) dst(%arg10 : memref<80xi32, #tpu.memory_space<vmem>>)
        tpu.yield
      }) : () -> ()
      "tpu.region"() ({
        %run_scoped3A = tpu.sem_alloc : memref<!tpu.dma_semaphore, #tpu.memory_space<semaphore_mem>>
        %dma_start3A_255 = tpu.memref_slice %arg4[%add3A_245] : memref<320000xi32, #tpu.memory_space<hbm>> -> memref<80xi32, #tpu.memory_space<hbm>>
        %dma_start3A_256 = tpu.memref_slice %arg4[%add3A_245] : memref<320000xi32, #tpu.memory_space<hbm>> -> memref<80xi32, #tpu.memory_space<hbm>>
        tpu.enqueue_dma source(%dma_start3A_256 : memref<80xi32, #tpu.memory_space<hbm>>) target(%arg14 : memref<80xi32, #tpu.memory_space<vmem>>) target_semaphore(%run_scoped3A : memref<!tpu.dma_semaphore, #tpu.memory_space<semaphore_mem>>)
        %dma_wait3A_257 = tpu.memref_slice %arg4[%add3A_245] : memref<320000xi32, #tpu.memory_space<hbm>> -> memref<80xi32, #tpu.memory_space<hbm>>
        %dma_wait3A_258 = tpu.memref_slice %arg4[%add3A_245] : memref<320000xi32, #tpu.memory_space<hbm>> -> memref<80xi32, #tpu.memory_space<hbm>>
        tpu.wait_dma2 semaphore(%run_scoped3A : memref<!tpu.dma_semaphore, #tpu.memory_space<semaphore_mem>>) src(%dma_wait3A_258 : memref<80xi32, #tpu.memory_space<hbm>>) dst(%arg14 : memref<80xi32, #tpu.memory_space<vmem>>)
        tpu.yield
      }) : () -> ()
      %dma_start3A_246 = arith.constant 0 : i32
      %dma_start3A_247 = arith.constant 0 : i32
      %dma_start3A_248 = tpu.memref_slice %arg2[%dma_start3A_246, %dma_start3A_247] : memref<10000x128xf32, #tpu.memory_space<hbm>> -> memref<10000x128xf32, #tpu.memory_space<hbm>>
      tpu.enqueue_indirect_dma source(%dma_start3A_248 : memref<10000x128xf32, #tpu.memory_space<hbm>>) target(%arg18 : memref<80x128xf32, #tpu.memory_space<vmem>>) offsets(%arg10 : memref<80xi32, #tpu.memory_space<vmem>>) semaphore(%arg23 : memref<!tpu.dma_semaphore, #tpu.memory_space<semaphore_mem>>)
      %dma_wait3A_249 = arith.constant 0 : i32
      %dma_wait3A_250 = arith.constant 0 : i32
      %dma_wait3A_251 = tpu.memref_slice %arg2[%dma_wait3A_249, %dma_wait3A_250] : memref<10000x128xf32, #tpu.memory_space<hbm>> -> memref<10000x128xf32, #tpu.memory_space<hbm>>
      tpu.wait_indirect_dma semaphore(%arg25 : memref<!tpu.dma_semaphore, #tpu.memory_space<semaphore_mem>>) src(%dma_wait3A_251 : memref<10000x128xf32, #tpu.memory_space<hbm>>) dst(%arg20 : memref<80x128xf32, #tpu.memory_space<vmem>>)
      %dma_start3A_252 = arith.constant 0 : i32
      %dma_start3A_253 = arith.constant 0 : i32
      %dma_start3A_254 = tpu.memref_slice %arg21[%dma_start3A_252, %dma_start3A_253] : memref<10000x128xf32, #tpu.memory_space<vmem_shared>> -> memref<10000x128xf32, #tpu.memory_space<vmem_shared>>
      tpu.enqueue_indirect_dma source(%arg20 : memref<80x128xf32, #tpu.memory_space<vmem>>) target(%dma_start3A_254 : memref<10000x128xf32, #tpu.memory_space<vmem_shared>>) offsets(%arg16 : memref<80xi32, #tpu.memory_space<vmem>>) semaphore(%arg29 : memref<!tpu.dma_semaphore, #tpu.memory_space<semaphore_mem>>) {add = true}
    }
    %scan3A_99 = arith.constant 29 : i32
    %dma_wait3A_100 = arith.constant 0 : i32
    %dma_wait3A_101 = arith.constant 0 : i32
    %dma_wait3A_102 = tpu.memref_slice %arg21[%dma_wait3A_100, %dma_wait3A_101] : memref<10000x128xf32, #tpu.memory_space<vmem_shared>> -> memref<10000x128xf32, #tpu.memory_space<vmem_shared>>
    tpu.wait_indirect_dma semaphore(%arg28 : memref<!tpu.dma_semaphore, #tpu.memory_space<semaphore_mem>>) src(%arg19 : memref<80x128xf32, #tpu.memory_space<vmem>>) dst(%dma_wait3A_102 : memref<10000x128xf32, #tpu.memory_space<vmem_shared>>)
    %add3A_103 = arith.constant 9760 : i32
    %add3A_104 = arith.addi %mul3A_2, %add3A_103 : i32
    "tpu.region"() ({
      %run_scoped3A = tpu.sem_alloc : memref<!tpu.dma_semaphore, #tpu.memory_space<semaphore_mem>>
      %dma_start3A_174 = tpu.memref_slice %arg3[%add3A_104] : memref<320000xi32, #tpu.memory_space<hbm>> -> memref<80xi32, #tpu.memory_space<hbm>>
      %dma_start3A_175 = tpu.memref_slice %arg3[%add3A_104] : memref<320000xi32, #tpu.memory_space<hbm>> -> memref<80xi32, #tpu.memory_space<hbm>>
      tpu.enqueue_dma source(%dma_start3A_175 : memref<80xi32, #tpu.memory_space<hbm>>) target(%arg11 : memref<80xi32, #tpu.memory_space<vmem>>) target_semaphore(%run_scoped3A : memref<!tpu.dma_semaphore, #tpu.memory_space<semaphore_mem>>)
      %dma_wait3A_176 = tpu.memref_slice %arg3[%add3A_104] : memref<320000xi32, #tpu.memory_space<hbm>> -> memref<80xi32, #tpu.memory_space<hbm>>
      %dma_wait3A_177 = tpu.memref_slice %arg3[%add3A_104] : memref<320000xi32, #tpu.memory_space<hbm>> -> memref<80xi32, #tpu.memory_space<hbm>>
      tpu.wait_dma2 semaphore(%run_scoped3A : memref<!tpu.dma_semaphore, #tpu.memory_space<semaphore_mem>>) src(%dma_wait3A_177 : memref<80xi32, #tpu.memory_space<hbm>>) dst(%arg11 : memref<80xi32, #tpu.memory_space<vmem>>)
      tpu.yield
    }) : () -> ()
    "tpu.region"() ({
      %run_scoped3A = tpu.sem_alloc : memref<!tpu.dma_semaphore, #tpu.memory_space<semaphore_mem>>
      %dma_start3A_174 = tpu.memref_slice %arg4[%add3A_104] : memref<320000xi32, #tpu.memory_space<hbm>> -> memref<80xi32, #tpu.memory_space<hbm>>
      %dma_start3A_175 = tpu.memref_slice %arg4[%add3A_104] : memref<320000xi32, #tpu.memory_space<hbm>> -> memref<80xi32, #tpu.memory_space<hbm>>
      tpu.enqueue_dma source(%dma_start3A_175 : memref<80xi32, #tpu.memory_space<hbm>>) target(%arg15 : memref<80xi32, #tpu.memory_space<vmem>>) target_semaphore(%run_scoped3A : memref<!tpu.dma_semaphore, #tpu.memory_space<semaphore_mem>>)
      %dma_wait3A_176 = tpu.memref_slice %arg4[%add3A_104] : memref<320000xi32, #tpu.memory_space<hbm>> -> memref<80xi32, #tpu.memory_space<hbm>>
      %dma_wait3A_177 = tpu.memref_slice %arg4[%add3A_104] : memref<320000xi32, #tpu.memory_space<hbm>> -> memref<80xi32, #tpu.memory_space<hbm>>
      tpu.wait_dma2 semaphore(%run_scoped3A : memref<!tpu.dma_semaphore, #tpu.memory_space<semaphore_mem>>) src(%dma_wait3A_177 : memref<80xi32, #tpu.memory_space<hbm>>) dst(%arg15 : memref<80xi32, #tpu.memory_space<vmem>>)
      tpu.yield
    }) : () -> ()
    %dma_start3A_105 = arith.constant 0 : i32
    %dma_start3A_106 = arith.constant 0 : i32
    %dma_start3A_107 = tpu.memref_slice %arg2[%dma_start3A_105, %dma_start3A_106] : memref<10000x128xf32, #tpu.memory_space<hbm>> -> memref<10000x128xf32, #tpu.memory_space<hbm>>
    tpu.enqueue_indirect_dma source(%dma_start3A_107 : memref<10000x128xf32, #tpu.memory_space<hbm>>) target(%arg19 : memref<80x128xf32, #tpu.memory_space<vmem>>) offsets(%arg11 : memref<80xi32, #tpu.memory_space<vmem>>) semaphore(%arg24 : memref<!tpu.dma_semaphore, #tpu.memory_space<semaphore_mem>>)
    %dma_wait3A_108 = arith.constant 0 : i32
    %dma_wait3A_109 = arith.constant 0 : i32
    %dma_wait3A_110 = tpu.memref_slice %arg2[%dma_wait3A_108, %dma_wait3A_109] : memref<10000x128xf32, #tpu.memory_space<hbm>> -> memref<10000x128xf32, #tpu.memory_space<hbm>>
    tpu.wait_indirect_dma semaphore(%arg22 : memref<!tpu.dma_semaphore, #tpu.memory_space<semaphore_mem>>) src(%dma_wait3A_110 : memref<10000x128xf32, #tpu.memory_space<hbm>>) dst(%arg17 : memref<80x128xf32, #tpu.memory_space<vmem>>)
    %dma_start3A_111 = arith.constant 0 : i32
    %dma_start3A_112 = arith.constant 0 : i32
    %dma_start3A_113 = tpu.memref_slice %arg21[%dma_start3A_111, %dma_start3A_112] : memref<10000x128xf32, #tpu.memory_space<vmem_shared>> -> memref<10000x128xf32, #tpu.memory_space<vmem_shared>>
    tpu.enqueue_indirect_dma source(%arg17 : memref<80x128xf32, #tpu.memory_space<vmem>>) target(%dma_start3A_113 : memref<10000x128xf32, #tpu.memory_space<vmem_shared>>) offsets(%arg13 : memref<80xi32, #tpu.memory_space<vmem>>) semaphore(%arg26 : memref<!tpu.dma_semaphore, #tpu.memory_space<semaphore_mem>>) {add = true}
    %dma_wait3A_114 = arith.constant 0 : i32
    %dma_wait3A_115 = arith.constant 0 : i32
    %dma_wait3A_116 = tpu.memref_slice %arg21[%dma_wait3A_114, %dma_wait3A_115] : memref<10000x128xf32, #tpu.memory_space<vmem_shared>> -> memref<10000x128xf32, #tpu.memory_space<vmem_shared>>
    tpu.wait_indirect_dma semaphore(%arg29 : memref<!tpu.dma_semaphore, #tpu.memory_space<semaphore_mem>>) src(%arg20 : memref<80x128xf32, #tpu.memory_space<vmem>>) dst(%dma_wait3A_116 : memref<10000x128xf32, #tpu.memory_space<vmem_shared>>)
    %add3A_117 = arith.constant 9840 : i32
    %add3A_118 = arith.addi %mul3A_2, %add3A_117 : i32
    "tpu.region"() ({
      %run_scoped3A = tpu.sem_alloc : memref<!tpu.dma_semaphore, #tpu.memory_space<semaphore_mem>>
      %dma_start3A_174 = tpu.memref_slice %arg3[%add3A_118] : memref<320000xi32, #tpu.memory_space<hbm>> -> memref<80xi32, #tpu.memory_space<hbm>>
      %dma_start3A_175 = tpu.memref_slice %arg3[%add3A_118] : memref<320000xi32, #tpu.memory_space<hbm>> -> memref<80xi32, #tpu.memory_space<hbm>>
      tpu.enqueue_dma source(%dma_start3A_175 : memref<80xi32, #tpu.memory_space<hbm>>) target(%arg12 : memref<80xi32, #tpu.memory_space<vmem>>) target_semaphore(%run_scoped3A : memref<!tpu.dma_semaphore, #tpu.memory_space<semaphore_mem>>)
      %dma_wait3A_176 = tpu.memref_slice %arg3[%add3A_118] : memref<320000xi32, #tpu.memory_space<hbm>> -> memref<80xi32, #tpu.memory_space<hbm>>
      %dma_wait3A_177 = tpu.memref_slice %arg3[%add3A_118] : memref<320000xi32, #tpu.memory_space<hbm>> -> memref<80xi32, #tpu.memory_space<hbm>>
      tpu.wait_dma2 semaphore(%run_scoped3A : memref<!tpu.dma_semaphore, #tpu.memory_space<semaphore_mem>>) src(%dma_wait3A_177 : memref<80xi32, #tpu.memory_space<hbm>>) dst(%arg12 : memref<80xi32, #tpu.memory_space<vmem>>)
      tpu.yield
    }) : () -> ()
    "tpu.region"() ({
      %run_scoped3A = tpu.sem_alloc : memref<!tpu.dma_semaphore, #tpu.memory_space<semaphore_mem>>
      %dma_start3A_174 = tpu.memref_slice %arg4[%add3A_118] : memref<320000xi32, #tpu.memory_space<hbm>> -> memref<80xi32, #tpu.memory_space<hbm>>
      %dma_start3A_175 = tpu.memref_slice %arg4[%add3A_118] : memref<320000xi32, #tpu.memory_space<hbm>> -> memref<80xi32, #tpu.memory_space<hbm>>
      tpu.enqueue_dma source(%dma_start3A_175 : memref<80xi32, #tpu.memory_space<hbm>>) target(%arg16 : memref<80xi32, #tpu.memory_space<vmem>>) target_semaphore(%run_scoped3A : memref<!tpu.dma_semaphore, #tpu.memory_space<semaphore_mem>>)
      %dma_wait3A_176 = tpu.memref_slice %arg4[%add3A_118] : memref<320000xi32, #tpu.memory_space<hbm>> -> memref<80xi32, #tpu.memory_space<hbm>>
      %dma_wait3A_177 = tpu.memref_slice %arg4[%add3A_118] : memref<320000xi32, #tpu.memory_space<hbm>> -> memref<80xi32, #tpu.memory_space<hbm>>
      tpu.wait_dma2 semaphore(%run_scoped3A : memref<!tpu.dma_semaphore, #tpu.memory_space<semaphore_mem>>) src(%dma_wait3A_177 : memref<80xi32, #tpu.memory_space<hbm>>) dst(%arg16 : memref<80xi32, #tpu.memory_space<vmem>>)
      tpu.yield
    }) : () -> ()
    %dma_start3A_119 = arith.constant 0 : i32
    %dma_start3A_120 = arith.constant 0 : i32
    %dma_start3A_121 = tpu.memref_slice %arg2[%dma_start3A_119, %dma_start3A_120] : memref<10000x128xf32, #tpu.memory_space<hbm>> -> memref<10000x128xf32, #tpu.memory_space<hbm>>
    tpu.enqueue_indirect_dma source(%dma_start3A_121 : memref<10000x128xf32, #tpu.memory_space<hbm>>) target(%arg20 : memref<80x128xf32, #tpu.memory_space<vmem>>) offsets(%arg12 : memref<80xi32, #tpu.memory_space<vmem>>) semaphore(%arg25 : memref<!tpu.dma_semaphore, #tpu.memory_space<semaphore_mem>>)
    %dma_wait3A_122 = arith.constant 0 : i32
    %dma_wait3A_123 = arith.constant 0 : i32
    %dma_wait3A_124 = tpu.memref_slice %arg2[%dma_wait3A_122, %dma_wait3A_123] : memref<10000x128xf32, #tpu.memory_space<hbm>> -> memref<10000x128xf32, #tpu.memory_space<hbm>>
    tpu.wait_indirect_dma semaphore(%arg23 : memref<!tpu.dma_semaphore, #tpu.memory_space<semaphore_mem>>) src(%dma_wait3A_124 : memref<10000x128xf32, #tpu.memory_space<hbm>>) dst(%arg18 : memref<80x128xf32, #tpu.memory_space<vmem>>)
    %dma_start3A_125 = arith.constant 0 : i32
    %dma_start3A_126 = arith.constant 0 : i32
    %dma_start3A_127 = tpu.memref_slice %arg21[%dma_start3A_125, %dma_start3A_126] : memref<10000x128xf32, #tpu.memory_space<vmem_shared>> -> memref<10000x128xf32, #tpu.memory_space<vmem_shared>>
    tpu.enqueue_indirect_dma source(%arg18 : memref<80x128xf32, #tpu.memory_space<vmem>>) target(%dma_start3A_127 : memref<10000x128xf32, #tpu.memory_space<vmem_shared>>) offsets(%arg14 : memref<80xi32, #tpu.memory_space<vmem>>) semaphore(%arg27 : memref<!tpu.dma_semaphore, #tpu.memory_space<semaphore_mem>>) {add = true}
    %dma_wait3A_128 = arith.constant 0 : i32
    %dma_wait3A_129 = arith.constant 0 : i32
    %dma_wait3A_130 = tpu.memref_slice %arg21[%dma_wait3A_128, %dma_wait3A_129] : memref<10000x128xf32, #tpu.memory_space<vmem_shared>> -> memref<10000x128xf32, #tpu.memory_space<vmem_shared>>
    tpu.wait_indirect_dma semaphore(%arg26 : memref<!tpu.dma_semaphore, #tpu.memory_space<semaphore_mem>>) src(%arg17 : memref<80x128xf32, #tpu.memory_space<vmem>>) dst(%dma_wait3A_130 : memref<10000x128xf32, #tpu.memory_space<vmem_shared>>)
    %add3A_131 = arith.constant 9920 : i32
    %add3A_132 = arith.addi %mul3A_2, %add3A_131 : i32
    "tpu.region"() ({
      %run_scoped3A = tpu.sem_alloc : memref<!tpu.dma_semaphore, #tpu.memory_space<semaphore_mem>>
      %dma_start3A_174 = tpu.memref_slice %arg3[%add3A_132] : memref<320000xi32, #tpu.memory_space<hbm>> -> memref<80xi32, #tpu.memory_space<hbm>>
      %dma_start3A_175 = tpu.memref_slice %arg3[%add3A_132] : memref<320000xi32, #tpu.memory_space<hbm>> -> memref<80xi32, #tpu.memory_space<hbm>>
      tpu.enqueue_dma source(%dma_start3A_175 : memref<80xi32, #tpu.memory_space<hbm>>) target(%arg9 : memref<80xi32, #tpu.memory_space<vmem>>) target_semaphore(%run_scoped3A : memref<!tpu.dma_semaphore, #tpu.memory_space<semaphore_mem>>)
      %dma_wait3A_176 = tpu.memref_slice %arg3[%add3A_132] : memref<320000xi32, #tpu.memory_space<hbm>> -> memref<80xi32, #tpu.memory_space<hbm>>
      %dma_wait3A_177 = tpu.memref_slice %arg3[%add3A_132] : memref<320000xi32, #tpu.memory_space<hbm>> -> memref<80xi32, #tpu.memory_space<hbm>>
      tpu.wait_dma2 semaphore(%run_scoped3A : memref<!tpu.dma_semaphore, #tpu.memory_space<semaphore_mem>>) src(%dma_wait3A_177 : memref<80xi32, #tpu.memory_space<hbm>>) dst(%arg9 : memref<80xi32, #tpu.memory_space<vmem>>)
      tpu.yield
    }) : () -> ()
    "tpu.region"() ({
      %run_scoped3A = tpu.sem_alloc : memref<!tpu.dma_semaphore, #tpu.memory_space<semaphore_mem>>
      %dma_start3A_174 = tpu.memref_slice %arg4[%add3A_132] : memref<320000xi32, #tpu.memory_space<hbm>> -> memref<80xi32, #tpu.memory_space<hbm>>
      %dma_start3A_175 = tpu.memref_slice %arg4[%add3A_132] : memref<320000xi32, #tpu.memory_space<hbm>> -> memref<80xi32, #tpu.memory_space<hbm>>
      tpu.enqueue_dma source(%dma_start3A_175 : memref<80xi32, #tpu.memory_space<hbm>>) target(%arg13 : memref<80xi32, #tpu.memory_space<vmem>>) target_semaphore(%run_scoped3A : memref<!tpu.dma_semaphore, #tpu.memory_space<semaphore_mem>>)
      %dma_wait3A_176 = tpu.memref_slice %arg4[%add3A_132] : memref<320000xi32, #tpu.memory_space<hbm>> -> memref<80xi32, #tpu.memory_space<hbm>>
      %dma_wait3A_177 = tpu.memref_slice %arg4[%add3A_132] : memref<320000xi32, #tpu.memory_space<hbm>> -> memref<80xi32, #tpu.memory_space<hbm>>
      tpu.wait_dma2 semaphore(%run_scoped3A : memref<!tpu.dma_semaphore, #tpu.memory_space<semaphore_mem>>) src(%dma_wait3A_177 : memref<80xi32, #tpu.memory_space<hbm>>) dst(%arg13 : memref<80xi32, #tpu.memory_space<vmem>>)
      tpu.yield
    }) : () -> ()
    %dma_start3A_133 = arith.constant 0 : i32
    %dma_start3A_134 = arith.constant 0 : i32
    %dma_start3A_135 = tpu.memref_slice %arg2[%dma_start3A_133, %dma_start3A_134] : memref<10000x128xf32, #tpu.memory_space<hbm>> -> memref<10000x128xf32, #tpu.memory_space<hbm>>
    tpu.enqueue_indirect_dma source(%dma_start3A_135 : memref<10000x128xf32, #tpu.memory_space<hbm>>) target(%arg17 : memref<80x128xf32, #tpu.memory_space<vmem>>) offsets(%arg9 : memref<80xi32, #tpu.memory_space<vmem>>) semaphore(%arg22 : memref<!tpu.dma_semaphore, #tpu.memory_space<semaphore_mem>>)
    %dma_wait3A_136 = arith.constant 0 : i32
    %dma_wait3A_137 = arith.constant 0 : i32
    %dma_wait3A_138 = tpu.memref_slice %arg2[%dma_wait3A_136, %dma_wait3A_137] : memref<10000x128xf32, #tpu.memory_space<hbm>> -> memref<10000x128xf32, #tpu.memory_space<hbm>>
    tpu.wait_indirect_dma semaphore(%arg24 : memref<!tpu.dma_semaphore, #tpu.memory_space<semaphore_mem>>) src(%dma_wait3A_138 : memref<10000x128xf32, #tpu.memory_space<hbm>>) dst(%arg19 : memref<80x128xf32, #tpu.memory_space<vmem>>)
    %dma_start3A_139 = arith.constant 0 : i32
    %dma_start3A_140 = arith.constant 0 : i32
    %dma_start3A_141 = tpu.memref_slice %arg21[%dma_start3A_139, %dma_start3A_140] : memref<10000x128xf32, #tpu.memory_space<vmem_shared>> -> memref<10000x128xf32, #tpu.memory_space<vmem_shared>>
    tpu.enqueue_indirect_dma source(%arg19 : memref<80x128xf32, #tpu.memory_space<vmem>>) target(%dma_start3A_141 : memref<10000x128xf32, #tpu.memory_space<vmem_shared>>) offsets(%arg15 : memref<80xi32, #tpu.memory_space<vmem>>) semaphore(%arg28 : memref<!tpu.dma_semaphore, #tpu.memory_space<semaphore_mem>>) {add = true}
    %dma_wait3A_142 = arith.constant 0 : i32
    %dma_wait3A_143 = arith.constant 0 : i32
    %dma_wait3A_144 = tpu.memref_slice %arg2[%dma_wait3A_142, %dma_wait3A_143] : memref<10000x128xf32, #tpu.memory_space<hbm>> -> memref<10000x128xf32, #tpu.memory_space<hbm>>
    tpu.wait_indirect_dma semaphore(%arg25 : memref<!tpu.dma_semaphore, #tpu.memory_space<semaphore_mem>>) src(%dma_wait3A_144 : memref<10000x128xf32, #tpu.memory_space<hbm>>) dst(%arg20 : memref<80x128xf32, #tpu.memory_space<vmem>>)
    %dma_start3A_145 = arith.constant 0 : i32
    %dma_start3A_146 = arith.constant 0 : i32
    %dma_start3A_147 = tpu.memref_slice %arg21[%dma_start3A_145, %dma_start3A_146] : memref<10000x128xf32, #tpu.memory_space<vmem_shared>> -> memref<10000x128xf32, #tpu.memory_space<vmem_shared>>
    tpu.enqueue_indirect_dma source(%arg20 : memref<80x128xf32, #tpu.memory_space<vmem>>) target(%dma_start3A_147 : memref<10000x128xf32, #tpu.memory_space<vmem_shared>>) offsets(%arg16 : memref<80xi32, #tpu.memory_space<vmem>>) semaphore(%arg29 : memref<!tpu.dma_semaphore, #tpu.memory_space<semaphore_mem>>) {add = true}
    %dma_wait3A_148 = arith.constant 0 : i32
    %dma_wait3A_149 = arith.constant 0 : i32
    %dma_wait3A_150 = tpu.memref_slice %arg2[%dma_wait3A_148, %dma_wait3A_149] : memref<10000x128xf32, #tpu.memory_space<hbm>> -> memref<10000x128xf32, #tpu.memory_space<hbm>>
    tpu.wait_indirect_dma semaphore(%arg22 : memref<!tpu.dma_semaphore, #tpu.memory_space<semaphore_mem>>) src(%dma_wait3A_150 : memref<10000x128xf32, #tpu.memory_space<hbm>>) dst(%arg17 : memref<80x128xf32, #tpu.memory_space<vmem>>)
    %dma_start3A_151 = arith.constant 0 : i32
    %dma_start3A_152 = arith.constant 0 : i32
    %dma_start3A_153 = tpu.memref_slice %arg21[%dma_start3A_151, %dma_start3A_152] : memref<10000x128xf32, #tpu.memory_space<vmem_shared>> -> memref<10000x128xf32, #tpu.memory_space<vmem_shared>>
    tpu.enqueue_indirect_dma source(%arg17 : memref<80x128xf32, #tpu.memory_space<vmem>>) target(%dma_start3A_153 : memref<10000x128xf32, #tpu.memory_space<vmem_shared>>) offsets(%arg13 : memref<80xi32, #tpu.memory_space<vmem>>) semaphore(%arg26 : memref<!tpu.dma_semaphore, #tpu.memory_space<semaphore_mem>>) {add = true}
    %dma_wait3A_154 = arith.constant 0 : i32
    %dma_wait3A_155 = arith.constant 0 : i32
    %dma_wait3A_156 = tpu.memref_slice %arg21[%dma_wait3A_154, %dma_wait3A_155] : memref<10000x128xf32, #tpu.memory_space<vmem_shared>> -> memref<10000x128xf32, #tpu.memory_space<vmem_shared>>
    tpu.wait_indirect_dma semaphore(%arg27 : memref<!tpu.dma_semaphore, #tpu.memory_space<semaphore_mem>>) src(%arg18 : memref<80x128xf32, #tpu.memory_space<vmem>>) dst(%dma_wait3A_156 : memref<10000x128xf32, #tpu.memory_space<vmem_shared>>)
    %dma_wait3A_157 = arith.constant 0 : i32
    %dma_wait3A_158 = arith.constant 0 : i32
    %dma_wait3A_159 = tpu.memref_slice %arg21[%dma_wait3A_157, %dma_wait3A_158] : memref<10000x128xf32, #tpu.memory_space<vmem_shared>> -> memref<10000x128xf32, #tpu.memory_space<vmem_shared>>
    tpu.wait_indirect_dma semaphore(%arg28 : memref<!tpu.dma_semaphore, #tpu.memory_space<semaphore_mem>>) src(%arg19 : memref<80x128xf32, #tpu.memory_space<vmem>>) dst(%dma_wait3A_159 : memref<10000x128xf32, #tpu.memory_space<vmem_shared>>)
    %dma_wait3A_160 = arith.constant 0 : i32
    %dma_wait3A_161 = arith.constant 0 : i32
    %dma_wait3A_162 = tpu.memref_slice %arg21[%dma_wait3A_160, %dma_wait3A_161] : memref<10000x128xf32, #tpu.memory_space<vmem_shared>> -> memref<10000x128xf32, #tpu.memory_space<vmem_shared>>
    tpu.wait_indirect_dma semaphore(%arg29 : memref<!tpu.dma_semaphore, #tpu.memory_space<semaphore_mem>>) src(%arg20 : memref<80x128xf32, #tpu.memory_space<vmem>>) dst(%dma_wait3A_162 : memref<10000x128xf32, #tpu.memory_space<vmem_shared>>)
    %dma_wait3A_163 = arith.constant 0 : i32
    %dma_wait3A_164 = arith.constant 0 : i32
    %dma_wait3A_165 = tpu.memref_slice %arg21[%dma_wait3A_163, %dma_wait3A_164] : memref<10000x128xf32, #tpu.memory_space<vmem_shared>> -> memref<10000x128xf32, #tpu.memory_space<vmem_shared>>
    tpu.wait_indirect_dma semaphore(%arg26 : memref<!tpu.dma_semaphore, #tpu.memory_space<semaphore_mem>>) src(%arg17 : memref<80x128xf32, #tpu.memory_space<vmem>>) dst(%dma_wait3A_165 : memref<10000x128xf32, #tpu.memory_space<vmem_shared>>)
    %barrier3A_166 = arith.constant 0 : index
    tpu.barrier barrier_id(%barrier3A_166)
    %mul3A_167 = arith.constant 624 : i32
    %mul3A_168 = arith.muli %arg1, %mul3A_167 : i32
    "tpu.region"() ({
      %run_scoped3A = tpu.sem_alloc : memref<!tpu.dma_semaphore, #tpu.memory_space<semaphore_mem>>
      %dma_start3A_174 = arith.constant 0 : i32
      %dma_start3A_175 = tpu.memref_slice %arg7[%arg0, %mul3A_168, %dma_start3A_174] : memref<2x10000x128xf32, #tpu.memory_space<hbm>> -> memref<1x624x128xf32, #tpu.memory_space<hbm>>
      %dma_start3A_176 = tpu.memref_squeeze %dma_start3A_175 : memref<1x624x128xf32, #tpu.memory_space<hbm>> -> memref<624x128xf32, #tpu.memory_space<hbm>>
      %dma_start3A_177 = arith.constant 0 : i32
      %dma_start3A_178 = tpu.memref_slice %arg21[%mul3A_168, %dma_start3A_177] : memref<10000x128xf32, #tpu.memory_space<vmem_shared>> -> memref<624x128xf32, #tpu.memory_space<vmem_shared>>
      tpu.enqueue_dma source(%dma_start3A_178 : memref<624x128xf32, #tpu.memory_space<vmem_shared>>) target(%dma_start3A_176 : memref<624x128xf32, #tpu.memory_space<hbm>>) target_semaphore(%run_scoped3A : memref<!tpu.dma_semaphore, #tpu.memory_space<semaphore_mem>>)
      %dma_wait3A_179 = arith.constant 0 : i32
      %dma_wait3A_180 = tpu.memref_slice %arg7[%arg0, %mul3A_168, %dma_wait3A_179] : memref<2x10000x128xf32, #tpu.memory_space<hbm>> -> memref<1x624x128xf32, #tpu.memory_space<hbm>>
      %dma_wait3A_181 = tpu.memref_squeeze %dma_wait3A_180 : memref<1x624x128xf32, #tpu.memory_space<hbm>> -> memref<624x128xf32, #tpu.memory_space<hbm>>
      %dma_wait3A_182 = arith.constant 0 : i32
      %dma_wait3A_183 = tpu.memref_slice %arg21[%mul3A_168, %dma_wait3A_182] : memref<10000x128xf32, #tpu.memory_space<vmem_shared>> -> memref<624x128xf32, #tpu.memory_space<vmem_shared>>
      tpu.wait_dma2 semaphore(%run_scoped3A : memref<!tpu.dma_semaphore, #tpu.memory_space<semaphore_mem>>) src(%dma_wait3A_183 : memref<624x128xf32, #tpu.memory_space<vmem_shared>>) dst(%dma_wait3A_181 : memref<624x128xf32, #tpu.memory_space<hbm>>)
      tpu.yield
    }) : () -> ()
    %eq3A_169 = arith.constant 15 : i32
    %eq3A_170 = arith.cmpi eq, %arg1, %eq3A_169 : i32
    %convert_element_type3A_171 = arith.extui %eq3A_170 : i1 to i32
    %cond3A_172 = arith.constant 0 : i32
    %cond3A_173 = arith.cmpi ne, %convert_element_type3A_171, %cond3A_172 : i32
    scf.if %cond3A_173 {
      "tpu.region"() ({
        %run_scoped3A = tpu.sem_alloc : memref<!tpu.dma_semaphore, #tpu.memory_space<semaphore_mem>>
        %dma_start3A_174 = arith.constant 9984 : i32
        %dma_start3A_175 = arith.constant 0 : i32
        %dma_start3A_176 = tpu.memref_slice %arg7[%arg0, %dma_start3A_174, %dma_start3A_175] : memref<2x10000x128xf32, #tpu.memory_space<hbm>> -> memref<1x16x128xf32, #tpu.memory_space<hbm>>
        %dma_start3A_177 = tpu.memref_squeeze %dma_start3A_176 : memref<1x16x128xf32, #tpu.memory_space<hbm>> -> memref<16x128xf32, #tpu.memory_space<hbm>>
        %dma_start3A_178 = arith.constant 9984 : i32
        %dma_start3A_179 = arith.constant 0 : i32
        %dma_start3A_180 = tpu.memref_slice %arg21[%dma_start3A_178, %dma_start3A_179] : memref<10000x128xf32, #tpu.memory_space<vmem_shared>> -> memref<16x128xf32, #tpu.memory_space<vmem_shared>>
        tpu.enqueue_dma source(%dma_start3A_180 : memref<16x128xf32, #tpu.memory_space<vmem_shared>>) target(%dma_start3A_177 : memref<16x128xf32, #tpu.memory_space<hbm>>) target_semaphore(%run_scoped3A : memref<!tpu.dma_semaphore, #tpu.memory_space<semaphore_mem>>)
        %dma_wait3A_181 = arith.constant 9984 : i32
        %dma_wait3A_182 = arith.constant 0 : i32
        %dma_wait3A_183 = tpu.memref_slice %arg7[%arg0, %dma_wait3A_181, %dma_wait3A_182] : memref<2x10000x128xf32, #tpu.memory_space<hbm>> -> memref<1x16x128xf32, #tpu.memory_space<hbm>>
        %dma_wait3A_184 = tpu.memref_squeeze %dma_wait3A_183 : memref<1x16x128xf32, #tpu.memory_space<hbm>> -> memref<16x128xf32, #tpu.memory_space<hbm>>
        %dma_wait3A_185 = arith.constant 9984 : i32
        %dma_wait3A_186 = arith.constant 0 : i32
        %dma_wait3A_187 = tpu.memref_slice %arg21[%dma_wait3A_185, %dma_wait3A_186] : memref<10000x128xf32, #tpu.memory_space<vmem_shared>> -> memref<16x128xf32, #tpu.memory_space<vmem_shared>>
        tpu.wait_dma2 semaphore(%run_scoped3A : memref<!tpu.dma_semaphore, #tpu.memory_space<semaphore_mem>>) src(%dma_wait3A_187 : memref<16x128xf32, #tpu.memory_space<vmem_shared>>) dst(%dma_wait3A_184 : memref<16x128xf32, #tpu.memory_space<hbm>>)
        tpu.yield
      }) : () -> ()
    } else {
    }
    return
  }
}

module attributes {stable_mosaic.version = 14 : i64} {
  func.func @_dense2_body(%arg0: i32, %arg1: memref<2x1000x128xf32, #tpu.memory_space<vmem>>, %arg2: memref<2x1000x128xf32, #tpu.memory_space<vmem>>, %arg3: memref<1000x128xf32, #tpu.memory_space<vmem>>, %arg4: memref<128x128xf32, #tpu.memory_space<vmem>>, %arg5: memref<1x128xf32, #tpu.memory_space<vmem>>, %arg6: memref<128x128xf32, #tpu.memory_space<vmem>>, %arg7: memref<1x128xf32, #tpu.memory_space<vmem>>, %arg8: memref<1x1xf32, #tpu.memory_space<vmem>>, %arg9: memref<1000x1xf32, #tpu.memory_space<vmem>>) attributes {dimension_semantics = [#tpu.dimension_semantics<arbitrary>], iteration_bounds = array<i64: 10>, scalar_prefetch = 0 : i64, scratch_operands = 0 : i64, tpu.core_type = #tpu.core_type<tc>, window_params = [{transform_indices = @transform_0, window_bounds = array<i64: 2, 1000, 128>}, {transform_indices = @transform_1, window_bounds = array<i64: 2, 1000, 128>}, {transform_indices = @transform_2, window_bounds = array<i64: 1000, 128>}, {pipeline_mode = #tpu.pipeline_mode<synchronous>, transform_indices = @transform_3, window_bounds = array<i64: 128, 128>}, {pipeline_mode = #tpu.pipeline_mode<synchronous>, transform_indices = @transform_4, window_bounds = array<i64: 1, 128>}, {pipeline_mode = #tpu.pipeline_mode<synchronous>, transform_indices = @transform_5, window_bounds = array<i64: 128, 128>}, {pipeline_mode = #tpu.pipeline_mode<synchronous>, transform_indices = @transform_6, window_bounds = array<i64: 1, 128>}, {pipeline_mode = #tpu.pipeline_mode<synchronous>, transform_indices = @transform_7, window_bounds = array<i64: 1, 1>}, {transform_indices = @transform_8, window_bounds = array<i64: 1000, 1>}]} {
    %get3A = arith.constant 0 : index
    %get3A_0 = arith.constant 0 : index
    %get3A_1 = arith.constant 0 : index
    %get3A_2 = vector.load %arg1[%get3A, %get3A_0, %get3A_1] : memref<2x1000x128xf32, #tpu.memory_space<vmem>>, vector<1x1000x128xf32>
    %get3A_3 = vector.shape_cast %get3A_2 : vector<1x1000x128xf32> to vector<1000x128xf32>
    %get3A_4 = arith.constant 1 : index
    %get3A_5 = arith.constant 0 : index
    %get3A_6 = arith.constant 0 : index
    %get3A_7 = vector.load %arg1[%get3A_4, %get3A_5, %get3A_6] : memref<2x1000x128xf32, #tpu.memory_space<vmem>>, vector<1x1000x128xf32>
    %get3A_8 = vector.shape_cast %get3A_7 : vector<1x1000x128xf32> to vector<1000x128xf32>
    %add3A = arith.addf %get3A_3, %get3A_8 : vector<1000x128xf32>
    %get3A_9 = arith.constant 0 : index
    %get3A_10 = arith.constant 0 : index
    %get3A_11 = arith.constant 0 : index
    %get3A_12 = vector.load %arg2[%get3A_9, %get3A_10, %get3A_11] : memref<2x1000x128xf32, #tpu.memory_space<vmem>>, vector<1x1000x128xf32>
    %get3A_13 = vector.shape_cast %get3A_12 : vector<1x1000x128xf32> to vector<1000x128xf32>
    %slice3A = vector.extract_strided_slice %get3A_13 {offsets = [0, 0], sizes = [1000, 1], strides = [1, 1]} : vector<1000x128xf32> to vector<1000x1xf32>
    %get3A_14 = arith.constant 1 : index
    %get3A_15 = arith.constant 0 : index
    %get3A_16 = arith.constant 0 : index
    %get3A_17 = vector.load %arg2[%get3A_14, %get3A_15, %get3A_16] : memref<2x1000x128xf32, #tpu.memory_space<vmem>>, vector<1x1000x128xf32>
    %get3A_18 = vector.shape_cast %get3A_17 : vector<1x1000x128xf32> to vector<1000x128xf32>
    %slice3A_19 = vector.extract_strided_slice %get3A_18 {offsets = [0, 0], sizes = [1000, 1], strides = [1, 1]} : vector<1000x128xf32> to vector<1000x1xf32>
    %add3A_20 = arith.addf %slice3A, %slice3A_19 : vector<1000x1xf32>
    %max3A = arith.constant 1.000000e+00 : f32
    %max3A_21 = vector.broadcast %max3A : f32 to vector<1000x1xf32>
    %max3A_22 = arith.maximumf %add3A_20, %max3A_21 : vector<1000x1xf32>
    %div3A = vector.broadcast %max3A_22 : vector<1000x1xf32> to vector<1000x128xf32>
    %div3A_23 = arith.divf %add3A, %div3A : vector<1000x128xf32>
    %get3A_24 = arith.constant 0 : index
    %get3A_25 = arith.constant 0 : index
    %get3A_26 = vector.load %arg4[%get3A_24, %get3A_25] : memref<128x128xf32, #tpu.memory_space<vmem>>, vector<128x128xf32>
    %dot_general3A = arith.constant dense<0.000000e+00> : vector<1000x128xf32>
    %dot_general3A_27 = tpu.matmul %div3A_23, %get3A_26, %dot_general3A {dimension_numbers = #tpu.dot_dimension_numbers<[1], [0], [0], [1], [0, 0, 1, 1], [], []>, transpose_lhs_hint = false} : vector<1000x128xf32>, vector<128x128xf32>, vector<1000x128xf32> -> vector<1000x128xf32>
    %get3A_28 = arith.constant 0 : index
    %get3A_29 = arith.constant 0 : index
    %get3A_30 = vector.load %arg3[%get3A_28, %get3A_29] : memref<1000x128xf32, #tpu.memory_space<vmem>>, vector<1000x128xf32>
    %get3A_31 = arith.constant 0 : index
    %get3A_32 = arith.constant 0 : index
    %get3A_33 = vector.load %arg6[%get3A_31, %get3A_32] : memref<128x128xf32, #tpu.memory_space<vmem>>, vector<128x128xf32>
    %dot_general3A_34 = arith.constant dense<0.000000e+00> : vector<1000x128xf32>
    %dot_general3A_35 = tpu.matmul %get3A_30, %get3A_33, %dot_general3A_34 {dimension_numbers = #tpu.dot_dimension_numbers<[1], [0], [0], [1], [0, 0, 1, 1], [], []>, transpose_lhs_hint = false} : vector<1000x128xf32>, vector<128x128xf32>, vector<1000x128xf32> -> vector<1000x128xf32>
    %add3A_36 = arith.addf %dot_general3A_27, %dot_general3A_35 : vector<1000x128xf32>
    %get3A_37 = arith.constant 0 : index
    %get3A_38 = arith.constant 0 : index
    %get3A_39 = vector.load %arg5[%get3A_37, %get3A_38] : memref<1x128xf32, #tpu.memory_space<vmem>>, vector<1x128xf32>
    %add3A_40 = vector.broadcast %get3A_39 : vector<1x128xf32> to vector<1000x128xf32>
    %add3A_41 = arith.addf %add3A_36, %add3A_40 : vector<1000x128xf32>
    %mul3A = arith.mulf %add3A_41, %add3A_41 : vector<1000x128xf32>
    %reduce_sum3A = arith.constant dense<0.000000e+00> : vector<1000xf32>
    %reduce_sum3A_42 = vector.multi_reduction <add>, %mul3A, %reduce_sum3A [1] : vector<1000x128xf32> to vector<1000xf32>
    %broadcast_in_dim3A = vector.shape_cast %reduce_sum3A_42 : vector<1000xf32> to vector<1000x1xf32>
    %sqrt3A = math.sqrt %broadcast_in_dim3A : vector<1000x1xf32>
    %max3A_43 = arith.constant 9.99999996E-13 : f32
    %max3A_44 = vector.broadcast %max3A_43 : f32 to vector<1000x1xf32>
    %max3A_45 = arith.maximumf %sqrt3A, %max3A_44 : vector<1000x1xf32>
    %div3A_46 = vector.broadcast %max3A_45 : vector<1000x1xf32> to vector<1000x128xf32>
    %div3A_47 = arith.divf %add3A_41, %div3A_46 : vector<1000x128xf32>
    %get3A_48 = arith.constant 0 : index
    %get3A_49 = arith.constant 0 : index
    %get3A_50 = vector.load %arg7[%get3A_48, %get3A_49] : memref<1x128xf32, #tpu.memory_space<vmem>>, vector<1x128xf32>
    %mul3A_51 = vector.broadcast %get3A_50 : vector<1x128xf32> to vector<1000x128xf32>
    %mul3A_52 = arith.mulf %div3A_47, %mul3A_51 : vector<1000x128xf32>
    %reduce_sum3A_53 = arith.constant dense<0.000000e+00> : vector<1000xf32>
    %reduce_sum3A_54 = vector.multi_reduction <add>, %mul3A_52, %reduce_sum3A_53 [1] : vector<1000x128xf32> to vector<1000xf32>
    %broadcast_in_dim3A_55 = vector.shape_cast %reduce_sum3A_54 : vector<1000xf32> to vector<1000x1xf32>
    %get3A_56 = arith.constant 0 : index
    %get3A_57 = arith.constant 0 : index
    %get3A_58 = vector.load %arg8[%get3A_56, %get3A_57] : memref<1x1xf32, #tpu.memory_space<vmem>>, vector<1x1xf32>
    %add3A_59 = vector.broadcast %get3A_58 : vector<1x1xf32> to vector<1000x1xf32>
    %add3A_60 = arith.addf %broadcast_in_dim3A_55, %add3A_59 : vector<1000x1xf32>
    %swap3A = arith.constant 0 : index
    %swap3A_61 = arith.constant 0 : index
    %swap3A_62 = vector.load %arg9[%swap3A, %swap3A_61] : memref<1000x1xf32, #tpu.memory_space<vmem>>, vector<1000x1xf32>
    tpu.vector_store %arg9[%swap3A, %swap3A_61], %add3A_60 {strides = array<i32>} : memref<1000x1xf32, #tpu.memory_space<vmem>>, vector<1000x1xf32>,
    return
  }
  func.func @transform_0(%arg0: i32) -> (i32, i32, i32) {
    %c0_i32 = arith.constant 0 : i32
    %c0_i32_0 = arith.constant 0 : i32
    %c0_i32_1 = arith.constant 0 : i32
    return %c0_i32, %arg0, %c0_i32_0 : i32, i32, i32
  }
  func.func @transform_1(%arg0: i32) -> (i32, i32, i32) {
    %c0_i32 = arith.constant 0 : i32
    %c0_i32_0 = arith.constant 0 : i32
    %c0_i32_1 = arith.constant 0 : i32
    return %c0_i32, %arg0, %c0_i32_0 : i32, i32, i32
  }
  func.func @transform_2(%arg0: i32) -> (i32, i32) {
    %c0_i32 = arith.constant 0 : i32
    %c0_i32_0 = arith.constant 0 : i32
    return %arg0, %c0_i32 : i32, i32
  }
  func.func @transform_3(%arg0: i32) -> (i32, i32) {
    %c0_i32 = arith.constant 0 : i32
    %c0_i32_0 = arith.constant 0 : i32
    %c0_i32_1 = arith.constant 0 : i32
    return %c0_i32, %c0_i32_0 : i32, i32
  }
  func.func @transform_4(%arg0: i32) -> (i32, i32) {
    %c0_i32 = arith.constant 0 : i32
    %c0_i32_0 = arith.constant 0 : i32
    %c0_i32_1 = arith.constant 0 : i32
    return %c0_i32, %c0_i32_0 : i32, i32
  }
  func.func @transform_5(%arg0: i32) -> (i32, i32) {
    %c0_i32 = arith.constant 0 : i32
    %c0_i32_0 = arith.constant 0 : i32
    %c0_i32_1 = arith.constant 0 : i32
    return %c0_i32, %c0_i32_0 : i32, i32
  }
  func.func @transform_6(%arg0: i32) -> (i32, i32) {
    %c0_i32 = arith.constant 0 : i32
    %c0_i32_0 = arith.constant 0 : i32
    %c0_i32_1 = arith.constant 0 : i32
    return %c0_i32, %c0_i32_0 : i32, i32
  }
  func.func @transform_7(%arg0: i32) -> (i32, i32) {
    %c0_i32 = arith.constant 0 : i32
    %c0_i32_0 = arith.constant 0 : i32
    %c0_i32_1 = arith.constant 0 : i32
    return %c0_i32, %c0_i32_0 : i32, i32
  }
  func.func @transform_8(%arg0: i32) -> (i32, i32) {
    %c0_i32 = arith.constant 0 : i32
    %c0_i32_0 = arith.constant 0 : i32
    return %arg0, %c0_i32 : i32, i32
  }
}

module attributes {stable_mosaic.version = 14 : i64} {
  func.func @_dense1_body(%arg0: i32, %arg1: memref<2x1000x128xf32, #tpu.memory_space<vmem>>, %arg2: memref<2x1000x128xf32, #tpu.memory_space<vmem>>, %arg3: memref<1000x128xf32, #tpu.memory_space<vmem>>, %arg4: memref<128x128xf32, #tpu.memory_space<vmem>>, %arg5: memref<1x128xf32, #tpu.memory_space<vmem>>, %arg6: memref<128x128xf32, #tpu.memory_space<vmem>>, %arg7: memref<1x128xf32, #tpu.memory_space<vmem>>, %arg8: memref<1x128xf32, #tpu.memory_space<vmem>>, %arg9: memref<1000x128xf32, #tpu.memory_space<vmem>>) attributes {dimension_semantics = [#tpu.dimension_semantics<arbitrary>], iteration_bounds = array<i64: 10>, scalar_prefetch = 0 : i64, scratch_operands = 0 : i64, tpu.core_type = #tpu.core_type<tc>, window_params = [{transform_indices = @transform_0, window_bounds = array<i64: 2, 1000, 128>}, {transform_indices = @transform_1, window_bounds = array<i64: 2, 1000, 128>}, {transform_indices = @transform_2, window_bounds = array<i64: 1000, 128>}, {pipeline_mode = #tpu.pipeline_mode<synchronous>, transform_indices = @transform_3, window_bounds = array<i64: 128, 128>}, {pipeline_mode = #tpu.pipeline_mode<synchronous>, transform_indices = @transform_4, window_bounds = array<i64: 1, 128>}, {pipeline_mode = #tpu.pipeline_mode<synchronous>, transform_indices = @transform_5, window_bounds = array<i64: 128, 128>}, {pipeline_mode = #tpu.pipeline_mode<synchronous>, transform_indices = @transform_6, window_bounds = array<i64: 1, 128>}, {pipeline_mode = #tpu.pipeline_mode<synchronous>, transform_indices = @transform_7, window_bounds = array<i64: 1, 128>}, {transform_indices = @transform_8, window_bounds = array<i64: 1000, 128>}]} {
    %get3A = arith.constant 0 : index
    %get3A_0 = arith.constant 0 : index
    %get3A_1 = arith.constant 0 : index
    %get3A_2 = vector.load %arg1[%get3A, %get3A_0, %get3A_1] : memref<2x1000x128xf32, #tpu.memory_space<vmem>>, vector<1x1000x128xf32>
    %get3A_3 = vector.shape_cast %get3A_2 : vector<1x1000x128xf32> to vector<1000x128xf32>
    %get3A_4 = arith.constant 1 : index
    %get3A_5 = arith.constant 0 : index
    %get3A_6 = arith.constant 0 : index
    %get3A_7 = vector.load %arg1[%get3A_4, %get3A_5, %get3A_6] : memref<2x1000x128xf32, #tpu.memory_space<vmem>>, vector<1x1000x128xf32>
    %get3A_8 = vector.shape_cast %get3A_7 : vector<1x1000x128xf32> to vector<1000x128xf32>
    %add3A = arith.addf %get3A_3, %get3A_8 : vector<1000x128xf32>
    %get3A_9 = arith.constant 0 : index
    %get3A_10 = arith.constant 0 : index
    %get3A_11 = arith.constant 0 : index
    %get3A_12 = vector.load %arg2[%get3A_9, %get3A_10, %get3A_11] : memref<2x1000x128xf32, #tpu.memory_space<vmem>>, vector<1x1000x128xf32>
    %get3A_13 = vector.shape_cast %get3A_12 : vector<1x1000x128xf32> to vector<1000x128xf32>
    %slice3A = vector.extract_strided_slice %get3A_13 {offsets = [0, 0], sizes = [1000, 1], strides = [1, 1]} : vector<1000x128xf32> to vector<1000x1xf32>
    %get3A_14 = arith.constant 1 : index
    %get3A_15 = arith.constant 0 : index
    %get3A_16 = arith.constant 0 : index
    %get3A_17 = vector.load %arg2[%get3A_14, %get3A_15, %get3A_16] : memref<2x1000x128xf32, #tpu.memory_space<vmem>>, vector<1x1000x128xf32>
    %get3A_18 = vector.shape_cast %get3A_17 : vector<1x1000x128xf32> to vector<1000x128xf32>
    %slice3A_19 = vector.extract_strided_slice %get3A_18 {offsets = [0, 0], sizes = [1000, 1], strides = [1, 1]} : vector<1000x128xf32> to vector<1000x1xf32>
    %add3A_20 = arith.addf %slice3A, %slice3A_19 : vector<1000x1xf32>
    %max3A = arith.constant 1.000000e+00 : f32
    %max3A_21 = vector.broadcast %max3A : f32 to vector<1000x1xf32>
    %max3A_22 = arith.maximumf %add3A_20, %max3A_21 : vector<1000x1xf32>
    %div3A = vector.broadcast %max3A_22 : vector<1000x1xf32> to vector<1000x128xf32>
    %div3A_23 = arith.divf %add3A, %div3A : vector<1000x128xf32>
    %get3A_24 = arith.constant 0 : index
    %get3A_25 = arith.constant 0 : index
    %get3A_26 = vector.load %arg4[%get3A_24, %get3A_25] : memref<128x128xf32, #tpu.memory_space<vmem>>, vector<128x128xf32>
    %dot_general3A = arith.constant dense<0.000000e+00> : vector<1000x128xf32>
    %dot_general3A_27 = tpu.matmul %div3A_23, %get3A_26, %dot_general3A {dimension_numbers = #tpu.dot_dimension_numbers<[1], [0], [0], [1], [0, 0, 1, 1], [], []>, transpose_lhs_hint = false} : vector<1000x128xf32>, vector<128x128xf32>, vector<1000x128xf32> -> vector<1000x128xf32>
    %get3A_28 = arith.constant 0 : index
    %get3A_29 = arith.constant 0 : index
    %get3A_30 = vector.load %arg3[%get3A_28, %get3A_29] : memref<1000x128xf32, #tpu.memory_space<vmem>>, vector<1000x128xf32>
    %get3A_31 = arith.constant 0 : index
    %get3A_32 = arith.constant 0 : index
    %get3A_33 = vector.load %arg6[%get3A_31, %get3A_32] : memref<128x128xf32, #tpu.memory_space<vmem>>, vector<128x128xf32>
    %dot_general3A_34 = arith.constant dense<0.000000e+00> : vector<1000x128xf32>
    %dot_general3A_35 = tpu.matmul %get3A_30, %get3A_33, %dot_general3A_34 {dimension_numbers = #tpu.dot_dimension_numbers<[1], [0], [0], [1], [0, 0, 1, 1], [], []>, transpose_lhs_hint = false} : vector<1000x128xf32>, vector<128x128xf32>, vector<1000x128xf32> -> vector<1000x128xf32>
    %add3A_36 = arith.addf %dot_general3A_27, %dot_general3A_35 : vector<1000x128xf32>
    %get3A_37 = arith.constant 0 : index
    %get3A_38 = arith.constant 0 : index
    %get3A_39 = vector.load %arg5[%get3A_37, %get3A_38] : memref<1x128xf32, #tpu.memory_space<vmem>>, vector<1x128xf32>
    %add3A_40 = vector.broadcast %get3A_39 : vector<1x128xf32> to vector<1000x128xf32>
    %add3A_41 = arith.addf %add3A_36, %add3A_40 : vector<1000x128xf32>
    %mul3A = arith.mulf %add3A_41, %add3A_41 : vector<1000x128xf32>
    %reduce_sum3A = arith.constant dense<0.000000e+00> : vector<1000xf32>
    %reduce_sum3A_42 = vector.multi_reduction <add>, %mul3A, %reduce_sum3A [1] : vector<1000x128xf32> to vector<1000xf32>
    %broadcast_in_dim3A = vector.shape_cast %reduce_sum3A_42 : vector<1000xf32> to vector<1000x1xf32>
    %sqrt3A = math.sqrt %broadcast_in_dim3A : vector<1000x1xf32>
    %max3A_43 = arith.constant 9.99999996E-13 : f32
    %max3A_44 = vector.broadcast %max3A_43 : f32 to vector<1000x1xf32>
    %max3A_45 = arith.maximumf %sqrt3A, %max3A_44 : vector<1000x1xf32>
    %div3A_46 = vector.broadcast %max3A_45 : vector<1000x1xf32> to vector<1000x128xf32>
    %div3A_47 = arith.divf %add3A_41, %div3A_46 : vector<1000x128xf32>
    %max3A_48 = arith.constant 0.000000e+00 : f32
    %max3A_49 = vector.broadcast %max3A_48 : f32 to vector<1000x128xf32>
    %max3A_50 = arith.maximumf %div3A_47, %max3A_49 : vector<1000x128xf32>
    %get3A_51 = arith.constant 0 : index
    %get3A_52 = arith.constant 0 : index
    %get3A_53 = vector.load %arg7[%get3A_51, %get3A_52] : memref<1x128xf32, #tpu.memory_space<vmem>>, vector<1x128xf32>
    %mul3A_54 = vector.broadcast %get3A_53 : vector<1x128xf32> to vector<1000x128xf32>
    %mul3A_55 = arith.mulf %mul3A_54, %max3A_50 : vector<1000x128xf32>
    %sqrt3A_56 = arith.constant 1.000010e+00 : f32
    %sqrt3A_57 = math.sqrt %sqrt3A_56 : f32
    %div3A_58 = arith.constant 1.000000e+00 : f32
    %div3A_59 = arith.divf %div3A_58, %sqrt3A_57 : f32
    %mul3A_60 = vector.broadcast %div3A_59 : f32 to vector<1000x128xf32>
    %mul3A_61 = arith.mulf %mul3A_55, %mul3A_60 : vector<1000x128xf32>
    %get3A_62 = arith.constant 0 : index
    %get3A_63 = arith.constant 0 : index
    %get3A_64 = vector.load %arg8[%get3A_62, %get3A_63] : memref<1x128xf32, #tpu.memory_space<vmem>>, vector<1x128xf32>
    %add3A_65 = vector.broadcast %get3A_64 : vector<1x128xf32> to vector<1000x128xf32>
    %add3A_66 = arith.addf %mul3A_61, %add3A_65 : vector<1000x128xf32>
    %swap3A = arith.constant 0 : index
    %swap3A_67 = arith.constant 0 : index
    %swap3A_68 = vector.load %arg9[%swap3A, %swap3A_67] : memref<1000x128xf32, #tpu.memory_space<vmem>>, vector<1000x128xf32>
    tpu.vector_store %arg9[%swap3A, %swap3A_67], %add3A_66 {strides = array<i32>} : memref<1000x128xf32, #tpu.memory_space<vmem>>, vector<1000x128xf32>,
    return
  }
  func.func @transform_0(%arg0: i32) -> (i32, i32, i32) {
    %c0_i32 = arith.constant 0 : i32
    %c0_i32_0 = arith.constant 0 : i32
    %c0_i32_1 = arith.constant 0 : i32
    return %c0_i32, %arg0, %c0_i32_0 : i32, i32, i32
  }
  func.func @transform_1(%arg0: i32) -> (i32, i32, i32) {
    %c0_i32 = arith.constant 0 : i32
    %c0_i32_0 = arith.constant 0 : i32
    %c0_i32_1 = arith.constant 0 : i32
    return %c0_i32, %arg0, %c0_i32_0 : i32, i32, i32
  }
  func.func @transform_2(%arg0: i32) -> (i32, i32) {
    %c0_i32 = arith.constant 0 : i32
    %c0_i32_0 = arith.constant 0 : i32
    return %arg0, %c0_i32 : i32, i32
  }
  func.func @transform_3(%arg0: i32) -> (i32, i32) {
    %c0_i32 = arith.constant 0 : i32
    %c0_i32_0 = arith.constant 0 : i32
    %c0_i32_1 = arith.constant 0 : i32
    return %c0_i32, %c0_i32_0 : i32, i32
  }
  func.func @transform_4(%arg0: i32) -> (i32, i32) {
    %c0_i32 = arith.constant 0 : i32
    %c0_i32_0 = arith.constant 0 : i32
    %c0_i32_1 = arith.constant 0 : i32
    return %c0_i32, %c0_i32_0 : i32, i32
  }
  func.func @transform_5(%arg0: i32) -> (i32, i32) {
    %c0_i32 = arith.constant 0 : i32
    %c0_i32_0 = arith.constant 0 : i32
    %c0_i32_1 = arith.constant 0 : i32
    return %c0_i32, %c0_i32_0 : i32, i32
  }
  func.func @transform_6(%arg0: i32) -> (i32, i32) {
    %c0_i32 = arith.constant 0 : i32
    %c0_i32_0 = arith.constant 0 : i32
    %c0_i32_1 = arith.constant 0 : i32
    return %c0_i32, %c0_i32_0 : i32, i32
  }
  func.func @transform_7(%arg0: i32) -> (i32, i32) {
    %c0_i32 = arith.constant 0 : i32
    %c0_i32_0 = arith.constant 0 : i32
    %c0_i32_1 = arith.constant 0 : i32
    return %c0_i32, %c0_i32_0 : i32, i32
  }
  func.func @transform_8(%arg0: i32) -> (i32, i32) {
    %c0_i32 = arith.constant 0 : i32
    %c0_i32_0 = arith.constant 0 : i32
    return %arg0, %c0_i32 : i32, i32
  }
}

</mosaic_0001>

<sc_bundles>
// kernel: kernel.6.cloned.1.call-start
scs
__scs_entry_jumppad:
0x0: {  	(pc) =	sbr.rel $0x88, $3  }
0x1: {  	(tag) =	ssettag $0x0;
	lr =	simm.s32 $0x1  }
0x2: {  	[smem:$0x3F95] =	sst lr;
	_ =	strace $0xD0000000  }
0x3: {  	_ = 	snop  }
0x4: {  	_ = 	snop  }
0x5: {  	_ = 	snop  }
0x6: {  	_ = 	snop  }
0x7: {  	_ = 	snop  }
__scs_overlays_trampoline_lowered:
0x8: {  	[smem:$0x3FA4] =	sst s0  }
0x9: {  	[smem:$0x3FA5] =	sst s1  }
0xa: {  	[smem:$0x3FA6] =	sst s2  }
0xb: {  	[smem:$0x3FA7] =	sst s3  }
0xc: {  	[smem:$0x3FA8] =	sst s4  }
0xd: {  	[smem:$0x3FA9] =	sst s5  }
0xe: {  	[smem:$0x3FAA] =	sst s6  }
0xf: {  	[smem:$0x3FAB] =	sst s7  }
0x10: {  	[smem:$0x3FAC] =	sst s8  }
0x11: {  	[smem:$0x3FAD] =	sst s9;
	s0 =	simm.s32 @!p0 $0x0  }
0x12: {  	s1 =	sld [smem:$0x3F93];
	s0 =	simm.s32 @p0 $0x1  }
0x13: {  	[smem:$0x3FAE] =	sst s0;
	s0 =	simm.s32 @!p1 $0x0  }
0x14: {  	s2 =	sld [smem:$0x3F92];
	s0 =	simm.s32 @p1 $0x1  }
0x15: {  	[smem:$0x3FAF] =	sst s0;
	s0 =	simm.s32 @!p2 $0x0  }
0x16: {  	s3 =	sld [smem:$0x3FDB];
	s0 =	simm.s32 @p2 $0x1  }
0x17: {  	s4 =	simm.s32 $0x1BF5;
	[smem:$0x3FB1] =	sst s0  }
0x18: {  	s0 =	sld [smem:$0x3F94];
	_ =	swait.ge [sflag:s4], $0x0  }
0x19: {  	s7 =	sld [smem:$0x3F95]  }
0x1a: {  	s8 =	sadd.s32 $0xFFFFE003, lr  }
0x1b: {  	s9 =	sadd.s32 $0xFFFFFEF7, lr;
	s5 =	simm.s32 $0xFFFFFFFF;
	p2 =	slt.u32 s8, $0xFFFFF086  }
0x1c: {  	p1 =	slt.u32 s9, $0xF7A;
	s5 =	simm.s32 @!p2 $0x0  }
0x1d: {  	s5 =	simm.s32 @p1 $0x1;
	p0 =	seq.s32 s7, s2  }
0x1e: {  	s7 =	smul.u32 @!p0 $0xF7A, s2;
	p2 =	seq.s32 @!p0 s5, $0x0  }
0x1f: {  	s9 =	smul.u32 $0xF7A, s1;
	s8 =	simm.s32 @!p0 $0x1BF5;
	p2 =	por !p2, p0  }
0x20: {  	[sflag:s8] =	ssyncset.s32 @!p0 $0xFFFFF086;
	s6 =	sadd.s32 @!p0 s3, s7;
	s7 =	simm.s32 @!p0 $0x108  }
0x21: {  	s3 =	sadd.s32 s3, s9;
	s6 =	sadd.s32 @!p0 $0x88, s6;
	s7 =	simm.s32 @p2 $0x1082  }
0x22: {  	[simem:s7], [sflag:s8] =	dma.local @!p0 [hbm:s6], $0xF7A  }
0x23: {  	s9 =	sor.u32 $0xD0000000, s2;
	s6 =	simm.s32 $0x108;
	_ =	swait.ge @!p0 [sflag:s8], $0x0  }
0x24: {  	s3 =	sadd.s32 $0x88, s3;
	s6 =	simm.s32 @!p1 $0x1082;
	[sflag:s4] =	ssyncset.s32 $0xFFFFF086  }
0x25: {  	[simem:s6], [sflag:s4] =	dma.local [hbm:s3], $0xF7A  }
0x26: {  	[smem:$0x3F95] =	sst s1;
	(tag) =	ssettag s2;
	_ =	strace s9  }
0x27: {  	s1 =	sld [smem:$0x3FA5]  }
0x28: {  	s2 =	sld [smem:$0x3FA6]  }
0x29: {  	s4 =	sld [smem:$0x3FA8]  }
0x2a: {  	p0 =	seq.s32 s5, $0x0;
	s5 =	sld [smem:$0x3FA9]  }
0x2b: {  	s6 =	sld [smem:$0x3FAA]  }
0x2c: {  	s7 =	sld [smem:$0x3FAB]  }
0x2d: {  	s3 =	simm.s32 $0x108;
	s8 =	sld [smem:$0x3FAC]  }
0x2e: {  	s3 =	simm.s32 @!p0 $0x1082;
	s9 =	sld [smem:$0x3FAD]  }
0x2f: {  	lr =	sadd.s32 s0, s3;
	s0 =	sld [smem:$0x3FA4]  }
0x30: {  	s3 =	sld [smem:$0x3FA7]  }
0x31: {  	[smem:$0x3FB0] =	sst s10  }
0x32: {  	s10 =	sld [smem:$0x3FAE];
	_ =	sdelay $0x3  }
0x33: {  	p0 =	seq.s32 s10, $0x1;
	s10 =	sld [smem:$0x3FB0];
	_ =	sdelay $0x3  }
0x34: {  	[smem:$0x3FB0] =	sst s10  }
0x35: {  	s10 =	sld [smem:$0x3FAF];
	_ =	sdelay $0x3  }
0x36: {  	p1 =	seq.s32 s10, $0x1;
	s10 =	sld [smem:$0x3FB0];
	_ =	sdelay $0x3  }
0x37: {  	[smem:$0x3FB0] =	sst s10  }
0x38: {  	s10 =	sld [smem:$0x3FB1]  }
0x39: {  	_ = 	snop;
	(pc) =	sbr.ind lr, $3  }
0x3a: {  	_ = 	snop  }
0x3b: {  	_ = 	snop  }
0x3c: {  	p2 =	seq.s32 s10, $0x1;
	s10 =	sld [smem:$0x3FB0]  }
0x3d: {  	_ =	shalt  }
0x3e: {  	_ =	shalt  }
0x3f: {  	_ =	shalt  }
0x40: {  	_ =	shalt  }
0x41: {  	_ =	shalt  }
0x42: {  	_ =	shalt  }
0x43: {  	_ =	shalt  }
0x44: {  	_ =	shalt  }
0x45: {  	_ =	shalt  }
0x46: {  	_ =	shalt  }
0x47: {  	_ =	shalt  }
0x48: {  	_ =	shalt  }
0x49: {  	_ =	shalt  }
0x4a: {  	_ =	shalt  }
0x4b: {  	_ =	shalt  }
0x4c: {  	_ =	shalt  }
0x4d: {  	_ =	shalt  }
0x4e: {  	_ =	shalt  }
0x4f: {  	_ =	shalt  }
0x50: {  	_ =	shalt  }
0x51: {  	_ =	shalt  }
0x52: {  	_ =	shalt  }
0x53: {  	_ =	shalt  }
0x54: {  	_ =	shalt  }
0x55: {  	_ =	shalt  }
0x56: {  	_ =	shalt  }
0x57: {  	_ =	shalt  }
0x58: {  	_ =	shalt  }
0x59: {  	_ =	shalt  }
0x5a: {  	_ =	shalt  }
0x5b: {  	_ =	shalt  }
0x5c: {  	_ =	shalt  }
0x5d: {  	_ =	shalt  }
0x5e: {  	_ =	shalt  }
0x5f: {  	_ =	shalt  }
0x60: {  	_ =	shalt  }
0x61: {  	_ =	shalt  }
0x62: {  	_ =	shalt  }
0x63: {  	_ =	shalt  }
0x64: {  	_ =	shalt  }
0x65: {  	_ =	shalt  }
0x66: {  	_ =	shalt  }
0x67: {  	_ =	shalt  }
0x68: {  	_ =	shalt  }
0x69: {  	_ =	shalt  }
0x6a: {  	_ =	shalt  }
0x6b: {  	_ =	shalt  }
0x6c: {  	_ =	shalt  }
0x6d: {  	_ =	shalt  }
0x6e: {  	_ =	shalt  }
0x6f: {  	_ =	shalt  }
0x70: {  	_ =	shalt  }
0x71: {  	_ =	shalt  }
0x72: {  	_ =	shalt  }
0x73: {  	_ =	shalt  }
0x74: {  	_ =	shalt  }
0x75: {  	_ =	shalt  }
0x76: {  	_ =	shalt  }
0x77: {  	_ =	shalt  }
0x78: {  	_ =	shalt  }
0x79: {  	_ =	shalt  }
0x7a: {  	_ =	shalt  }
0x7b: {  	_ =	shalt  }
0x7c: {  	_ =	shalt  }
0x7d: {  	_ =	shalt  }
0x7e: {  	_ =	shalt  }
0x7f: {  	_ =	shalt  }
0x80: {  	_ =	shalt  }
0x81: {  	_ =	shalt  }
0x82: {  	_ =	shalt  }
0x83: {  	_ =	shalt  }
0x84: {  	_ =	shalt  }
0x85: {  	_ =	shalt  }
0x86: {  	_ =	shalt  }
0x87: {  	_ =	shalt  }
.Lfunc_end0:
.L_simem_size_0:
called_computation_lowered:
.L_overlay_start_0:
0x88: {  	s2 =	sld [smem:$0x3FD9]  }
0x89: {  	s3 =	sld [smem:$0x3FFE];
	_ =	sdelay $0x1  }
0x8a: {  	s1 =	srdreg.scid  }
0x8b: {  	s0 =	sand.u32 $0x1, s1  }
0x8c: {  	s17 =	sshll.u32 s0, $0xA;
	s2 =	sadd.s32 s3, s2  }
0x8d: {  	s2 =	sadd.s32 s2, s17  }
0x8e: {  	[smem:$0x3FBC] =	sst s2  }
0x8f: {  	_ = 	snop  }
0x90: {  	s2 =	sld [smem:$0x3FC9]  }
0x91: {  	s18 =	sld [smem:$0x3FD0];
	(tm) =	ssettm $0x1  }
0x92: {  	s4 =	sld [smem:$0x3FFB];
	_ =	sdelay $0x3  }
0x93: {  	_ =	strace s4  }
0x94: {  	s4 =	sld [smem:$0x3FFC];
	_ =	sdelay $0x3  }
0x95: {  	_ =	strace s4  }
0x96: {  	s4 =	sld [smem:$0x3FFD];
	_ =	sdelay $0x3  }
0x97: {  	_ =	strace s4  }
0x98: {  	_ =	strace $0x8FFFFFFF  }
0x99: {  	s19 =	sld [smem:$0x3FDB];
	_ =	sdelay $0x1  }
0x9a: {  	s5 =	simm.s32 $_scs_section_size  }
0x9b: {  	s6 =	simm.s32 $_size__tile_overlayer_lowered;
	s7 =	simm.s32 $_tile_overlayer_lowered  }
0x9c: {  	s22 =	simm.s32 $0x1BFF;
	s21 =	sshll.u32 s7, $0x1;
	s4 =	sadd.s32 s5, s19  }
0x9d: {  	s8 =	simm.s32 $0x0;
	s20 =	sshll.u32 s6, $0x1;
	s6 =	sadd.s32 s21, s4  }
0x9e: {  	[timem:s8], [sflag:s22] =	dma.local [hbm:s6], s20  }
0x9f: {  	_ =	swait.ge [sflag:s22], s20  }
0xa0: {  	s5 =	ssub.s32 $0x0, s20;
	[sflag:s22] =	ssyncset.done $0x0  }
0xa1: {  	[sflag:s22] =	ssyncadd.s32 s5;
	_ =	sdelay $0x1  }
0xa2: {  	s23 =	simm.s32 $0x1B8B  }
0xa3: {  	_ =	swait.ge [sflag:s23], $0x1  }
0xa4: {  	[sflag:s23] =	ssyncset.done $0x0  }
0xa5: {  	s25 =	simm.s32 $0x1B8E;
	s24 =	sld [smem:$0x3FFE];
	[sflag:s23] =	ssyncadd.s32 $0xFFFFFFFF  }
0xa6: {  	s26 =	simm.s32 $execute0_lowered;
	[smem:$0x3FD2] =	sst s25  }
0xa7: {  	s6 =	sshll.u32 s26, $0x1;
	_ =	strace $0x80000046;
	[dreg:$0x1] =	wrdreg $0xFFFFFFFF  }
0xa8: {  	s28 =	simm.s32 $_size_execute0_lowered;
	s4 =	sadd.s32 s4, s6;
	[dreg:$0x0] =	wrdreg $0x0  }
0xa9: {  	s6 =	sshll.u32 s28, $0x1;
	[dreg:$0x2] =	wrdreg s4  }
0xaa: {  	[dreg:$0x3] =	wrdreg s6  }
0xab: {  	[dreg:$0x4] =	wrdreg $0xC0  }
0xac: {  	_ =	task [dreg:s8], $0x5FFFF  }
0xad: {  	[dreg:$0x1] =	wrdreg $0xFFFFFFFF  }
0xae: {  	[dreg:$0x0] =	wrdreg $0x60  }
0xaf: {  	[dreg:$0x2] =	wrdreg s2  }
0xb0: {  	[dreg:$0x3] =	wrdreg s24  }
0xb1: {  	[dreg:$0x4] =	wrdreg s18  }
0xb2: {  	[dreg:$0x5] =	wrdreg $0xA4000  }
0xb3: {  	[dreg:$0x6] =	wrdreg $0x9  }
0xb4: {  	_ =	task.clear_ibuf [dreg:s8], $0x7FFFF;
	_ =	strace $0x90000046  }
0xb5: {  	s29 =	simm.s32 $0x9;
	_ =	strace $0x80000048  }
0xb6: {  	_ =	swait.ge [sflag:s29], $0x1  }
0xb7: {  	[sflag:s29] =	ssyncadd.s32 $0xFFFFFFFF  }
0xb8: {  	_ =	strace $0x90000048  }
0xb9: {  	_ =	sfence  }
0xba: {  	s30 =	sld [smem:$0x0];
	_ =	sdelay $0x2  }
0xbb: {  	s31 =	sshll.u32 s1, $0xD;
	s1 =	sshrl.u32 s1, $0x2  }
0xbc: {  	s3 =	sand.u32 $0x4000, s31;
	s1 =	sadd.s32 s1, s30  }
0xbd: {  	s0 =	sor.u32 s3, s0;
	s1 =	sshll.u32 s1, $0x11  }
0xbe: {  	s0 =	sor.u32 s1, s0  }
0xbf: {  	s0 =	sadd.s32 $0x8F2B, s0  }
0xc0: {  	[sflag:s0] =	ssyncadd.remote.s32 $0x1  }
0xc1: {  	_ =	sfence.sel $0xFFFF  }
0xc2: {  	[dreg:$0x0] =	wrdreg $0xFFFFFFFF;
	(pc) =	sbr.abs _section_cstart, $3  }
0xc3: {  	[dreg:$0x1] =	wrdreg $0xFFFFFFFF  }
0xc4: {  	_ =	task.clear_ibuf [dreg:s8], $0x2FFFF;
	_ =	strace $0x9FFFFFFF  }
0xc5: {  	(tm) =	ssettm $0x7FFFFFFF  }
tec
execute0_lowered:
.L_overlay_start_1:
0x0: {  	(tag) =	ssettag $0x1  }
0x1: {  	s2 =	rddreg [dreg:$0x0]  }
0x2: {  	s3 =	rddreg [dreg:$0x1]  }
0x3: {  	s4 =	rddreg [dreg:$0x3];
	s16 =	stileid.u32;
	s5 =	simm.s32 $0x0  }
0x4: {  	s23 =	srdreg.scid;
	s28 =	simm.s32 $0x180;
	s29 =	simm.s32 $0x380  }
0x5: {  	s31 =	simm.s32 $0x7C00;
	s7 =	smul.u32 $0x13800, s16;
	[smem:$0x7FF] =	sst s5  }
0x6: {  	s0 =	sadd.s32 $0xBE00, s3;
	s6 =	sadd.s32 $0x2000, s3;
	s10 =	sadd.s32 $0x3CE00, s3  }
0x7: {  	s11 =	sand.u32 $0x1, s23;
	s24 =	smul.u32 $0x4E000, s16;
	s12 =	sadd.s32 $0x8B000, s3  }
0x8: {  	s13 =	sshll.u32 s16, $0x1;
	s25 =	sshll.u32 s16, $0x6;
	s18 =	smul.u32 $0x4E20, s16  }
0x9: {  	p0 =	sne.s32 s16, $0xF;
	s16 =	simm.s32 $0x200;
	_ =	strace $0x80000047  }
0xa: {  	s9 =	ssub.s32 $0x2, s11;
	s13 =	sor.u32 s11, s13;
	s26 =	smul.u32 $0x138800, s11  }
0xb: {  	s11 =	smul.u32 $0x2710, s11;
	s1 =	sshrl.u32 s7, $0x3;
	s14 =	sshrl.u32 s9, $0x1  }
0xc: {  	s15 =	sshrl.u32 s24, $0x2;
	s13 =	smul.u32 $0x2710, s13;
	s8 =	sadd.s32 s1, s3  }
0xd: {  	s1 =	ssub.s32 s9, s14;
	s9 =	sadd.s32 s15, s4;
	s3 =	sadd.s32 $0x3CC00, s3  }
0xe: {  	s15 =	sor.u32 $0x1C09, s25;
	s7 =	sadd.s32 s7, s26;
	[dreg:$0x10] =	wrdreg s3  }
0xf: {  	s17 =	sshrl.u32 s26, $0x3;
	s1 =	smax.u32 s1, $0x1;
	[dreg:$0xd] =	wrdreg s9  }
0x10: {  	s30 =	sadd.s32 $0x15C00, s8;
	s7 =	sshrl.u32 s7, $0x3;
	[smem:$0x7FA] =	sst s1  }
0x11: {  	s8 =	sadd.s32 $0x27000, s17;
	s19 =	sadd.s32 s12, s7;
	[dreg:$0xe] =	wrdreg s30  }
0x12: {  	s11 =	sadd.s32 s11, s18;
	s12 =	sadd.s32 s12, s8;
	[dreg:$0x11] =	wrdreg s19  }
0x13: {  	s3 =	sshrl.u32 s13, $0x3;
	s7 =	sadd.s32 s10, s7;
	[dreg:$0x12] =	wrdreg s12  }
0x14: {  	s20 =	sadd.s32 $0xA, s3;
	s8 =	sadd.s32 s10, s8;
	[dreg:$0x17] =	wrdreg s7  }
0x15: {  	s24 =	sadd.s32 $0x2D0, s11;
	s21 =	sadd.s32 s0, s20;
	[dreg:$0x18] =	wrdreg s8  }
0x16: {  	s22 =	sadd.s32 $0x14, s3;
	s12 =	sadd.s32 s6, s20;
	[dreg:$0x13] =	wrdreg s21  }
0x17: {  	s13 =	sadd.s32 $0x280, s11;
	s23 =	sadd.s32 s0, s22;
	[dreg:$0x14] =	wrdreg s12  }
0x18: {  	s26 =	sshrl.u32 s24, $0x3;
	s25 =	sadd.s32 s6, s22;
	[dreg:$0x15] =	wrdreg s23  }
0x19: {  	s14 =	sshrl.u32 s13, $0x3;
	s7 =	sadd.s32 s26, s0;
	[dreg:$0x16] =	wrdreg s25  }
0x1a: {  	s18 =	sadd.s32 $0x230, s11;
	s17 =	sadd.s32 s14, s6;
	[dreg:$0x6] =	wrdreg s7  }
0x1b: {  	s1 =	simm.s32 $0x3;
	s19 =	sadd.s32 s14, s0;
	[dreg:$0x7] =	wrdreg s17  }
0x1c: {  	s20 =	sshrl.u32 s18, $0x3;
	s8 =	smov.u32 s15;
	[dreg:$0x8] =	wrdreg s19  }
0x1d: {  	s22 =	sadd.s32 $0x1E0, s11;
	s12 =	sadd.s32 s26, s6;
	[dreg:$0xf] =	wrdreg s8  }
0x1e: {  	s14 =	sadd.s32 $0x28, s3;
	s21 =	sadd.s32 s20, s6;
	[dreg:$0x5] =	wrdreg s12  }
0x1f: {  	s23 =	sadd.s32 s20, s0;
	s24 =	sshrl.u32 s22, $0x3;
	[dreg:$0x9] =	wrdreg s21  }
0x20: {  	s25 =	sadd.s32 $0x1E, s3;
	s15 =	sadd.s32 s0, s14;
	[dreg:$0xa] =	wrdreg s23  }
0x21: {  	s7 =	sadd.s32 s6, s14;
	s17 =	sadd.s32 $0x32, s3;
	[dreg:$0x1b] =	wrdreg s15  }
0x22: {  	s19 =	sadd.s32 $0x4C4, s3;
	s26 =	sadd.s32 s24, s6;
	[dreg:$0x1c] =	wrdreg s7  }
0x23: {  	s14 =	simm.s32 $0x9;
	s12 =	sadd.s32 s0, s25;
	[dreg:$0xb] =	wrdreg s26  }
0x24: {  	s13 =	sadd.s32 s24, s0;
	s10 =	sadd.s32 s6, s25;
	[dreg:$0x19] =	wrdreg s12  }
0x25: {  	s18 =	sadd.s32 s0, s17;
	s7 =	sadd.s32 s6, s17;
	[dreg:$0x1a] =	wrdreg s10  }
0x26: {  	s20 =	sadd.s32 s0, s19;
	s21 =	sadd.s32 $0x4CE, s3;
	[dreg:$0xc] =	wrdreg s13  }
0x27: {  	s23 =	sadd.s32 s6, s3;
	s24 =	sadd.s32 s0, s3;
	[dreg:$0x1d] =	wrdreg s18  }
0x28: {  	s3 =	sadd.s32 $0x4D8, s3;
	s25 =	sadd.s32 $0x50, s11;
	[dreg:$0x1e] =	wrdreg s7  }
0x29: {  	s15 =	simm.s32 $0x400;
	s17 =	simm.s32 $0x50;
	[dreg:$0x1f] =	wrdreg s20  }
0x2a: {  	s7 =	sadd.s32 s6, s19;
	s22 =	sadd.s32 s0, s21;
	[smem:$0x7F6] =	sst s23  }
0x2b: {  	[smem:$0x7F7] =	sst s24;
	s0 =	sadd.s32 s0, s3;
	s26 =	sadd.s32 s6, s3  }
0x2c: {  	s3 =	sshrl.u32 s25, $0x3;
	s10 =	sadd.s32 $0x138000, s4;
	s18 =	simm.s32 $0x280  }
0x2d: {  	s19 =	simm.s32 $0x5;
	s20 =	simm.s32 $0x6;
	[smem:$0x7F3] =	sst s7  }
0x2e: {  	s23 =	simm.s32 $0x100;
	s24 =	simm.s32 $0x300;
	[smem:$0x7F4] =	sst s22  }
0x2f: {  	s25 =	simm.s32 $0x5400;
	s13 =	simm.s32 $0x7;
	[smem:$0x7F8] =	sst s0  }
0x30: {  	s7 =	sadd.s32 s6, s21;
	[smem:$0x7F9] =	sst s26;
	s12 =	sadd.s32 s3, s6  }
0x31: {  	[smem:$0x7FC] =	sst s10;
	s21 =	simm.s32 $0x80;
	s22 =	simm.s32 $0x2C00  }
0x32: {  	s26 =	simm.s32 $0x1;
	[smem:$0x7F5] =	sst s7;
	s7 =	sadd.s32 $0xA0, s11  }
0x33: {  	s0 =	simm.s32 $0x2;
	s11 =	simm.s32 $0x0;
	[smem:$0x7FB] =	sst s7  }
0x34: {  	s3 =	simm.s32 $0x4;
	s10 =	simm.s32 $0x8;
	[smem:$0x7FD] =	sst s11  }
.LBB2_1:
0x35: {  	s7 =	sshrl.u32 s9, $0x3  }
0x36: {  	[smem:$0x7F1] =	sst s7  }
0x37: {  	[spmem:s7], [sflag:s8] =	dma.local [hbm:s30], $0x2700  }
0x38: {  	_ =	swait.ge [sflag:s14], $0x2700  }
0x39: {  	s7 =	sld [smem:$0x7FC];
	_ =	sdelay $0x2  }
0x3a: {  	[sflag:s14] =	ssyncset.done $0x0;
	s9 =	sshrl.u32 @!p0 s7, $0x3;
	s7 =	rddreg [dreg:$0x10]  }
0x3b: {  	[sflag:s14] =	ssyncadd.s32 $0xFFFFD900;
	[smem:$0x7F2] =	sst s9  }
0x3c: {  	[spmem:s9], [sflag:s8] =	dma.local @!p0 [hbm:s7], $0x100  }
0x3d: {  	s7 =	simm.s32 @!p0 $0x9  }
0x3e: {  	_ =	swait.ge @!p0 [sflag:s7], $0x100  }
0x3f: {  	[sflag:s7] =	ssyncset.done @!p0 $0x0  }
0x40: {  	[sflag:s7] =	ssyncadd.s32 @!p0 $0xFFFFFF00  }
0x41: {  	s7 =	rddreg [dreg:$0x2]  }
0x42: {  	[tilespmem:s15], [sflag:$0x9] =	stream.linear.gather [hbm4b:s7+s5], $0x2800, $0x38;
	[tilespmem:$0x1DC80] =	vst v63  }
0x43: {  	_ =	swait.ge [sflag:s14], $0x2800  }
0x44: {  	[sflag:s14] =	ssyncset.done $0x0  }
0x45: {  	[sflag:s14] =	ssyncadd.s32 $0xFFFFD800  }
0x46: {  	[bflag:$0x0] =	sbarrier.arrive $0xFFFF  }
0x47: {  	s30 =	sld [smem:$0x7F6];
	_ =	sdelay $0x2  }
0x48: {  	[tilespmem:s16], [sflag:$0x9] =	stream.linear.gather [hbm4b:s30+s5], $0x50, $0x38;
	[tilespmem:$0x1DC80] =	vst v63  }
0x49: {  	_ =	swait.ge [sflag:s14], $0x50  }
0x4a: {  	[sflag:s14] =	ssyncset.done $0x0  }
0x4b: {  	[sflag:s14] =	ssyncadd.s32 $0xFFFFFFB0  }
0x4c: {  	[spmem:s4] =	stream.indirect.scatter.add.f32 [tilespmem:s15], [sflag:$0x5], $0x80, s16, s17, $0xb8;
	[tilespmem:$0x1DC80] =	vst v63  }
0x4d: {  	s8 =	sadd.s32 $0x0, s12  }
0x4e: {  	[tilespmem:s18], [sflag:$0x9] =	stream.linear.gather [hbm4b:s8+s5], $0x50, $0x38;
	[tilespmem:$0x1DC80] =	vst v63  }
0x4f: {  	_ =	swait.ge [sflag:s14], $0x50  }
0x50: {  	[sflag:s14] =	ssyncset.done $0x0  }
0x51: {  	[sflag:s14] =	ssyncadd.s32 $0xFFFFFFB0  }
0x52: {  	[spmem:s4] =	stream.indirect.scatter.add.f32 [tilespmem:s15], [sflag:$0x6], $0x80, s18, s17, $0xb8;
	[tilespmem:$0x1DC80] =	vst v63  }
0x53: {  	_ =	swait.ge [sflag:s19], $0x2800  }
0x54: {  	s9 =	sld [smem:$0x7FB];
	_ =	sdelay $0x2  }
0x55: {  	[sflag:s19] =	ssyncset.done $0x0;
	s30 =	sshrl.u32 s9, $0x3  }
0x56: {  	[sflag:s19] =	ssyncadd.s32 $0xFFFFD800;
	s7 =	sadd.s32 s6, s30  }
0x57: {  	[tilespmem:s16], [sflag:$0x9] =	stream.linear.gather [hbm4b:s7+s5], $0x50, $0x38;
	[tilespmem:$0x1DC80] =	vst v63  }
0x58: {  	_ =	swait.ge [sflag:s14], $0x50  }
0x59: {  	[sflag:s14] =	ssyncset.done $0x0  }
0x5a: {  	[sflag:s14] =	ssyncadd.s32 $0xFFFFFFB0  }
0x5b: {  	[spmem:s4] =	stream.indirect.scatter.add.f32 [tilespmem:s15], [sflag:$0x5], $0x80, s16, s17, $0xb8;
	[tilespmem:$0x1DC80] =	vst v63  }
0x5c: {  	s11 =	simm.s32 $0x14;
	_ =	swait.ge [sflag:s20], $0x2800  }
0x5d: {  	s8 =	sadd.s32 $0xA0, s9;
	s7 =	simm.s32 $0x28;
	[sflag:s20] =	ssyncset.done $0x0  }
.LBB2_2:
0x5e: {  	s30 =	sadd.s32 s11, s12  }
0x5f: {  	[sflag:s20] =	ssyncadd.s32 $0xFFFFD800;
	s11 =	smov.u32 s7;
	s9 =	sadd.s32 $0x14, s7  }
0x60: {  	[tilespmem:s18], [sflag:$0x9] =	stream.linear.gather [hbm4b:s30+s5], $0x50, $0x38;
	[tilespmem:$0x1DC80] =	vst v63  }
0x61: {  	p1 =	sne.s32 s7, $0x4C4;
	_ =	swait.ge [sflag:s14], $0x50  }
0x62: {  	[sflag:s14] =	ssyncset.done $0x0  }
0x63: {  	[sflag:s14] =	ssyncadd.s32 $0xFFFFFFB0  }
0x64: {  	[spmem:s4] =	stream.indirect.scatter.add.f32 [tilespmem:s15], [sflag:$0x6], $0x80, s18, s17, $0xb8;
	[tilespmem:$0x1DC80] =	vst v63  }
0x65: {  	_ =	swait.ge [sflag:s19], $0x2800  }
0x66: {  	s7 =	sshrl.u32 s8, $0x3;
	[sflag:s19] =	ssyncset.done $0x0  }
0x67: {  	s7 =	sadd.s32 s6, s7;
	[sflag:s19] =	ssyncadd.s32 $0xFFFFD800  }
0x68: {  	[tilespmem:s16], [sflag:$0x9] =	stream.linear.gather [hbm4b:s7+s5], $0x50, $0x38;
	[tilespmem:$0x1DC80] =	vst v63  }
0x69: {  	_ =	swait.ge [sflag:s14], $0x50  }
.Ltmp0:
0x6a: {  	[sflag:s14] =	ssyncset.done $0x0;
	(pc) =	sbr.rel @p1 .LBB2_2-.Ltmp0, $4  }
0x6b: {  	[sflag:s14] =	ssyncadd.s32 $0xFFFFFFB0  }
0x6c: {  	[spmem:s4] =	stream.indirect.scatter.add.f32 [tilespmem:s15], [sflag:$0x5], $0x80, s16, s17, $0xb8;
	[tilespmem:$0x1DC80] =	vst v63  }
0x6d: {  	_ =	swait.ge [sflag:s20], $0x2800  }
0x6e: {  	s8 =	sadd.s32 $0xA0, s8;
	s7 =	smov.u32 s9;
	[sflag:s20] =	ssyncset.done $0x0  }
0x6f: {  	s7 =	sadd.s32 s11, s12;
	[sflag:s20] =	ssyncadd.s32 $0xFFFFD800  }
0x70: {  	[tilespmem:s18], [sflag:$0x9] =	stream.linear.gather [hbm4b:s7+s5], $0x50, $0x38;
	[tilespmem:$0x1DC80] =	vst v63  }
0x71: {  	_ =	swait.ge [sflag:s14], $0x50  }
0x72: {  	[sflag:s14] =	ssyncset.done $0x0  }
0x73: {  	[sflag:s14] =	ssyncadd.s32 $0xFFFFFFB0  }
0x74: {  	[spmem:s4] =	stream.indirect.scatter.add.f32 [tilespmem:s15], [sflag:$0x6], $0x80, s18, s17, $0xb8;
	[tilespmem:$0x1DC80] =	vst v63  }
0x75: {  	_ =	swait.ge [sflag:s19], $0x2800  }
0x76: {  	s11 =	sshrl.u32 s8, $0x3;
	[sflag:s19] =	ssyncset.done $0x0  }
0x77: {  	s7 =	sadd.s32 s6, s11;
	[sflag:s19] =	ssyncadd.s32 $0xFFFFD800  }
0x78: {  	[tilespmem:s16], [sflag:$0x9] =	stream.linear.gather [hbm4b:s7+s5], $0x50, $0x38;
	[tilespmem:$0x1DC80] =	vst v63  }
0x79: {  	_ =	swait.ge [sflag:s14], $0x50  }
0x7a: {  	[sflag:s14] =	ssyncset.done $0x0  }
0x7b: {  	[sflag:s14] =	ssyncadd.s32 $0xFFFFFFB0  }
0x7c: {  	[spmem:s4] =	stream.indirect.scatter.add.f32 [tilespmem:s15], [sflag:$0x5], $0x80, s16, s17, $0xb8;
	[tilespmem:$0x1DC80] =	vst v63  }
0x7d: {  	_ =	swait.ge [sflag:s20], $0x2800  }
0x7e: {  	[sflag:s20] =	ssyncset.done $0x0  }
0x7f: {  	[sflag:s20] =	ssyncadd.s32 $0xFFFFD800  }
0x80: {  	_ =	swait.ge [sflag:s19], $0x2800  }
0x81: {  	[sflag:s19] =	ssyncset.done $0x0  }
0x82: {  	[sflag:s19] =	ssyncadd.s32 $0xFFFFD800  }
0x83: {  	[bflag:$0x0] =	sbarrier.arrive $0xFFFF  }
0x84: {  	s9 =	sld [smem:$0x7F1]  }
0x85: {  	s11 =	rddreg [dreg:$0xf]  }
0x86: {  	s8 =	rddreg [dreg:$0x11]  }
0x87: {  	[hbm:s8], [sflag:s11] =	dma.local [spmem:s9], $0x2700  }
0x88: {  	_ =	swait.ge [sflag:s14], $0x2700  }
0x89: {  	[sflag:s14] =	ssyncset.done $0x0;
	s8 =	rddreg [dreg:$0xd]  }
0x8a: {  	s30 =	rddreg [dreg:$0xe];
	[sflag:s14] =	ssyncadd.s32 $0xFFFFD900;
	s7 =	sshrl.u32 @p0 s8, $0x3  }
0x8b: {  	[spmem:s7], [sflag:s11] =	dma.local @p0 [hbm:s30], $0x2700  }
0x8c: {  	s7 =	simm.s32 @p0 $0x9  }
0x8d: {  	_ =	swait.ge @p0 [sflag:s7], $0x2700  }
0x8e: {  	s9 =	sld [smem:$0x7F2]  }
0x8f: {  	[sflag:s7] =	ssyncset.done @p0 $0x0  }
0x90: {  	[sflag:s7] =	ssyncadd.s32 @p0 $0xFFFFD900;
	s7 =	rddreg [dreg:$0x12]  }
0x91: {  	[hbm:s7], [sflag:s11] =	dma.local @!p0 [spmem:s9], $0x100  }
0x92: {  	s7 =	simm.s32 @!p0 $0x9  }
0x93: {  	_ =	swait.ge @!p0 [sflag:s7], $0x100  }
0x94: {  	[sflag:s7] =	ssyncset.done @!p0 $0x0  }
0x95: {  	s8 =	sshrl.u32 @!p0 s8, $0x3;
	[sflag:s7] =	ssyncadd.s32 @!p0 $0xFFFFFF00  }
0x96: {  	[spmem:s8], [sflag:s11] =	dma.local @!p0 [hbm:s30], $0x2700  }
0x97: {  	_ =	swait.ge @!p0 [sflag:s7], $0x2700  }
0x98: {  	[sflag:s7] =	ssyncset.done @!p0 $0x0  }
0x99: {  	s8 =	rddreg [dreg:$0x10];
	[sflag:s7] =	ssyncadd.s32 @!p0 $0xFFFFD900  }
0x9a: {  	[spmem:s9], [sflag:s11] =	dma.local @!p0 [hbm:s8], $0x100  }
0x9b: {  	_ =	swait.ge @!p0 [sflag:s7], $0x100  }
0x9c: {  	[sflag:s7] =	ssyncset.done @!p0 $0x0  }
0x9d: {  	[sflag:s7] =	ssyncadd.s32 @!p0 $0xFFFFFF00  }
0x9e: {  	[bflag:$0x0] =	sbarrier.arrive $0xFFFF  }
0x9f: {  	s9 =	sld [smem:$0x7F7];
	_ =	sdelay $0x1  }
0xa0: {  	s8 =	simm.s32 $0x0  }
0xa1: {  	[tilespmem:s8], [sflag:$0x9] =	stream.linear.gather [hbm4b:s9+s8], $0x50, $0x38;
	[tilespmem:$0x1DC80] =	vst v63  }
0xa2: {  	_ =	swait.ge [sflag:s14], $0x50  }
0xa3: {  	s11 =	sld [smem:$0x7F6]  }
0xa4: {  	[sflag:s14] =	ssyncset.done $0x0  }
0xa5: {  	[sflag:s14] =	ssyncadd.s32 $0xFFFFFFB0  }
0xa6: {  	[tilespmem:s16], [sflag:$0x9] =	stream.linear.gather [hbm4b:s11+s8], $0x50, $0x38;
	[tilespmem:$0x1DC80] =	vst v63  }
0xa7: {  	_ =	swait.ge [sflag:s14], $0x50  }
0xa8: {  	[sflag:s14] =	ssyncset.done $0x0  }
0xa9: {  	[sflag:s14] =	ssyncadd.s32 $0xFFFFFFB0  }
0xaa: {  	[tilespmem:s15], [sflag:$0x1] =	stream.indirect.gather [hbm4b:s2+s17], $0x80, s8, s17, $0xb8;
	[tilespmem:$0x1DC80] =	vst v63  }
0xab: {  	s9 =	rddreg [dreg:$0x13]  }
0xac: {  	[tilespmem:s21], [sflag:$0x9] =	stream.linear.gather [hbm4b:s9+s8], $0x50, $0x38;
	[tilespmem:$0x1DC80] =	vst v63  }
0xad: {  	_ =	swait.ge [sflag:s14], $0x50  }
0xae: {  	[sflag:s14] =	ssyncset.done $0x0  }
0xaf: {  	s11 =	rddreg [dreg:$0x14];
	[sflag:s14] =	ssyncadd.s32 $0xFFFFFFB0  }
0xb0: {  	[tilespmem:s18], [sflag:$0x9] =	stream.linear.gather [hbm4b:s11+s8], $0x50, $0x38;
	[tilespmem:$0x1DC80] =	vst v63  }
0xb1: {  	_ =	swait.ge [sflag:s14], $0x50  }
0xb2: {  	[sflag:s14] =	ssyncset.done $0x0  }
0xb3: {  	[sflag:s14] =	ssyncadd.s32 $0xFFFFFFB0  }
0xb4: {  	[tilespmem:s22], [sflag:$0x2] =	stream.indirect.gather [hbm4b:s2+s17], $0x80, s21, s17, $0xb8;
	[tilespmem:$0x1DC80] =	vst v63  }
0xb5: {  	s9 =	rddreg [dreg:$0x15]  }
0xb6: {  	[tilespmem:s23], [sflag:$0x9] =	stream.linear.gather [hbm4b:s9+s8], $0x50, $0x38;
	[tilespmem:$0x1DC80] =	vst v63  }
0xb7: {  	_ =	swait.ge [sflag:s14], $0x50  }
0xb8: {  	[sflag:s14] =	ssyncset.done $0x0  }
0xb9: {  	s11 =	rddreg [dreg:$0x16];
	[sflag:s14] =	ssyncadd.s32 $0xFFFFFFB0  }
0xba: {  	[tilespmem:s24], [sflag:$0x9] =	stream.linear.gather [hbm4b:s11+s8], $0x50, $0x38;
	[tilespmem:$0x1DC80] =	vst v63  }
0xbb: {  	_ =	swait.ge [sflag:s14], $0x50  }
0xbc: {  	[sflag:s14] =	ssyncset.done $0x0  }
0xbd: {  	[sflag:s14] =	ssyncadd.s32 $0xFFFFFFB0  }
0xbe: {  	[tilespmem:s25], [sflag:$0x3] =	stream.indirect.gather [hbm4b:s2+s17], $0x80, s23, s17, $0xb8;
	[tilespmem:$0x1DC80] =	vst v63  }
0xbf: {  	_ =	swait.ge [sflag:s26], $0x2800  }
0xc0: {  	[sflag:s26] =	ssyncset.done $0x0  }
0xc1: {  	[sflag:s26] =	ssyncadd.s32 $0xFFFFD800  }
0xc2: {  	[spmem:s4] =	stream.indirect.scatter.add.f32 [tilespmem:s15], [sflag:$0x5], $0x80, s16, s17, $0xb8;
	[tilespmem:$0x1DC80] =	vst v63  }
0xc3: {  	s9 =	rddreg [dreg:$0x19]  }
0xc4: {  	[tilespmem:s28], [sflag:$0x9] =	stream.linear.gather [hbm4b:s9+s8], $0x50, $0x38;
	[tilespmem:$0x1DC80] =	vst v63  }
0xc5: {  	_ =	swait.ge [sflag:s14], $0x50  }
0xc6: {  	[sflag:s14] =	ssyncset.done $0x0  }
0xc7: {  	s11 =	rddreg [dreg:$0x1a];
	[sflag:s14] =	ssyncadd.s32 $0xFFFFFFB0  }
0xc8: {  	[tilespmem:s29], [sflag:$0x9] =	stream.linear.gather [hbm4b:s11+s8], $0x50, $0x38;
	[tilespmem:$0x1DC80] =	vst v63  }
0xc9: {  	_ =	swait.ge [sflag:s14], $0x50  }
0xca: {  	[sflag:s14] =	ssyncset.done $0x0  }
0xcb: {  	[sflag:s14] =	ssyncadd.s32 $0xFFFFFFB0  }
0xcc: {  	[tilespmem:s31], [sflag:$0x4] =	stream.indirect.gather [hbm4b:s2+s17], $0x80, s28, s17, $0xb8;
	[tilespmem:$0x1DC80] =	vst v63  }
0xcd: {  	_ =	swait.ge [sflag:s0], $0x2800  }
0xce: {  	[sflag:s0] =	ssyncset.done $0x0  }
0xcf: {  	[sflag:s0] =	ssyncadd.s32 $0xFFFFD800  }
0xd0: {  	[spmem:s4] =	stream.indirect.scatter.add.f32 [tilespmem:s22], [sflag:$0x6], $0x80, s18, s17, $0xb8;
	[tilespmem:$0x1DC80] =	vst v63  }
0xd1: {  	_ =	swait.ge [sflag:s19], $0x2800  }
0xd2: {  	[sflag:s19] =	ssyncset.done $0x0  }
0xd3: {  	s9 =	rddreg [dreg:$0x1b];
	[sflag:s19] =	ssyncadd.s32 $0xFFFFD800  }
0xd4: {  	[tilespmem:s8], [sflag:$0x9] =	stream.linear.gather [hbm4b:s9+s8], $0x50, $0x38;
	[tilespmem:$0x1DC80] =	vst v63  }
0xd5: {  	_ =	swait.ge [sflag:s14], $0x50  }
0xd6: {  	[sflag:s14] =	ssyncset.done $0x0  }
0xd7: {  	s11 =	rddreg [dreg:$0x1c];
	[sflag:s14] =	ssyncadd.s32 $0xFFFFFFB0  }
0xd8: {  	[tilespmem:s16], [sflag:$0x9] =	stream.linear.gather [hbm4b:s11+s8], $0x50, $0x38;
	[tilespmem:$0x1DC80] =	vst v63  }
0xd9: {  	_ =	swait.ge [sflag:s14], $0x50  }
0xda: {  	[sflag:s14] =	ssyncset.done $0x0  }
0xdb: {  	[sflag:s14] =	ssyncadd.s32 $0xFFFFFFB0  }
0xdc: {  	[tilespmem:s15], [sflag:$0x1] =	stream.indirect.gather [hbm4b:s2+s17], $0x80, s8, s17, $0xb8;
	[tilespmem:$0x1DC80] =	vst v63  }
0xdd: {  	_ =	swait.ge [sflag:s1], $0x2800  }
0xde: {  	[sflag:s1] =	ssyncset.done $0x0  }
0xdf: {  	[sflag:s1] =	ssyncadd.s32 $0xFFFFD800  }
0xe0: {  	[spmem:s4] =	stream.indirect.scatter.add.f32 [tilespmem:s25], [sflag:$0x7], $0x80, s24, s17, $0xb8;
	[tilespmem:$0x1DC80] =	vst v63  }
0xe1: {  	_ =	swait.ge [sflag:s20], $0x2800  }
0xe2: {  	[sflag:s20] =	ssyncset.done $0x0  }
0xe3: {  	s9 =	rddreg [dreg:$0x1d];
	[sflag:s20] =	ssyncadd.s32 $0xFFFFD800  }
0xe4: {  	[tilespmem:s21], [sflag:$0x9] =	stream.linear.gather [hbm4b:s9+s8], $0x50, $0x38;
	[tilespmem:$0x1DC80] =	vst v63  }
0xe5: {  	_ =	swait.ge [sflag:s14], $0x50  }
0xe6: {  	[sflag:s14] =	ssyncset.done $0x0  }
0xe7: {  	s11 =	rddreg [dreg:$0x1e];
	[sflag:s14] =	ssyncadd.s32 $0xFFFFFFB0  }
0xe8: {  	[tilespmem:s18], [sflag:$0x9] =	stream.linear.gather [hbm4b:s11+s8], $0x50, $0x38;
	[tilespmem:$0x1DC80] =	vst v63  }
0xe9: {  	_ =	swait.ge [sflag:s14], $0x50  }
0xea: {  	[sflag:s14] =	ssyncset.done $0x0  }
0xeb: {  	[sflag:s14] =	ssyncadd.s32 $0xFFFFFFB0  }
0xec: {  	[tilespmem:s22], [sflag:$0x2] =	stream.indirect.gather [hbm4b:s2+s17], $0x80, s21, s17, $0xb8;
	[tilespmem:$0x1DC80] =	vst v63  }
0xed: {  	_ =	swait.ge [sflag:s3], $0x2800  }
0xee: {  	[sflag:s3] =	ssyncset.done $0x0  }
0xef: {  	[sflag:s3] =	ssyncadd.s32 $0xFFFFD800  }
0xf0: {  	[spmem:s4] =	stream.indirect.scatter.add.f32 [tilespmem:s31], [sflag:$0x8], $0x80, s29, s17, $0xb8;
	[tilespmem:$0x1DC80] =	vst v63  }
0xf1: {  	_ =	swait.ge [sflag:s13], $0x2800  }
0xf2: {  	s9 =	rddreg [dreg:$0xc];
	[sflag:s13] =	ssyncset.done $0x0  }
0xf3: {  	[sflag:s13] =	ssyncadd.s32 $0xFFFFD800;
	s7 =	sadd.s32 $0x0, s9  }
0xf4: {  	[tilespmem:s23], [sflag:$0x9] =	stream.linear.gather [hbm4b:s7+s5], $0x50, $0x38;
	[tilespmem:$0x1DC80] =	vst v63  }
0xf5: {  	_ =	swait.ge [sflag:s14], $0x50  }
0xf6: {  	s11 =	rddreg [dreg:$0xb];
	[sflag:s14] =	ssyncset.done $0x0  }
0xf7: {  	[sflag:s14] =	ssyncadd.s32 $0xFFFFFFB0;
	s7 =	sadd.s32 $0x0, s11  }
0xf8: {  	[tilespmem:s24], [sflag:$0x9] =	stream.linear.gather [hbm4b:s7+s5], $0x50, $0x38;
	[tilespmem:$0x1DC80] =	vst v63  }
0xf9: {  	_ =	swait.ge [sflag:s14], $0x50  }
0xfa: {  	[sflag:s14] =	ssyncset.done $0x0  }
0xfb: {  	[sflag:s14] =	ssyncadd.s32 $0xFFFFFFB0  }
0xfc: {  	[tilespmem:s25], [sflag:$0x3] =	stream.indirect.gather [hbm4b:s2+s17], $0x80, s23, s17, $0xb8;
	[tilespmem:$0x1DC80] =	vst v63  }
0xfd: {  	_ =	swait.ge [sflag:s26], $0x2800  }
0xfe: {  	[sflag:s26] =	ssyncset.done $0x0  }
0xff: {  	[sflag:s26] =	ssyncadd.s32 $0xFFFFD800  }
0x100: {  	[spmem:s4] =	stream.indirect.scatter.add.f32 [tilespmem:s15], [sflag:$0x5], $0x80, s16, s17, $0xb8;
	[tilespmem:$0x1DC80] =	vst v63  }
0x101: {  	_ =	swait.ge [sflag:s10], $0x2800  }
0x102: {  	s8 =	rddreg [dreg:$0xa];
	[sflag:s10] =	ssyncset.done $0x0  }
0x103: {  	[sflag:s10] =	ssyncadd.s32 $0xFFFFD800;
	s7 =	sadd.s32 $0x0, s8  }
0x104: {  	[tilespmem:s28], [sflag:$0x9] =	stream.linear.gather [hbm4b:s7+s5], $0x50, $0x38;
	[tilespmem:$0x1DC80] =	vst v63  }
0x105: {  	_ =	swait.ge [sflag:s14], $0x50  }
0x106: {  	s9 =	rddreg [dreg:$0x9];
	[sflag:s14] =	ssyncset.done $0x0  }
0x107: {  	[sflag:s14] =	ssyncadd.s32 $0xFFFFFFB0;
	s7 =	sadd.s32 $0x0, s9  }
0x108: {  	[tilespmem:s29], [sflag:$0x9] =	stream.linear.gather [hbm4b:s7+s5], $0x50, $0x38;
	[tilespmem:$0x1DC80] =	vst v63  }
0x109: {  	_ =	swait.ge [sflag:s14], $0x50  }
0x10a: {  	[sflag:s14] =	ssyncset.done $0x0  }
0x10b: {  	[sflag:s14] =	ssyncadd.s32 $0xFFFFFFB0  }
0x10c: {  	[tilespmem:s31], [sflag:$0x4] =	stream.indirect.gather [hbm4b:s2+s17], $0x80, s28, s17, $0xb8;
	[tilespmem:$0x1DC80] =	vst v63  }
0x10d: {  	_ =	swait.ge [sflag:s0], $0x2800  }
0x10e: {  	[sflag:s0] =	ssyncset.done $0x0  }
0x10f: {  	[sflag:s0] =	ssyncadd.s32 $0xFFFFD800  }
0x110: {  	[spmem:s4] =	stream.indirect.scatter.add.f32 [tilespmem:s22], [sflag:$0x6], $0x80, s18, s17, $0xb8;
	[tilespmem:$0x1DC80] =	vst v63  }
0x111: {  	_ =	swait.ge [sflag:s19], $0x2800  }
0x112: {  	s11 =	rddreg [dreg:$0x8];
	[sflag:s19] =	ssyncset.done $0x0  }
0x113: {  	[sflag:s19] =	ssyncadd.s32 $0xFFFFD800;
	s7 =	sadd.s32 $0x0, s11  }
0x114: {  	[tilespmem:s5], [sflag:$0x9] =	stream.linear.gather [hbm4b:s7+s5], $0x50, $0x38;
	[tilespmem:$0x1DC80] =	vst v63  }
0x115: {  	_ =	swait.ge [sflag:s14], $0x50  }
0x116: {  	s8 =	rddreg [dreg:$0x7];
	[sflag:s14] =	ssyncset.done $0x0  }
0x117: {  	[sflag:s14] =	ssyncadd.s32 $0xFFFFFFB0;
	s7 =	sadd.s32 $0x0, s8  }
0x118: {  	[tilespmem:s16], [sflag:$0x9] =	stream.linear.gather [hbm4b:s7+s5], $0x50, $0x38;
	[tilespmem:$0x1DC80] =	vst v63  }
0x119: {  	_ =	swait.ge [sflag:s14], $0x50  }
0x11a: {  	[sflag:s14] =	ssyncset.done $0x0  }
0x11b: {  	[sflag:s14] =	ssyncadd.s32 $0xFFFFFFB0  }
0x11c: {  	[tilespmem:s15], [sflag:$0x1] =	stream.indirect.gather [hbm4b:s2+s17], $0x80, s5, s17, $0xb8;
	[tilespmem:$0x1DC80] =	vst v63  }
0x11d: {  	_ =	swait.ge [sflag:s1], $0x2800  }
0x11e: {  	[sflag:s1] =	ssyncset.done $0x0  }
0x11f: {  	[sflag:s1] =	ssyncadd.s32 $0xFFFFD800  }
0x120: {  	[spmem:s4] =	stream.indirect.scatter.add.f32 [tilespmem:s25], [sflag:$0x7], $0x80, s24, s17, $0xb8;
	[tilespmem:$0x1DC80] =	vst v63  }
0x121: {  	_ =	swait.ge [sflag:s20], $0x2800  }
0x122: {  	s9 =	rddreg [dreg:$0x6];
	[sflag:s20] =	ssyncset.done $0x0  }
0x123: {  	[sflag:s20] =	ssyncadd.s32 $0xFFFFD800;
	s7 =	sadd.s32 $0x0, s9  }
0x124: {  	[tilespmem:s21], [sflag:$0x9] =	stream.linear.gather [hbm4b:s7+s5], $0x50, $0x38;
	[tilespmem:$0x1DC80] =	vst v63  }
0x125: {  	_ =	swait.ge [sflag:s14], $0x50  }
0x126: {  	s11 =	rddreg [dreg:$0x5];
	[sflag:s14] =	ssyncset.done $0x0  }
0x127: {  	[sflag:s14] =	ssyncadd.s32 $0xFFFFFFB0;
	s7 =	sadd.s32 $0x0, s11  }
0x128: {  	[tilespmem:s18], [sflag:$0x9] =	stream.linear.gather [hbm4b:s7+s5], $0x50, $0x38;
	[tilespmem:$0x1DC80] =	vst v63  }
0x129: {  	_ =	swait.ge [sflag:s14], $0x50  }
0x12a: {  	[sflag:s14] =	ssyncset.done $0x0  }
0x12b: {  	[sflag:s14] =	ssyncadd.s32 $0xFFFFFFB0  }
0x12c: {  	[tilespmem:s22], [sflag:$0x2] =	stream.indirect.gather [hbm4b:s2+s17], $0x80, s21, s17, $0xb8;
	[tilespmem:$0x1DC80] =	vst v63  }
0x12d: {  	_ =	swait.ge [sflag:s3], $0x2800  }
0x12e: {  	[sflag:s3] =	ssyncset.done $0x0  }
0x12f: {  	s8 =	simm.s32 $0x28;
	[sflag:s3] =	ssyncadd.s32 $0xFFFFD800  }
.LBB2_4:
0x130: {  	[spmem:s4] =	stream.indirect.scatter.add.f32 [tilespmem:s31], [sflag:$0x8], $0x80, s29, s17, $0xb8;
	[tilespmem:$0x1DC80] =	vst v63  }
0x131: {  	_ =	swait.ge [sflag:s13], $0x2800  }
0x132: {  	s11 =	smov.u32 s8;
	s7 =	rddreg [dreg:$0xc];
	[sflag:s13] =	ssyncset.done $0x0  }
0x133: {  	[sflag:s13] =	ssyncadd.s32 $0xFFFFD800;
	s7 =	sadd.s32 s11, s7  }
0x134: {  	[tilespmem:s23], [sflag:$0x9] =	stream.linear.gather [hbm4b:s7+s5], $0x50, $0x38;
	[tilespmem:$0x1DC80] =	vst v63  }
0x135: {  	_ =	swait.ge [sflag:s14], $0x50  }
0x136: {  	s9 =	rddreg [dreg:$0xb];
	[sflag:s14] =	ssyncset.done $0x0  }
0x137: {  	[sflag:s14] =	ssyncadd.s32 $0xFFFFFFB0;
	s7 =	sadd.s32 s11, s9  }
0x138: {  	[tilespmem:s24], [sflag:$0x9] =	stream.linear.gather [hbm4b:s7+s5], $0x50, $0x38;
	[tilespmem:$0x1DC80] =	vst v63  }
0x139: {  	_ =	swait.ge [sflag:s14], $0x50  }
0x13a: {  	[sflag:s14] =	ssyncset.done $0x0  }
0x13b: {  	[sflag:s14] =	ssyncadd.s32 $0xFFFFFFB0  }
0x13c: {  	[tilespmem:s25], [sflag:$0x3] =	stream.indirect.gather [hbm4b:s2+s17], $0x80, s23, s17, $0xb8;
	[tilespmem:$0x1DC80] =	vst v63  }
0x13d: {  	_ =	swait.ge [sflag:s26], $0x2800  }
0x13e: {  	[sflag:s26] =	ssyncset.done $0x0  }
0x13f: {  	[sflag:s26] =	ssyncadd.s32 $0xFFFFD800  }
0x140: {  	[spmem:s4] =	stream.indirect.scatter.add.f32 [tilespmem:s15], [sflag:$0x5], $0x80, s16, s17, $0xb8;
	[tilespmem:$0x1DC80] =	vst v63  }
0x141: {  	_ =	swait.ge [sflag:s10], $0x2800  }
0x142: {  	s9 =	rddreg [dreg:$0xa];
	[sflag:s10] =	ssyncset.done $0x0  }
0x143: {  	[sflag:s10] =	ssyncadd.s32 $0xFFFFD800;
	s7 =	sadd.s32 s11, s9  }
0x144: {  	[tilespmem:s28], [sflag:$0x9] =	stream.linear.gather [hbm4b:s7+s5], $0x50, $0x38;
	[tilespmem:$0x1DC80] =	vst v63  }
0x145: {  	_ =	swait.ge [sflag:s14], $0x50  }
0x146: {  	s9 =	rddreg [dreg:$0x9];
	[sflag:s14] =	ssyncset.done $0x0  }
0x147: {  	[sflag:s14] =	ssyncadd.s32 $0xFFFFFFB0;
	s7 =	sadd.s32 s11, s9  }
0x148: {  	[tilespmem:s29], [sflag:$0x9] =	stream.linear.gather [hbm4b:s7+s5], $0x50, $0x38;
	[tilespmem:$0x1DC80] =	vst v63  }
0x149: {  	_ =	swait.ge [sflag:s14], $0x50  }
0x14a: {  	[sflag:s14] =	ssyncset.done $0x0  }
0x14b: {  	[sflag:s14] =	ssyncadd.s32 $0xFFFFFFB0  }
0x14c: {  	[tilespmem:s31], [sflag:$0x4] =	stream.indirect.gather [hbm4b:s2+s17], $0x80, s28, s17, $0xb8;
	[tilespmem:$0x1DC80] =	vst v63  }
0x14d: {  	_ =	swait.ge [sflag:s0], $0x2800  }
0x14e: {  	[sflag:s0] =	ssyncset.done $0x0  }
0x14f: {  	[sflag:s0] =	ssyncadd.s32 $0xFFFFD800  }
0x150: {  	[spmem:s4] =	stream.indirect.scatter.add.f32 [tilespmem:s22], [sflag:$0x6], $0x80, s18, s17, $0xb8;
	[tilespmem:$0x1DC80] =	vst v63  }
0x151: {  	_ =	swait.ge [sflag:s19], $0x2800  }
0x152: {  	s9 =	rddreg [dreg:$0x8];
	[sflag:s19] =	ssyncset.done $0x0  }
0x153: {  	[sflag:s19] =	ssyncadd.s32 $0xFFFFD800;
	s7 =	sadd.s32 s11, s9  }
0x154: {  	[tilespmem:s5], [sflag:$0x9] =	stream.linear.gather [hbm4b:s7+s5], $0x50, $0x38;
	[tilespmem:$0x1DC80] =	vst v63  }
0x155: {  	_ =	swait.ge [sflag:s14], $0x50  }
0x156: {  	s9 =	rddreg [dreg:$0x7];
	[sflag:s14] =	ssyncset.done $0x0  }
0x157: {  	[sflag:s14] =	ssyncadd.s32 $0xFFFFFFB0;
	s7 =	sadd.s32 s11, s9  }
0x158: {  	[tilespmem:s16], [sflag:$0x9] =	stream.linear.gather [hbm4b:s7+s5], $0x50, $0x38;
	[tilespmem:$0x1DC80] =	vst v63  }
0x159: {  	_ =	swait.ge [sflag:s14], $0x50  }
0x15a: {  	[sflag:s14] =	ssyncset.done $0x0  }
0x15b: {  	[sflag:s14] =	ssyncadd.s32 $0xFFFFFFB0  }
0x15c: {  	[tilespmem:s15], [sflag:$0x1] =	stream.indirect.gather [hbm4b:s2+s17], $0x80, s5, s17, $0xb8;
	[tilespmem:$0x1DC80] =	vst v63  }
0x15d: {  	_ =	swait.ge [sflag:s1], $0x2800  }
0x15e: {  	[sflag:s1] =	ssyncset.done $0x0  }
0x15f: {  	[sflag:s1] =	ssyncadd.s32 $0xFFFFD800  }
0x160: {  	[spmem:s4] =	stream.indirect.scatter.add.f32 [tilespmem:s25], [sflag:$0x7], $0x80, s24, s17, $0xb8;
	[tilespmem:$0x1DC80] =	vst v63  }
0x161: {  	_ =	swait.ge [sflag:s20], $0x2800  }
0x162: {  	s9 =	rddreg [dreg:$0x6];
	[sflag:s20] =	ssyncset.done $0x0  }
0x163: {  	[sflag:s20] =	ssyncadd.s32 $0xFFFFD800;
	s7 =	sadd.s32 s11, s9  }
0x164: {  	[tilespmem:s21], [sflag:$0x9] =	stream.linear.gather [hbm4b:s7+s5], $0x50, $0x38;
	[tilespmem:$0x1DC80] =	vst v63  }
0x165: {  	_ =	swait.ge [sflag:s14], $0x50  }
0x166: {  	s9 =	rddreg [dreg:$0x5];
	[sflag:s14] =	ssyncset.done $0x0  }
0x167: {  	[sflag:s14] =	ssyncadd.s32 $0xFFFFFFB0;
	s7 =	sadd.s32 s11, s9  }
0x168: {  	[tilespmem:s18], [sflag:$0x9] =	stream.linear.gather [hbm4b:s7+s5], $0x50, $0x38;
	[tilespmem:$0x1DC80] =	vst v63  }
0x169: {  	_ =	swait.ge [sflag:s14], $0x50  }
0x16a: {  	p1 =	sne.s32 s8, $0x460;
	[sflag:s14] =	ssyncset.done $0x0  }
.Ltmp1:
0x16b: {  	[sflag:s14] =	ssyncadd.s32 $0xFFFFFFB0;
	(pc) =	sbr.rel @p1 .LBB2_4-.Ltmp1, $4  }
0x16c: {  	[tilespmem:s22], [sflag:$0x2] =	stream.indirect.gather [hbm4b:s2+s17], $0x80, s21, s17, $0xb8;
	[tilespmem:$0x1DC80] =	vst v63  }
0x16d: {  	_ =	swait.ge [sflag:s3], $0x2800  }
0x16e: {  	[sflag:s3] =	ssyncset.done $0x0  }
0x16f: {  	s8 =	sadd.s32 $0x28, s8;
	[sflag:s3] =	ssyncadd.s32 $0xFFFFD800  }
0x170: {  	[spmem:s4] =	stream.indirect.scatter.add.f32 [tilespmem:s31], [sflag:$0x8], $0x80, s29, s17, $0xb8;
	[tilespmem:$0x1DC80] =	vst v63  }
0x171: {  	_ =	swait.ge [sflag:s13], $0x2800  }
0x172: {  	[sflag:s13] =	ssyncset.done $0x0  }
0x173: {  	s7 =	rddreg [dreg:$0x1f];
	[sflag:s13] =	ssyncadd.s32 $0xFFFFD800  }
0x174: {  	[tilespmem:s23], [sflag:$0x9] =	stream.linear.gather [hbm4b:s7+s5], $0x50, $0x38;
	[tilespmem:$0x1DC80] =	vst v63  }
0x175: {  	_ =	swait.ge [sflag:s14], $0x50  }
0x176: {  	s8 =	sld [smem:$0x7F3]  }
0x177: {  	[sflag:s14] =	ssyncset.done $0x0  }
0x178: {  	[sflag:s14] =	ssyncadd.s32 $0xFFFFFFB0  }
0x179: {  	[tilespmem:s24], [sflag:$0x9] =	stream.linear.gather [hbm4b:s8+s5], $0x50, $0x38;
	[tilespmem:$0x1DC80] =	vst v63  }
0x17a: {  	_ =	swait.ge [sflag:s14], $0x50  }
0x17b: {  	[sflag:s14] =	ssyncset.done $0x0  }
0x17c: {  	[sflag:s14] =	ssyncadd.s32 $0xFFFFFFB0  }
0x17d: {  	[tilespmem:s25], [sflag:$0x3] =	stream.indirect.gather [hbm4b:s2+s17], $0x80, s23, s17, $0xb8;
	[tilespmem:$0x1DC80] =	vst v63  }
0x17e: {  	_ =	swait.ge [sflag:s26], $0x2800  }
0x17f: {  	[sflag:s26] =	ssyncset.done $0x0  }
0x180: {  	[sflag:s26] =	ssyncadd.s32 $0xFFFFD800  }
0x181: {  	[spmem:s4] =	stream.indirect.scatter.add.f32 [tilespmem:s15], [sflag:$0x5], $0x80, s16, s17, $0xb8;
	[tilespmem:$0x1DC80] =	vst v63  }
0x182: {  	_ =	swait.ge [sflag:s10], $0x2800  }
0x183: {  	s9 =	sld [smem:$0x7F4]  }
0x184: {  	[sflag:s10] =	ssyncset.done $0x0  }
0x185: {  	[sflag:s10] =	ssyncadd.s32 $0xFFFFD800  }
0x186: {  	[tilespmem:s28], [sflag:$0x9] =	stream.linear.gather [hbm4b:s9+s5], $0x50, $0x38;
	[tilespmem:$0x1DC80] =	vst v63  }
0x187: {  	_ =	swait.ge [sflag:s14], $0x50  }
0x188: {  	s11 =	sld [smem:$0x7F5]  }
0x189: {  	[sflag:s14] =	ssyncset.done $0x0  }
0x18a: {  	[sflag:s14] =	ssyncadd.s32 $0xFFFFFFB0  }
0x18b: {  	[tilespmem:s29], [sflag:$0x9] =	stream.linear.gather [hbm4b:s11+s5], $0x50, $0x38;
	[tilespmem:$0x1DC80] =	vst v63  }
0x18c: {  	_ =	swait.ge [sflag:s14], $0x50  }
0x18d: {  	[sflag:s14] =	ssyncset.done $0x0  }
0x18e: {  	[sflag:s14] =	ssyncadd.s32 $0xFFFFFFB0  }
0x18f: {  	[tilespmem:s31], [sflag:$0x4] =	stream.indirect.gather [hbm4b:s2+s17], $0x80, s28, s17, $0xb8;
	[tilespmem:$0x1DC80] =	vst v63  }
0x190: {  	_ =	swait.ge [sflag:s0], $0x2800  }
0x191: {  	[sflag:s0] =	ssyncset.done $0x0  }
0x192: {  	[sflag:s0] =	ssyncadd.s32 $0xFFFFD800  }
0x193: {  	[spmem:s4] =	stream.indirect.scatter.add.f32 [tilespmem:s22], [sflag:$0x6], $0x80, s18, s17, $0xb8;
	[tilespmem:$0x1DC80] =	vst v63  }
0x194: {  	_ =	swait.ge [sflag:s19], $0x2800  }
0x195: {  	s8 =	sld [smem:$0x7F8]  }
0x196: {  	[sflag:s19] =	ssyncset.done $0x0  }
0x197: {  	[sflag:s19] =	ssyncadd.s32 $0xFFFFD800  }
0x198: {  	[tilespmem:s5], [sflag:$0x9] =	stream.linear.gather [hbm4b:s8+s5], $0x50, $0x38;
	[tilespmem:$0x1DC80] =	vst v63  }
0x199: {  	_ =	swait.ge [sflag:s14], $0x50  }
0x19a: {  	s9 =	sld [smem:$0x7F9]  }
0x19b: {  	[sflag:s14] =	ssyncset.done $0x0  }
0x19c: {  	[sflag:s14] =	ssyncadd.s32 $0xFFFFFFB0  }
0x19d: {  	[tilespmem:s16], [sflag:$0x9] =	stream.linear.gather [hbm4b:s9+s5], $0x50, $0x38;
	[tilespmem:$0x1DC80] =	vst v63  }
0x19e: {  	_ =	swait.ge [sflag:s14], $0x50  }
0x19f: {  	[sflag:s14] =	ssyncset.done $0x0  }
0x1a0: {  	[sflag:s14] =	ssyncadd.s32 $0xFFFFFFB0  }
0x1a1: {  	[tilespmem:s15], [sflag:$0x1] =	stream.indirect.gather [hbm4b:s2+s17], $0x80, s5, s17, $0xb8;
	[tilespmem:$0x1DC80] =	vst v63  }
0x1a2: {  	_ =	swait.ge [sflag:s1], $0x2800  }
0x1a3: {  	[sflag:s1] =	ssyncset.done $0x0  }
0x1a4: {  	[sflag:s1] =	ssyncadd.s32 $0xFFFFD800  }
0x1a5: {  	[spmem:s4] =	stream.indirect.scatter.add.f32 [tilespmem:s25], [sflag:$0x7], $0x80, s24, s17, $0xb8;
	[tilespmem:$0x1DC80] =	vst v63  }
0x1a6: {  	_ =	swait.ge [sflag:s3], $0x2800  }
0x1a7: {  	[sflag:s3] =	ssyncset.done $0x0  }
0x1a8: {  	[sflag:s3] =	ssyncadd.s32 $0xFFFFD800  }
0x1a9: {  	[spmem:s4] =	stream.indirect.scatter.add.f32 [tilespmem:s31], [sflag:$0x8], $0x80, s29, s17, $0xb8;
	[tilespmem:$0x1DC80] =	vst v63  }
0x1aa: {  	_ =	swait.ge [sflag:s26], $0x2800  }
0x1ab: {  	[sflag:s26] =	ssyncset.done $0x0  }
0x1ac: {  	[sflag:s26] =	ssyncadd.s32 $0xFFFFD800  }
0x1ad: {  	[spmem:s4] =	stream.indirect.scatter.add.f32 [tilespmem:s15], [sflag:$0x5], $0x80, s16, s17, $0xb8;
	[tilespmem:$0x1DC80] =	vst v63  }
0x1ae: {  	_ =	swait.ge [sflag:s20], $0x2800  }
0x1af: {  	[sflag:s20] =	ssyncset.done $0x0  }
0x1b0: {  	[sflag:s20] =	ssyncadd.s32 $0xFFFFD800  }
0x1b1: {  	_ =	swait.ge [sflag:s13], $0x2800  }
0x1b2: {  	[sflag:s13] =	ssyncset.done $0x0  }
0x1b3: {  	[sflag:s13] =	ssyncadd.s32 $0xFFFFD800  }
0x1b4: {  	_ =	swait.ge [sflag:s10], $0x2800  }
0x1b5: {  	[sflag:s10] =	ssyncset.done $0x0  }
0x1b6: {  	[sflag:s10] =	ssyncadd.s32 $0xFFFFD800  }
0x1b7: {  	_ =	swait.ge [sflag:s19], $0x2800  }
0x1b8: {  	[sflag:s19] =	ssyncset.done $0x0  }
0x1b9: {  	[sflag:s19] =	ssyncadd.s32 $0xFFFFD800  }
0x1ba: {  	[bflag:$0x0] =	sbarrier.arrive $0xFFFF  }
0x1bb: {  	s9 =	sld [smem:$0x7F1]  }
0x1bc: {  	s8 =	rddreg [dreg:$0xf]  }
0x1bd: {  	s11 =	rddreg [dreg:$0x17]  }
0x1be: {  	[hbm:s11], [sflag:s8] =	dma.local [spmem:s9], $0x2700  }
0x1bf: {  	_ =	swait.ge [sflag:s14], $0x2700  }
0x1c0: {  	s9 =	sld [smem:$0x7F2]  }
0x1c1: {  	[sflag:s14] =	ssyncset.done $0x0  }
0x1c2: {  	s7 =	rddreg [dreg:$0x18];
	[sflag:s14] =	ssyncadd.s32 $0xFFFFD900  }
0x1c3: {  	[hbm:s7], [sflag:s8] =	dma.local @!p0 [spmem:s9], $0x100  }
0x1c4: {  	s7 =	simm.s32 @!p0 $0x9  }
0x1c5: {  	_ =	swait.ge @!p0 [sflag:s7], $0x100  }
0x1c6: {  	s11 =	sld [smem:$0x7FD];
	_ =	sdelay $0x2  }
0x1c7: {  	s9 =	sadd.s32 $0x1, s11;
	s11 =	sld [smem:$0x7FA];
	_ =	sdelay $0x2  }
0x1c8: {  	p1 =	sne.s32 s9, s11  }
.Ltmp2:
0x1c9: {  	_ = 	snop;
	(pc) =	sbr.rel @p1 .LBB2_1-.Ltmp2, $3  }
0x1ca: {  	_ =	sdelay $0x1  }
0x1cb: {  	[sflag:s7] =	ssyncset.done @!p0 $0x0;
	[smem:$0x7FD] =	sst s9  }
0x1cc: {  	[sflag:s7] =	ssyncadd.s32 @!p0 $0xFFFFFF00;
	s9 =	rddreg [dreg:$0xd]  }
0x1cd: {  	_ =	sfence.sel $0x180000  }
0x1ce: {  	[bflag:$0x0] =	sbarrier.arrive $0xFFFF  }
0x1cf: {  	_ =	strace $0x90000047  }
0x1d0: {  	s0 =	stileid.u32;
	[bflag:$0x2] =	sbarrier.arrive $0xFFFF  }
0x1d1: {  	p0 =	sne.s32 s0, $0x0;
	s0 =	rddreg [dreg:$0x4]  }
0x1d2: {  	s0 =	sadd.s32 @!p0 $0x100000, s0  }
0x1d3: {  	[sflag:s0] =	ssyncadd.tile.s32 @!p0 $0x1;
	_ =	shalt  }
.Lfunc_end2:
_tile_overlayer_lowered:
.L_overlay_start_2:
0x1d4: {  	(tag) =	ssettag $0x2  }
0x1d5: {  	s0 =	rddreg [dreg:$0x0];
	s2 =	stileid.u32  }
0x1d6: {  	s1 =	rddreg [dreg:$0x1];
	p0 =	sne.s32 s2, $0x0  }
0x1d7: {  	s3 =	rddreg [dreg:$0x2];
	[bflag:$0x3] =	sbarrier.arrive $0xFFFF;
	s2 =	simm.s32 @!p0 $0x1C09  }
0x1d8: {  	[timem:s3], [sflag:s2] =	dma.local @!p0 [hbm:s0], s1  }
0x1d9: {  	s0 =	simm.s32 @!p0 $0x9  }
0x1da: {  	_ =	swait.ge @!p0 [sflag:s0], s1  }
0x1db: {  	s1 =	ssub.s32 @!p0 $0x0, s1;
	[sflag:s0] =	ssyncset.done @!p0 $0x0  }
0x1dc: {  	[sflag:s0] =	ssyncadd.s32 @!p0 s1  }
0x1dd: {  	[bflag:$0x3] =	sbarrier.arrive $0xFFFF  }
0x1de: {  	_ =	shalt  }

// kernel: kernel.9.cloned.1.call-start
scs
__scs_entry_jumppad:
0x0: {  	(pc) =	sbr.rel $0x88, $3  }
0x1: {  	(tag) =	ssettag $0x0;
	lr =	simm.s32 $0x1  }
0x2: {  	[smem:$0x3F95] =	sst lr;
	_ =	strace $0xD0000000  }
0x3: {  	_ = 	snop  }
0x4: {  	_ = 	snop  }
0x5: {  	_ = 	snop  }
0x6: {  	_ = 	snop  }
0x7: {  	_ = 	snop  }
__scs_overlays_trampoline_lowered:
0x8: {  	[smem:$0x3FA4] =	sst s0  }
0x9: {  	[smem:$0x3FA5] =	sst s1  }
0xa: {  	[smem:$0x3FA6] =	sst s2  }
0xb: {  	[smem:$0x3FA7] =	sst s3  }
0xc: {  	[smem:$0x3FA8] =	sst s4  }
0xd: {  	[smem:$0x3FA9] =	sst s5  }
0xe: {  	[smem:$0x3FAA] =	sst s6  }
0xf: {  	[smem:$0x3FAB] =	sst s7  }
0x10: {  	[smem:$0x3FAC] =	sst s8  }
0x11: {  	[smem:$0x3FAD] =	sst s9;
	s0 =	simm.s32 @!p0 $0x0  }
0x12: {  	s1 =	sld [smem:$0x3F93];
	s0 =	simm.s32 @p0 $0x1  }
0x13: {  	[smem:$0x3FAE] =	sst s0;
	s0 =	simm.s32 @!p1 $0x0  }
0x14: {  	s2 =	sld [smem:$0x3F92];
	s0 =	simm.s32 @p1 $0x1  }
0x15: {  	[smem:$0x3FAF] =	sst s0;
	s0 =	simm.s32 @!p2 $0x0  }
0x16: {  	s3 =	sld [smem:$0x3FDB];
	s0 =	simm.s32 @p2 $0x1  }
0x17: {  	s4 =	simm.s32 $0x1BF5;
	[smem:$0x3FB1] =	sst s0  }
0x18: {  	s0 =	sld [smem:$0x3F94];
	_ =	swait.ge [sflag:s4], $0x0  }
0x19: {  	s7 =	sld [smem:$0x3F95]  }
0x1a: {  	s8 =	sadd.s32 $0xFFFFE003, lr  }
0x1b: {  	s9 =	sadd.s32 $0xFFFFFEF7, lr;
	s5 =	simm.s32 $0xFFFFFFFF;
	p2 =	slt.u32 s8, $0xFFFFF086  }
0x1c: {  	p1 =	slt.u32 s9, $0xF7A;
	s5 =	simm.s32 @!p2 $0x0  }
0x1d: {  	s5 =	simm.s32 @p1 $0x1;
	p0 =	seq.s32 s7, s2  }
0x1e: {  	s7 =	smul.u32 @!p0 $0xF7A, s2;
	p2 =	seq.s32 @!p0 s5, $0x0  }
0x1f: {  	s9 =	smul.u32 $0xF7A, s1;
	s8 =	simm.s32 @!p0 $0x1BF5;
	p2 =	por !p2, p0  }
0x20: {  	[sflag:s8] =	ssyncset.s32 @!p0 $0xFFFFF086;
	s6 =	sadd.s32 @!p0 s3, s7;
	s7 =	simm.s32 @!p0 $0x108  }
0x21: {  	s3 =	sadd.s32 s3, s9;
	s6 =	sadd.s32 @!p0 $0x88, s6;
	s7 =	simm.s32 @p2 $0x1082  }
0x22: {  	[simem:s7], [sflag:s8] =	dma.local @!p0 [hbm:s6], $0xF7A  }
0x23: {  	s9 =	sor.u32 $0xD0000000, s2;
	s6 =	simm.s32 $0x108;
	_ =	swait.ge @!p0 [sflag:s8], $0x0  }
0x24: {  	s3 =	sadd.s32 $0x88, s3;
	s6 =	simm.s32 @!p1 $0x1082;
	[sflag:s4] =	ssyncset.s32 $0xFFFFF086  }
0x25: {  	[simem:s6], [sflag:s4] =	dma.local [hbm:s3], $0xF7A  }
0x26: {  	[smem:$0x3F95] =	sst s1;
	(tag) =	ssettag s2;
	_ =	strace s9  }
0x27: {  	s1 =	sld [smem:$0x3FA5]  }
0x28: {  	s2 =	sld [smem:$0x3FA6]  }
0x29: {  	s4 =	sld [smem:$0x3FA8]  }
0x2a: {  	p0 =	seq.s32 s5, $0x0;
	s5 =	sld [smem:$0x3FA9]  }
0x2b: {  	s6 =	sld [smem:$0x3FAA]  }
0x2c: {  	s7 =	sld [smem:$0x3FAB]  }
0x2d: {  	s3 =	simm.s32 $0x108;
	s8 =	sld [smem:$0x3FAC]  }
0x2e: {  	s3 =	simm.s32 @!p0 $0x1082;
	s9 =	sld [smem:$0x3FAD]  }
0x2f: {  	lr =	sadd.s32 s0, s3;
	s0 =	sld [smem:$0x3FA4]  }
0x30: {  	s3 =	sld [smem:$0x3FA7]  }
0x31: {  	[smem:$0x3FB0] =	sst s10  }
0x32: {  	s10 =	sld [smem:$0x3FAE];
	_ =	sdelay $0x3  }
0x33: {  	p0 =	seq.s32 s10, $0x1;
	s10 =	sld [smem:$0x3FB0];
	_ =	sdelay $0x3  }
0x34: {  	[smem:$0x3FB0] =	sst s10  }
0x35: {  	s10 =	sld [smem:$0x3FAF];
	_ =	sdelay $0x3  }
0x36: {  	p1 =	seq.s32 s10, $0x1;
	s10 =	sld [smem:$0x3FB0];
	_ =	sdelay $0x3  }
0x37: {  	[smem:$0x3FB0] =	sst s10  }
0x38: {  	s10 =	sld [smem:$0x3FB1]  }
0x39: {  	_ = 	snop;
	(pc) =	sbr.ind lr, $3  }
0x3a: {  	_ = 	snop  }
0x3b: {  	_ = 	snop  }
0x3c: {  	p2 =	seq.s32 s10, $0x1;
	s10 =	sld [smem:$0x3FB0]  }
0x3d: {  	_ =	shalt  }
0x3e: {  	_ =	shalt  }
0x3f: {  	_ =	shalt  }
0x40: {  	_ =	shalt  }
0x41: {  	_ =	shalt  }
0x42: {  	_ =	shalt  }
0x43: {  	_ =	shalt  }
0x44: {  	_ =	shalt  }
0x45: {  	_ =	shalt  }
0x46: {  	_ =	shalt  }
0x47: {  	_ =	shalt  }
0x48: {  	_ =	shalt  }
0x49: {  	_ =	shalt  }
0x4a: {  	_ =	shalt  }
0x4b: {  	_ =	shalt  }
0x4c: {  	_ =	shalt  }
0x4d: {  	_ =	shalt  }
0x4e: {  	_ =	shalt  }
0x4f: {  	_ =	shalt  }
0x50: {  	_ =	shalt  }
0x51: {  	_ =	shalt  }
0x52: {  	_ =	shalt  }
0x53: {  	_ =	shalt  }
0x54: {  	_ =	shalt  }
0x55: {  	_ =	shalt  }
0x56: {  	_ =	shalt  }
0x57: {  	_ =	shalt  }
0x58: {  	_ =	shalt  }
0x59: {  	_ =	shalt  }
0x5a: {  	_ =	shalt  }
0x5b: {  	_ =	shalt  }
0x5c: {  	_ =	shalt  }
0x5d: {  	_ =	shalt  }
0x5e: {  	_ =	shalt  }
0x5f: {  	_ =	shalt  }
0x60: {  	_ =	shalt  }
0x61: {  	_ =	shalt  }
0x62: {  	_ =	shalt  }
0x63: {  	_ =	shalt  }
0x64: {  	_ =	shalt  }
0x65: {  	_ =	shalt  }
0x66: {  	_ =	shalt  }
0x67: {  	_ =	shalt  }
0x68: {  	_ =	shalt  }
0x69: {  	_ =	shalt  }
0x6a: {  	_ =	shalt  }
0x6b: {  	_ =	shalt  }
0x6c: {  	_ =	shalt  }
0x6d: {  	_ =	shalt  }
0x6e: {  	_ =	shalt  }
0x6f: {  	_ =	shalt  }
0x70: {  	_ =	shalt  }
0x71: {  	_ =	shalt  }
0x72: {  	_ =	shalt  }
0x73: {  	_ =	shalt  }
0x74: {  	_ =	shalt  }
0x75: {  	_ =	shalt  }
0x76: {  	_ =	shalt  }
0x77: {  	_ =	shalt  }
0x78: {  	_ =	shalt  }
0x79: {  	_ =	shalt  }
0x7a: {  	_ =	shalt  }
0x7b: {  	_ =	shalt  }
0x7c: {  	_ =	shalt  }
0x7d: {  	_ =	shalt  }
0x7e: {  	_ =	shalt  }
0x7f: {  	_ =	shalt  }
0x80: {  	_ =	shalt  }
0x81: {  	_ =	shalt  }
0x82: {  	_ =	shalt  }
0x83: {  	_ =	shalt  }
0x84: {  	_ =	shalt  }
0x85: {  	_ =	shalt  }
0x86: {  	_ =	shalt  }
0x87: {  	_ =	shalt  }
.Lfunc_end0:
.L_simem_size_0:
called_computation.1_lowered:
.L_overlay_start_0:
0x88: {  	s2 =	sld [smem:$0x3FD9]  }
0x89: {  	s3 =	sld [smem:$0x3FFE];
	_ =	sdelay $0x1  }
0x8a: {  	s1 =	srdreg.scid  }
0x8b: {  	s0 =	sand.u32 $0x1, s1  }
0x8c: {  	s16 =	sshll.u32 s0, $0xA;
	s2 =	sadd.s32 s3, s2  }
0x8d: {  	s2 =	sadd.s32 s2, s16  }
0x8e: {  	[smem:$0x3FBC] =	sst s2  }
0x8f: {  	_ = 	snop  }
0x90: {  	(tm) =	ssettm $0x1  }
0x91: {  	s17 =	sld [smem:$0x3FFB];
	_ =	sdelay $0x3  }
0x92: {  	_ =	strace s17  }
0x93: {  	s2 =	sld [smem:$0x3FFC];
	_ =	sdelay $0x3  }
0x94: {  	_ =	strace s2  }
0x95: {  	s2 =	sld [smem:$0x3FFD];
	_ =	sdelay $0x3  }
0x96: {  	_ =	strace s2  }
0x97: {  	_ =	strace $0x8FFFFFFF  }
0x98: {  	s18 =	sld [smem:$0x3FDB];
	_ =	sdelay $0x1  }
0x99: {  	s19 =	simm.s32 $_scs_section_size  }
0x9a: {  	s4 =	simm.s32 $_size__tile_overlayer_lowered;
	s5 =	simm.s32 $_tile_overlayer_lowered  }
0x9b: {  	s22 =	simm.s32 $0x1BFF;
	s21 =	sshll.u32 s5, $0x1;
	s2 =	sadd.s32 s19, s18  }
0x9c: {  	s6 =	simm.s32 $0x0;
	s20 =	sshll.u32 s4, $0x1;
	s4 =	sadd.s32 s21, s2  }
0x9d: {  	[timem:s6], [sflag:s22] =	dma.local [hbm:s4], s20  }
0x9e: {  	_ =	swait.ge [sflag:s22], s20  }
0x9f: {  	s3 =	ssub.s32 $0x0, s20;
	[sflag:s22] =	ssyncset.done $0x0  }
0xa0: {  	[sflag:s22] =	ssyncadd.s32 s3;
	_ =	sdelay $0x1  }
0xa1: {  	s23 =	simm.s32 $0x1B8B  }
0xa2: {  	_ =	swait.ge [sflag:s23], $0x1  }
0xa3: {  	[sflag:s23] =	ssyncset.done $0x0  }
0xa4: {  	s25 =	simm.s32 $0x1B8E;
	s24 =	sld [smem:$0x3FFE];
	[sflag:s23] =	ssyncadd.s32 $0xFFFFFFFF  }
0xa5: {  	s26 =	simm.s32 $execute0_lowered;
	[smem:$0x3FD2] =	sst s25  }
0xa6: {  	s4 =	sshll.u32 s26, $0x1;
	_ =	strace $0x80000049;
	[dreg:$0x1] =	wrdreg $0xFFFFFFFF  }
0xa7: {  	s28 =	simm.s32 $_size_execute0_lowered;
	s2 =	sadd.s32 s2, s4;
	[dreg:$0x0] =	wrdreg $0x0  }
0xa8: {  	s4 =	sshll.u32 s28, $0x1;
	[dreg:$0x2] =	wrdreg s2  }
0xa9: {  	[dreg:$0x3] =	wrdreg s4  }
0xaa: {  	[dreg:$0x4] =	wrdreg $0xC0  }
0xab: {  	_ =	task [dreg:s6], $0x5FFFF  }
0xac: {  	[dreg:$0x1] =	wrdreg $0xFFFFFFFF  }
0xad: {  	[dreg:$0x0] =	wrdreg $0x60  }
0xae: {  	[dreg:$0x2] =	wrdreg s24  }
0xaf: {  	[dreg:$0x3] =	wrdreg $0xA4000  }
0xb0: {  	[dreg:$0x4] =	wrdreg $0x9  }
0xb1: {  	_ =	task.clear_ibuf [dreg:s6], $0x5FFFF;
	_ =	strace $0x90000049  }
0xb2: {  	s29 =	simm.s32 $0x9;
	_ =	strace $0x8000004B  }
0xb3: {  	_ =	swait.ge [sflag:s29], $0x1  }
0xb4: {  	[sflag:s29] =	ssyncadd.s32 $0xFFFFFFFF  }
0xb5: {  	_ =	strace $0x9000004B  }
0xb6: {  	_ =	sfence  }
0xb7: {  	s30 =	sld [smem:$0x0];
	_ =	sdelay $0x2  }
0xb8: {  	s31 =	sshll.u32 s1, $0xD;
	s1 =	sshrl.u32 s1, $0x2  }
0xb9: {  	s3 =	sand.u32 $0x4000, s31;
	s1 =	sadd.s32 s1, s30  }
0xba: {  	s0 =	sor.u32 s3, s0;
	s1 =	sshll.u32 s1, $0x11  }
0xbb: {  	s0 =	sor.u32 s1, s0  }
0xbc: {  	s0 =	sadd.s32 $0x8F2B, s0  }
0xbd: {  	[sflag:s0] =	ssyncadd.remote.s32 $0x1  }
0xbe: {  	_ =	sfence.sel $0xFFFF  }
0xbf: {  	[dreg:$0x0] =	wrdreg $0xFFFFFFFF;
	(pc) =	sbr.abs _section_cstart, $3  }
0xc0: {  	[dreg:$0x1] =	wrdreg $0xFFFFFFFF  }
0xc1: {  	_ =	task.clear_ibuf [dreg:s6], $0x2FFFF;
	_ =	strace $0x9FFFFFFF  }
0xc2: {  	(tm) =	ssettm $0x7FFFFFFF  }
0xc3: {  	_ =	shalt  }
tec
execute0_lowered:
.L_overlay_start_1:
0x0: {  	(tag) =	ssettag $0x1  }
0x1: {  	s0 =	rddreg [dreg:$0x0];
	s14 =	stileid.u32  }
0x2: {  	s1 =	srdreg.scid;
	s2 =	rddreg [dreg:$0x1]  }
0x3: {  	s3 =	simm.s32 $0x0;
	s7 =	sand.u32 $0x1, s1;
	s5 =	smul.u32 $0x13800, s14  }
0x4: {  	s13 =	sshll.u32 s14, $0x1;
	[smem:$0x7FF] =	sst s3;
	s19 =	smul.u32 $0x4E20, s14  }
0x5: {  	s4 =	sadd.s32 $0xBE00, s0;
	s1 =	sor.u32 s7, s13;
	s13 =	smul.u32 $0x2710, s7  }
0x6: {  	s6 =	sadd.s32 $0x2000, s0;
	s8 =	ssub.s32 $0x2, s7;
	s7 =	smul.u32 $0x138800, s7  }
0x7: {  	s11 =	sadd.s32 $0xD9200, s0;
	p0 =	sne.s32 s14, $0xF;
	s1 =	smul.u32 $0x2710, s1  }
0x8: {  	_ =	strace $0x8000004A;
	s15 =	sshrl.u32 s8, $0x1;
	s28 =	sadd.s32 s5, s7  }
0x9: {  	s7 =	sshrl.u32 s7, $0x3;
	s9 =	sshrl.u32 s1, $0x3;
	s1 =	ssub.s32 s8, s15  }
0xa: {  	s7 =	sadd.s32 s11, s7;
	s10 =	sadd.s32 $0xA, s9;
	s18 =	sadd.s32 $0x14, s9  }
0xb: {  	s20 =	sadd.s32 $0x1E, s9;
	s22 =	sadd.s32 $0x28, s9;
	s16 =	sadd.s32 s4, s10  }
0xc: {  	s24 =	sadd.s32 $0x32, s9;
	s17 =	sadd.s32 s6, s10;
	[dreg:$0xb] =	wrdreg s16  }
0xd: {  	s12 =	sadd.s32 s4, s18;
	s8 =	sadd.s32 s6, s18;
	[dreg:$0xc] =	wrdreg s17  }
0xe: {  	s21 =	sadd.s32 s4, s20;
	s23 =	sadd.s32 s4, s22;
	[dreg:$0xd] =	wrdreg s12  }
0xf: {  	s10 =	sadd.s32 s13, s19;
	s25 =	sadd.s32 s4, s24;
	[dreg:$0xe] =	wrdreg s8  }
0x10: {  	s18 =	sadd.s32 $0x4CE, s9;
	[dreg:$0xf] =	wrdreg s21;
	s12 =	sadd.s32 s6, s20  }
0x11: {  	[dreg:$0x11] =	wrdreg s23;
	s13 =	sadd.s32 $0x2D0, s10;
	s8 =	sadd.s32 s6, s22  }
0x12: {  	[dreg:$0x13] =	wrdreg s25;
	s29 =	sadd.s32 $0x280, s10;
	s19 =	sadd.s32 s4, s18  }
0x13: {  	s20 =	sadd.s32 s4, s9;
	s21 =	sadd.s32 s6, s9;
	[dreg:$0x10] =	wrdreg s12  }
0x14: {  	s22 =	sadd.s32 $0x4D8, s9;
	s23 =	smul.u32 $0x4E000, s14;
	[dreg:$0x12] =	wrdreg s8  }
0x15: {  	s25 =	sshrl.u32 s5, $0x3;
	s26 =	sshrl.u32 s13, $0x3;
	[dreg:$0x18] =	wrdreg s19  }
0x16: {  	s12 =	sadd.s32 s6, s24;
	s30 =	sshrl.u32 s29, $0x3;
	[dreg:$0x1a] =	wrdreg s20  }
0x17: {  	[dreg:$0x1b] =	wrdreg s21;
	s24 =	sadd.s32 s4, s22;
	s29 =	sadd.s32 $0x27000, s7  }
0x18: {  	s7 =	simm.s32 $0x280;
	s19 =	simm.s32 $0x6;
	s20 =	simm.s32 $0x4  }
0x19: {  	s21 =	simm.s32 $0x7;
	[dreg:$0x14] =	wrdreg s12;
	s13 =	sadd.s32 s26, s6  }
0x1a: {  	s12 =	sshrl.u32 s28, $0x3;
	s8 =	sadd.s32 s26, s4;
	[dreg:$0x1d] =	wrdreg s24  }
0x1b: {  	s31 =	sadd.s32 s30, s6;
	s26 =	sshrl.u32 s23, $0x2;
	[smem:$0x7FB] =	sst s29  }
0x1c: {  	s28 =	sshll.u32 s14, $0x6;
	s14 =	simm.s32 $0x380;
	[dreg:$0x3] =	wrdreg s13  }
0x1d: {  	s23 =	simm.s32 $0x0;
	s12 =	sadd.s32 s11, s12;
	[dreg:$0x4] =	wrdreg s8  }
0x1e: {  	[dreg:$0x5] =	wrdreg s31;
	s11 =	sadd.s32 $0x230, s10;
	s13 =	sadd.s32 $0x4C4, s9  }
0x1f: {  	s10 =	sadd.s32 $0x1E0, s10;
	s5 =	sadd.s32 s26, s2;
	s26 =	sadd.s32 $0x3CE00, s0  }
0x20: {  	s31 =	sadd.s32 $0x138000, s2;
	s9 =	simm.s32 $0x100;
	[dreg:$0x15] =	wrdreg s12  }
0x21: {  	s12 =	sadd.s32 s30, s4;
	s8 =	sshrl.u32 s11, $0x3;
	[dreg:$0x1e] =	wrdreg s5  }
0x22: {  	s10 =	sshrl.u32 s10, $0x3;
	s16 =	sadd.s32 s4, s13;
	[smem:$0x7FD] =	sst s31  }
0x23: {  	s11 =	sadd.s32 s6, s13;
	s30 =	smax.u32 s1, $0x1;
	[dreg:$0x6] =	wrdreg s12  }
0x24: {  	s1 =	simm.s32 $0x9;
	s5 =	simm.s32 $0x400;
	[dreg:$0x16] =	wrdreg s16  }
0x25: {  	s13 =	simm.s32 $0x180;
	s15 =	sadd.s32 s8, s6;
	[dreg:$0x17] =	wrdreg s11  }
0x26: {  	s8 =	sadd.s32 s8, s4;
	s17 =	sadd.s32 s10, s6;
	[smem:$0x7FC] =	sst s30  }
0x27: {  	s4 =	sadd.s32 s10, s4;
	s10 =	simm.s32 $0x300;
	[dreg:$0x7] =	wrdreg s15  }
0x28: {  	s11 =	simm.s32 $0x5400;
	s12 =	simm.s32 $0x1;
	[dreg:$0x8] =	wrdreg s8  }
0x29: {  	s16 =	simm.s32 $0x2;
	[dreg:$0x9] =	wrdreg s17;
	s8 =	sadd.s32 s6, s18  }
0x2a: {  	s6 =	sadd.s32 s6, s22;
	[dreg:$0xa] =	wrdreg s4;
	s4 =	sadd.s32 s25, s0  }
0x2b: {  	s25 =	sor.u32 $0x1C09, s28;
	s0 =	sadd.s32 $0x3CC00, s0;
	s15 =	simm.s32 $0x7C00  }
0x2c: {  	s17 =	simm.s32 $0x5;
	s18 =	simm.s32 $0x3;
	[dreg:$0x19] =	wrdreg s8  }
0x2d: {  	s22 =	simm.s32 $0x8;
	[dreg:$0x1c] =	wrdreg s6;
	s4 =	sadd.s32 $0x15C00, s4  }
0x2e: {  	[smem:$0x7FA] =	sst s0;
	s0 =	simm.s32 $0x200;
	s6 =	simm.s32 $0x80  }
0x2f: {  	s8 =	simm.s32 $0x2C00;
	[dreg:$0x1f] =	wrdreg s4;
	s4 =	simm.s32 $0x50  }
.LBB2_1:
0x30: {  	s24 =	rddreg [dreg:$0x1e]  }
0x31: {  	s28 =	rddreg [dreg:$0x1f];
	s24 =	sshrl.u32 s24, $0x3  }
0x32: {  	[spmem:s24], [sflag:s25] =	dma.local [hbm:s28], $0x2700  }
0x33: {  	_ =	swait.ge [sflag:s1], $0x2700  }
0x34: {  	s28 =	sld [smem:$0x7FD]  }
0x35: {  	s29 =	sld [smem:$0x7FA]  }
0x36: {  	[sflag:s1] =	ssyncset.done $0x0  }
0x37: {  	[sflag:s1] =	ssyncadd.s32 $0xFFFFD900;
	s28 =	sshrl.u32 @!p0 s28, $0x3  }
0x38: {  	[spmem:s28], [sflag:s25] =	dma.local @!p0 [hbm:s29], $0x100  }
0x39: {  	s29 =	simm.s32 @!p0 $0x9  }
0x3a: {  	_ =	swait.ge @!p0 [sflag:s29], $0x100  }
0x3b: {  	[sflag:s29] =	ssyncset.done @!p0 $0x0  }
0x3c: {  	[sflag:s29] =	ssyncadd.s32 @!p0 $0xFFFFFF00  }
0x3d: {  	[bflag:$0x0] =	sbarrier.arrive $0xFFFF  }
0x3e: {  	s29 =	rddreg [dreg:$0x1a]  }
0x3f: {  	[tilespmem:s3], [sflag:$0x9] =	stream.linear.gather [hbm4b:s29+s3], $0x50, $0x38;
	[tilespmem:$0x1DC80] =	vst v63  }
0x40: {  	_ =	swait.ge [sflag:s1], $0x50  }
0x41: {  	[sflag:s1] =	ssyncset.done $0x0  }
0x42: {  	s29 =	rddreg [dreg:$0x1b];
	[sflag:s1] =	ssyncadd.s32 $0xFFFFFFB0  }
0x43: {  	[tilespmem:s0], [sflag:$0x9] =	stream.linear.gather [hbm4b:s29+s3], $0x50, $0x38;
	[tilespmem:$0x1DC80] =	vst v63  }
0x44: {  	_ =	swait.ge [sflag:s1], $0x50  }
0x45: {  	[sflag:s1] =	ssyncset.done $0x0  }
0x46: {  	[sflag:s1] =	ssyncadd.s32 $0xFFFFFFB0  }
0x47: {  	[tilespmem:s5], [sflag:$0x1] =	stream.indirect.gather [hbm4b:s26+s4], $0x80, s3, s4, $0xb8;
	[tilespmem:$0x1DC80] =	vst v63  }
0x48: {  	s29 =	rddreg [dreg:$0xb]  }
0x49: {  	[tilespmem:s6], [sflag:$0x9] =	stream.linear.gather [hbm4b:s29+s3], $0x50, $0x38;
	[tilespmem:$0x1DC80] =	vst v63  }
0x4a: {  	_ =	swait.ge [sflag:s1], $0x50  }
0x4b: {  	[sflag:s1] =	ssyncset.done $0x0  }
0x4c: {  	s29 =	rddreg [dreg:$0xc];
	[sflag:s1] =	ssyncadd.s32 $0xFFFFFFB0  }
0x4d: {  	[tilespmem:s7], [sflag:$0x9] =	stream.linear.gather [hbm4b:s29+s3], $0x50, $0x38;
	[tilespmem:$0x1DC80] =	vst v63  }
0x4e: {  	_ =	swait.ge [sflag:s1], $0x50  }
0x4f: {  	[sflag:s1] =	ssyncset.done $0x0  }
0x50: {  	[sflag:s1] =	ssyncadd.s32 $0xFFFFFFB0  }
0x51: {  	[tilespmem:s8], [sflag:$0x2] =	stream.indirect.gather [hbm4b:s26+s4], $0x80, s6, s4, $0xb8;
	[tilespmem:$0x1DC80] =	vst v63  }
0x52: {  	s29 =	rddreg [dreg:$0xd]  }
0x53: {  	[tilespmem:s9], [sflag:$0x9] =	stream.linear.gather [hbm4b:s29+s3], $0x50, $0x38;
	[tilespmem:$0x1DC80] =	vst v63  }
0x54: {  	_ =	swait.ge [sflag:s1], $0x50  }
0x55: {  	[sflag:s1] =	ssyncset.done $0x0  }
0x56: {  	s29 =	rddreg [dreg:$0xe];
	[sflag:s1] =	ssyncadd.s32 $0xFFFFFFB0  }
0x57: {  	[tilespmem:s10], [sflag:$0x9] =	stream.linear.gather [hbm4b:s29+s3], $0x50, $0x38;
	[tilespmem:$0x1DC80] =	vst v63  }
0x58: {  	_ =	swait.ge [sflag:s1], $0x50  }
0x59: {  	[sflag:s1] =	ssyncset.done $0x0  }
0x5a: {  	[sflag:s1] =	ssyncadd.s32 $0xFFFFFFB0  }
0x5b: {  	[tilespmem:s11], [sflag:$0x3] =	stream.indirect.gather [hbm4b:s26+s4], $0x80, s9, s4, $0xb8;
	[tilespmem:$0x1DC80] =	vst v63  }
0x5c: {  	_ =	swait.ge [sflag:s12], $0x2800  }
0x5d: {  	[sflag:s12] =	ssyncset.done $0x0  }
0x5e: {  	[sflag:s12] =	ssyncadd.s32 $0xFFFFD800  }
0x5f: {  	[spmem:s2] =	stream.indirect.scatter.add.f32 [tilespmem:s5], [sflag:$0x5], $0x80, s0, s4, $0xb8;
	[tilespmem:$0x1DC80] =	vst v63  }
0x60: {  	s29 =	rddreg [dreg:$0xf]  }
0x61: {  	[tilespmem:s13], [sflag:$0x9] =	stream.linear.gather [hbm4b:s29+s3], $0x50, $0x38;
	[tilespmem:$0x1DC80] =	vst v63  }
0x62: {  	_ =	swait.ge [sflag:s1], $0x50  }
0x63: {  	[sflag:s1] =	ssyncset.done $0x0  }
0x64: {  	s29 =	rddreg [dreg:$0x10];
	[sflag:s1] =	ssyncadd.s32 $0xFFFFFFB0  }
0x65: {  	[tilespmem:s14], [sflag:$0x9] =	stream.linear.gather [hbm4b:s29+s3], $0x50, $0x38;
	[tilespmem:$0x1DC80] =	vst v63  }
0x66: {  	_ =	swait.ge [sflag:s1], $0x50  }
0x67: {  	[sflag:s1] =	ssyncset.done $0x0  }
0x68: {  	[sflag:s1] =	ssyncadd.s32 $0xFFFFFFB0  }
0x69: {  	[tilespmem:s15], [sflag:$0x4] =	stream.indirect.gather [hbm4b:s26+s4], $0x80, s13, s4, $0xb8;
	[tilespmem:$0x1DC80] =	vst v63  }
0x6a: {  	_ =	swait.ge [sflag:s16], $0x2800  }
0x6b: {  	[sflag:s16] =	ssyncset.done $0x0  }
0x6c: {  	[sflag:s16] =	ssyncadd.s32 $0xFFFFD800  }
0x6d: {  	[spmem:s2] =	stream.indirect.scatter.add.f32 [tilespmem:s8], [sflag:$0x6], $0x80, s7, s4, $0xb8;
	[tilespmem:$0x1DC80] =	vst v63  }
0x6e: {  	_ =	swait.ge [sflag:s17], $0x2800  }
0x6f: {  	[sflag:s17] =	ssyncset.done $0x0  }
0x70: {  	s29 =	rddreg [dreg:$0x11];
	[sflag:s17] =	ssyncadd.s32 $0xFFFFD800  }
0x71: {  	[tilespmem:s3], [sflag:$0x9] =	stream.linear.gather [hbm4b:s29+s3], $0x50, $0x38;
	[tilespmem:$0x1DC80] =	vst v63  }
0x72: {  	_ =	swait.ge [sflag:s1], $0x50  }
0x73: {  	[sflag:s1] =	ssyncset.done $0x0  }
0x74: {  	s29 =	rddreg [dreg:$0x12];
	[sflag:s1] =	ssyncadd.s32 $0xFFFFFFB0  }
0x75: {  	[tilespmem:s0], [sflag:$0x9] =	stream.linear.gather [hbm4b:s29+s3], $0x50, $0x38;
	[tilespmem:$0x1DC80] =	vst v63  }
0x76: {  	_ =	swait.ge [sflag:s1], $0x50  }
0x77: {  	[sflag:s1] =	ssyncset.done $0x0  }
0x78: {  	[sflag:s1] =	ssyncadd.s32 $0xFFFFFFB0  }
0x79: {  	[tilespmem:s5], [sflag:$0x1] =	stream.indirect.gather [hbm4b:s26+s4], $0x80, s3, s4, $0xb8;
	[tilespmem:$0x1DC80] =	vst v63  }
0x7a: {  	_ =	swait.ge [sflag:s18], $0x2800  }
0x7b: {  	[sflag:s18] =	ssyncset.done $0x0  }
0x7c: {  	[sflag:s18] =	ssyncadd.s32 $0xFFFFD800  }
0x7d: {  	[spmem:s2] =	stream.indirect.scatter.add.f32 [tilespmem:s11], [sflag:$0x7], $0x80, s10, s4, $0xb8;
	[tilespmem:$0x1DC80] =	vst v63  }
0x7e: {  	_ =	swait.ge [sflag:s19], $0x2800  }
0x7f: {  	[sflag:s19] =	ssyncset.done $0x0  }
0x80: {  	s29 =	rddreg [dreg:$0x13];
	[sflag:s19] =	ssyncadd.s32 $0xFFFFD800  }
0x81: {  	[tilespmem:s6], [sflag:$0x9] =	stream.linear.gather [hbm4b:s29+s3], $0x50, $0x38;
	[tilespmem:$0x1DC80] =	vst v63  }
0x82: {  	_ =	swait.ge [sflag:s1], $0x50  }
0x83: {  	[sflag:s1] =	ssyncset.done $0x0  }
0x84: {  	s29 =	rddreg [dreg:$0x14];
	[sflag:s1] =	ssyncadd.s32 $0xFFFFFFB0  }
0x85: {  	[tilespmem:s7], [sflag:$0x9] =	stream.linear.gather [hbm4b:s29+s3], $0x50, $0x38;
	[tilespmem:$0x1DC80] =	vst v63  }
0x86: {  	_ =	swait.ge [sflag:s1], $0x50  }
0x87: {  	[sflag:s1] =	ssyncset.done $0x0  }
0x88: {  	[sflag:s1] =	ssyncadd.s32 $0xFFFFFFB0  }
0x89: {  	[tilespmem:s8], [sflag:$0x2] =	stream.indirect.gather [hbm4b:s26+s4], $0x80, s6, s4, $0xb8;
	[tilespmem:$0x1DC80] =	vst v63  }
0x8a: {  	_ =	swait.ge [sflag:s20], $0x2800  }
0x8b: {  	[sflag:s20] =	ssyncset.done $0x0  }
0x8c: {  	[sflag:s20] =	ssyncadd.s32 $0xFFFFD800  }
0x8d: {  	[spmem:s2] =	stream.indirect.scatter.add.f32 [tilespmem:s15], [sflag:$0x8], $0x80, s14, s4, $0xb8;
	[tilespmem:$0x1DC80] =	vst v63  }
0x8e: {  	_ =	swait.ge [sflag:s21], $0x2800  }
0x8f: {  	s29 =	rddreg [dreg:$0xa];
	[sflag:s21] =	ssyncset.done $0x0  }
0x90: {  	[sflag:s21] =	ssyncadd.s32 $0xFFFFD800;
	s29 =	sadd.s32 $0x0, s29  }
0x91: {  	[tilespmem:s9], [sflag:$0x9] =	stream.linear.gather [hbm4b:s29+s3], $0x50, $0x38;
	[tilespmem:$0x1DC80] =	vst v63  }
0x92: {  	_ =	swait.ge [sflag:s1], $0x50  }
0x93: {  	s29 =	rddreg [dreg:$0x9];
	[sflag:s1] =	ssyncset.done $0x0  }
0x94: {  	[sflag:s1] =	ssyncadd.s32 $0xFFFFFFB0;
	s29 =	sadd.s32 $0x0, s29  }
0x95: {  	[tilespmem:s10], [sflag:$0x9] =	stream.linear.gather [hbm4b:s29+s3], $0x50, $0x38;
	[tilespmem:$0x1DC80] =	vst v63  }
0x96: {  	_ =	swait.ge [sflag:s1], $0x50  }
0x97: {  	[sflag:s1] =	ssyncset.done $0x0  }
0x98: {  	[sflag:s1] =	ssyncadd.s32 $0xFFFFFFB0  }
0x99: {  	[tilespmem:s11], [sflag:$0x3] =	stream.indirect.gather [hbm4b:s26+s4], $0x80, s9, s4, $0xb8;
	[tilespmem:$0x1DC80] =	vst v63  }
0x9a: {  	_ =	swait.ge [sflag:s12], $0x2800  }
0x9b: {  	[sflag:s12] =	ssyncset.done $0x0  }
0x9c: {  	[sflag:s12] =	ssyncadd.s32 $0xFFFFD800  }
0x9d: {  	[spmem:s2] =	stream.indirect.scatter.add.f32 [tilespmem:s5], [sflag:$0x5], $0x80, s0, s4, $0xb8;
	[tilespmem:$0x1DC80] =	vst v63  }
0x9e: {  	_ =	swait.ge [sflag:s22], $0x2800  }
0x9f: {  	s29 =	rddreg [dreg:$0x8];
	[sflag:s22] =	ssyncset.done $0x0  }
0xa0: {  	[sflag:s22] =	ssyncadd.s32 $0xFFFFD800;
	s29 =	sadd.s32 $0x0, s29  }
0xa1: {  	[tilespmem:s13], [sflag:$0x9] =	stream.linear.gather [hbm4b:s29+s3], $0x50, $0x38;
	[tilespmem:$0x1DC80] =	vst v63  }
0xa2: {  	_ =	swait.ge [sflag:s1], $0x50  }
0xa3: {  	s29 =	rddreg [dreg:$0x7];
	[sflag:s1] =	ssyncset.done $0x0  }
0xa4: {  	[sflag:s1] =	ssyncadd.s32 $0xFFFFFFB0;
	s29 =	sadd.s32 $0x0, s29  }
0xa5: {  	[tilespmem:s14], [sflag:$0x9] =	stream.linear.gather [hbm4b:s29+s3], $0x50, $0x38;
	[tilespmem:$0x1DC80] =	vst v63  }
0xa6: {  	_ =	swait.ge [sflag:s1], $0x50  }
0xa7: {  	[sflag:s1] =	ssyncset.done $0x0  }
0xa8: {  	[sflag:s1] =	ssyncadd.s32 $0xFFFFFFB0  }
0xa9: {  	[tilespmem:s15], [sflag:$0x4] =	stream.indirect.gather [hbm4b:s26+s4], $0x80, s13, s4, $0xb8;
	[tilespmem:$0x1DC80] =	vst v63  }
0xaa: {  	_ =	swait.ge [sflag:s16], $0x2800  }
0xab: {  	[sflag:s16] =	ssyncset.done $0x0  }
0xac: {  	[sflag:s16] =	ssyncadd.s32 $0xFFFFD800  }
0xad: {  	[spmem:s2] =	stream.indirect.scatter.add.f32 [tilespmem:s8], [sflag:$0x6], $0x80, s7, s4, $0xb8;
	[tilespmem:$0x1DC80] =	vst v63  }
0xae: {  	_ =	swait.ge [sflag:s17], $0x2800  }
0xaf: {  	s29 =	rddreg [dreg:$0x6];
	[sflag:s17] =	ssyncset.done $0x0  }
0xb0: {  	[sflag:s17] =	ssyncadd.s32 $0xFFFFD800;
	s29 =	sadd.s32 $0x0, s29  }
0xb1: {  	[tilespmem:s3], [sflag:$0x9] =	stream.linear.gather [hbm4b:s29+s3], $0x50, $0x38;
	[tilespmem:$0x1DC80] =	vst v63  }
0xb2: {  	_ =	swait.ge [sflag:s1], $0x50  }
0xb3: {  	s29 =	rddreg [dreg:$0x5];
	[sflag:s1] =	ssyncset.done $0x0  }
0xb4: {  	[sflag:s1] =	ssyncadd.s32 $0xFFFFFFB0;
	s29 =	sadd.s32 $0x0, s29  }
0xb5: {  	[tilespmem:s0], [sflag:$0x9] =	stream.linear.gather [hbm4b:s29+s3], $0x50, $0x38;
	[tilespmem:$0x1DC80] =	vst v63  }
0xb6: {  	_ =	swait.ge [sflag:s1], $0x50  }
0xb7: {  	[sflag:s1] =	ssyncset.done $0x0  }
0xb8: {  	[sflag:s1] =	ssyncadd.s32 $0xFFFFFFB0  }
0xb9: {  	[tilespmem:s5], [sflag:$0x1] =	stream.indirect.gather [hbm4b:s26+s4], $0x80, s3, s4, $0xb8;
	[tilespmem:$0x1DC80] =	vst v63  }
0xba: {  	_ =	swait.ge [sflag:s18], $0x2800  }
0xbb: {  	[sflag:s18] =	ssyncset.done $0x0  }
0xbc: {  	[sflag:s18] =	ssyncadd.s32 $0xFFFFD800  }
0xbd: {  	[spmem:s2] =	stream.indirect.scatter.add.f32 [tilespmem:s11], [sflag:$0x7], $0x80, s10, s4, $0xb8;
	[tilespmem:$0x1DC80] =	vst v63  }
0xbe: {  	_ =	swait.ge [sflag:s19], $0x2800  }
0xbf: {  	s29 =	rddreg [dreg:$0x4];
	[sflag:s19] =	ssyncset.done $0x0  }
0xc0: {  	[sflag:s19] =	ssyncadd.s32 $0xFFFFD800;
	s29 =	sadd.s32 $0x0, s29  }
0xc1: {  	[tilespmem:s6], [sflag:$0x9] =	stream.linear.gather [hbm4b:s29+s3], $0x50, $0x38;
	[tilespmem:$0x1DC80] =	vst v63  }
0xc2: {  	_ =	swait.ge [sflag:s1], $0x50  }
0xc3: {  	s29 =	rddreg [dreg:$0x3];
	[sflag:s1] =	ssyncset.done $0x0  }
0xc4: {  	[sflag:s1] =	ssyncadd.s32 $0xFFFFFFB0;
	s29 =	sadd.s32 $0x0, s29  }
0xc5: {  	[tilespmem:s7], [sflag:$0x9] =	stream.linear.gather [hbm4b:s29+s3], $0x50, $0x38;
	[tilespmem:$0x1DC80] =	vst v63  }
0xc6: {  	_ =	swait.ge [sflag:s1], $0x50  }
0xc7: {  	[sflag:s1] =	ssyncset.done $0x0  }
0xc8: {  	[sflag:s1] =	ssyncadd.s32 $0xFFFFFFB0  }
0xc9: {  	[tilespmem:s8], [sflag:$0x2] =	stream.indirect.gather [hbm4b:s26+s4], $0x80, s6, s4, $0xb8;
	[tilespmem:$0x1DC80] =	vst v63  }
0xca: {  	_ =	swait.ge [sflag:s20], $0x2800  }
0xcb: {  	[sflag:s20] =	ssyncset.done $0x0  }
0xcc: {  	s29 =	simm.s32 $0x28;
	[sflag:s20] =	ssyncadd.s32 $0xFFFFD800  }
.LBB2_2:
0xcd: {  	[spmem:s2] =	stream.indirect.scatter.add.f32 [tilespmem:s15], [sflag:$0x8], $0x80, s14, s4, $0xb8;
	[tilespmem:$0x1DC80] =	vst v63  }
0xce: {  	_ =	swait.ge [sflag:s21], $0x2800  }
0xcf: {  	s30 =	smov.u32 s29;
	s31 =	rddreg [dreg:$0xa];
	[sflag:s21] =	ssyncset.done $0x0  }
0xd0: {  	[sflag:s21] =	ssyncadd.s32 $0xFFFFD800;
	s31 =	sadd.s32 s30, s31  }
0xd1: {  	[tilespmem:s9], [sflag:$0x9] =	stream.linear.gather [hbm4b:s31+s3], $0x50, $0x38;
	[tilespmem:$0x1DC80] =	vst v63  }
0xd2: {  	_ =	swait.ge [sflag:s1], $0x50  }
0xd3: {  	s31 =	rddreg [dreg:$0x9];
	[sflag:s1] =	ssyncset.done $0x0  }
0xd4: {  	[sflag:s1] =	ssyncadd.s32 $0xFFFFFFB0;
	s31 =	sadd.s32 s30, s31  }
0xd5: {  	[tilespmem:s10], [sflag:$0x9] =	stream.linear.gather [hbm4b:s31+s3], $0x50, $0x38;
	[tilespmem:$0x1DC80] =	vst v63  }
0xd6: {  	_ =	swait.ge [sflag:s1], $0x50  }
0xd7: {  	[sflag:s1] =	ssyncset.done $0x0  }
0xd8: {  	[sflag:s1] =	ssyncadd.s32 $0xFFFFFFB0  }
0xd9: {  	[tilespmem:s11], [sflag:$0x3] =	stream.indirect.gather [hbm4b:s26+s4], $0x80, s9, s4, $0xb8;
	[tilespmem:$0x1DC80] =	vst v63  }
0xda: {  	_ =	swait.ge [sflag:s12], $0x2800  }
0xdb: {  	[sflag:s12] =	ssyncset.done $0x0  }
0xdc: {  	[sflag:s12] =	ssyncadd.s32 $0xFFFFD800  }
0xdd: {  	[spmem:s2] =	stream.indirect.scatter.add.f32 [tilespmem:s5], [sflag:$0x5], $0x80, s0, s4, $0xb8;
	[tilespmem:$0x1DC80] =	vst v63  }
0xde: {  	_ =	swait.ge [sflag:s22], $0x2800  }
0xdf: {  	s31 =	rddreg [dreg:$0x8];
	[sflag:s22] =	ssyncset.done $0x0  }
0xe0: {  	[sflag:s22] =	ssyncadd.s32 $0xFFFFD800;
	s31 =	sadd.s32 s30, s31  }
0xe1: {  	[tilespmem:s13], [sflag:$0x9] =	stream.linear.gather [hbm4b:s31+s3], $0x50, $0x38;
	[tilespmem:$0x1DC80] =	vst v63  }
0xe2: {  	_ =	swait.ge [sflag:s1], $0x50  }
0xe3: {  	s31 =	rddreg [dreg:$0x7];
	[sflag:s1] =	ssyncset.done $0x0  }
0xe4: {  	[sflag:s1] =	ssyncadd.s32 $0xFFFFFFB0;
	s31 =	sadd.s32 s30, s31  }
0xe5: {  	[tilespmem:s14], [sflag:$0x9] =	stream.linear.gather [hbm4b:s31+s3], $0x50, $0x38;
	[tilespmem:$0x1DC80] =	vst v63  }
0xe6: {  	_ =	swait.ge [sflag:s1], $0x50  }
0xe7: {  	[sflag:s1] =	ssyncset.done $0x0  }
0xe8: {  	[sflag:s1] =	ssyncadd.s32 $0xFFFFFFB0  }
0xe9: {  	[tilespmem:s15], [sflag:$0x4] =	stream.indirect.gather [hbm4b:s26+s4], $0x80, s13, s4, $0xb8;
	[tilespmem:$0x1DC80] =	vst v63  }
0xea: {  	_ =	swait.ge [sflag:s16], $0x2800  }
0xeb: {  	[sflag:s16] =	ssyncset.done $0x0  }
0xec: {  	[sflag:s16] =	ssyncadd.s32 $0xFFFFD800  }
0xed: {  	[spmem:s2] =	stream.indirect.scatter.add.f32 [tilespmem:s8], [sflag:$0x6], $0x80, s7, s4, $0xb8;
	[tilespmem:$0x1DC80] =	vst v63  }
0xee: {  	_ =	swait.ge [sflag:s17], $0x2800  }
0xef: {  	s31 =	rddreg [dreg:$0x6];
	[sflag:s17] =	ssyncset.done $0x0  }
0xf0: {  	[sflag:s17] =	ssyncadd.s32 $0xFFFFD800;
	s31 =	sadd.s32 s30, s31  }
0xf1: {  	[tilespmem:s3], [sflag:$0x9] =	stream.linear.gather [hbm4b:s31+s3], $0x50, $0x38;
	[tilespmem:$0x1DC80] =	vst v63  }
0xf2: {  	_ =	swait.ge [sflag:s1], $0x50  }
0xf3: {  	s31 =	rddreg [dreg:$0x5];
	[sflag:s1] =	ssyncset.done $0x0  }
0xf4: {  	[sflag:s1] =	ssyncadd.s32 $0xFFFFFFB0;
	s31 =	sadd.s32 s30, s31  }
0xf5: {  	[tilespmem:s0], [sflag:$0x9] =	stream.linear.gather [hbm4b:s31+s3], $0x50, $0x38;
	[tilespmem:$0x1DC80] =	vst v63  }
0xf6: {  	_ =	swait.ge [sflag:s1], $0x50  }
0xf7: {  	[sflag:s1] =	ssyncset.done $0x0  }
0xf8: {  	[sflag:s1] =	ssyncadd.s32 $0xFFFFFFB0  }
0xf9: {  	[tilespmem:s5], [sflag:$0x1] =	stream.indirect.gather [hbm4b:s26+s4], $0x80, s3, s4, $0xb8;
	[tilespmem:$0x1DC80] =	vst v63  }
0xfa: {  	_ =	swait.ge [sflag:s18], $0x2800  }
0xfb: {  	[sflag:s18] =	ssyncset.done $0x0  }
0xfc: {  	[sflag:s18] =	ssyncadd.s32 $0xFFFFD800  }
0xfd: {  	[spmem:s2] =	stream.indirect.scatter.add.f32 [tilespmem:s11], [sflag:$0x7], $0x80, s10, s4, $0xb8;
	[tilespmem:$0x1DC80] =	vst v63  }
0xfe: {  	_ =	swait.ge [sflag:s19], $0x2800  }
0xff: {  	s31 =	rddreg [dreg:$0x4];
	[sflag:s19] =	ssyncset.done $0x0  }
0x100: {  	[sflag:s19] =	ssyncadd.s32 $0xFFFFD800;
	s31 =	sadd.s32 s30, s31  }
0x101: {  	[tilespmem:s6], [sflag:$0x9] =	stream.linear.gather [hbm4b:s31+s3], $0x50, $0x38;
	[tilespmem:$0x1DC80] =	vst v63  }
0x102: {  	_ =	swait.ge [sflag:s1], $0x50  }
0x103: {  	s31 =	rddreg [dreg:$0x3];
	[sflag:s1] =	ssyncset.done $0x0  }
0x104: {  	[sflag:s1] =	ssyncadd.s32 $0xFFFFFFB0;
	s30 =	sadd.s32 s30, s31  }
0x105: {  	[tilespmem:s7], [sflag:$0x9] =	stream.linear.gather [hbm4b:s30+s3], $0x50, $0x38;
	[tilespmem:$0x1DC80] =	vst v63  }
0x106: {  	_ =	swait.ge [sflag:s1], $0x50  }
0x107: {  	p1 =	sne.s32 s29, $0x460;
	[sflag:s1] =	ssyncset.done $0x0  }
.Ltmp0:
0x108: {  	[sflag:s1] =	ssyncadd.s32 $0xFFFFFFB0;
	(pc) =	sbr.rel @p1 .LBB2_2-.Ltmp0, $4  }
0x109: {  	[tilespmem:s8], [sflag:$0x2] =	stream.indirect.gather [hbm4b:s26+s4], $0x80, s6, s4, $0xb8;
	[tilespmem:$0x1DC80] =	vst v63  }
0x10a: {  	_ =	swait.ge [sflag:s20], $0x2800  }
0x10b: {  	[sflag:s20] =	ssyncset.done $0x0  }
0x10c: {  	s29 =	sadd.s32 $0x28, s29;
	[sflag:s20] =	ssyncadd.s32 $0xFFFFD800  }
0x10d: {  	[spmem:s2] =	stream.indirect.scatter.add.f32 [tilespmem:s15], [sflag:$0x8], $0x80, s14, s4, $0xb8;
	[tilespmem:$0x1DC80] =	vst v63  }
0x10e: {  	_ =	swait.ge [sflag:s21], $0x2800  }
0x10f: {  	[sflag:s21] =	ssyncset.done $0x0  }
0x110: {  	s29 =	rddreg [dreg:$0x16];
	[sflag:s21] =	ssyncadd.s32 $0xFFFFD800  }
0x111: {  	[tilespmem:s9], [sflag:$0x9] =	stream.linear.gather [hbm4b:s29+s3], $0x50, $0x38;
	[tilespmem:$0x1DC80] =	vst v63  }
0x112: {  	_ =	swait.ge [sflag:s1], $0x50  }
0x113: {  	[sflag:s1] =	ssyncset.done $0x0  }
0x114: {  	s31 =	rddreg [dreg:$0x17];
	[sflag:s1] =	ssyncadd.s32 $0xFFFFFFB0  }
0x115: {  	[tilespmem:s10], [sflag:$0x9] =	stream.linear.gather [hbm4b:s31+s3], $0x50, $0x38;
	[tilespmem:$0x1DC80] =	vst v63  }
0x116: {  	_ =	swait.ge [sflag:s1], $0x50  }
0x117: {  	[sflag:s1] =	ssyncset.done $0x0  }
0x118: {  	[sflag:s1] =	ssyncadd.s32 $0xFFFFFFB0  }
0x119: {  	[tilespmem:s11], [sflag:$0x3] =	stream.indirect.gather [hbm4b:s26+s4], $0x80, s9, s4, $0xb8;
	[tilespmem:$0x1DC80] =	vst v63  }
0x11a: {  	_ =	swait.ge [sflag:s12], $0x2800  }
0x11b: {  	[sflag:s12] =	ssyncset.done $0x0  }
0x11c: {  	[sflag:s12] =	ssyncadd.s32 $0xFFFFD800  }
0x11d: {  	[spmem:s2] =	stream.indirect.scatter.add.f32 [tilespmem:s5], [sflag:$0x5], $0x80, s0, s4, $0xb8;
	[tilespmem:$0x1DC80] =	vst v63  }
0x11e: {  	_ =	swait.ge [sflag:s22], $0x2800  }
0x11f: {  	[sflag:s22] =	ssyncset.done $0x0  }
0x120: {  	s30 =	rddreg [dreg:$0x18];
	[sflag:s22] =	ssyncadd.s32 $0xFFFFD800  }
0x121: {  	[tilespmem:s13], [sflag:$0x9] =	stream.linear.gather [hbm4b:s30+s3], $0x50, $0x38;
	[tilespmem:$0x1DC80] =	vst v63  }
0x122: {  	_ =	swait.ge [sflag:s1], $0x50  }
0x123: {  	[sflag:s1] =	ssyncset.done $0x0  }
0x124: {  	s31 =	rddreg [dreg:$0x19];
	[sflag:s1] =	ssyncadd.s32 $0xFFFFFFB0  }
0x125: {  	[tilespmem:s14], [sflag:$0x9] =	stream.linear.gather [hbm4b:s31+s3], $0x50, $0x38;
	[tilespmem:$0x1DC80] =	vst v63  }
0x126: {  	_ =	swait.ge [sflag:s1], $0x50  }
0x127: {  	[sflag:s1] =	ssyncset.done $0x0  }
0x128: {  	[sflag:s1] =	ssyncadd.s32 $0xFFFFFFB0  }
0x129: {  	[tilespmem:s15], [sflag:$0x4] =	stream.indirect.gather [hbm4b:s26+s4], $0x80, s13, s4, $0xb8;
	[tilespmem:$0x1DC80] =	vst v63  }
0x12a: {  	_ =	swait.ge [sflag:s16], $0x2800  }
0x12b: {  	[sflag:s16] =	ssyncset.done $0x0  }
0x12c: {  	[sflag:s16] =	ssyncadd.s32 $0xFFFFD800  }
0x12d: {  	[spmem:s2] =	stream.indirect.scatter.add.f32 [tilespmem:s8], [sflag:$0x6], $0x80, s7, s4, $0xb8;
	[tilespmem:$0x1DC80] =	vst v63  }
0x12e: {  	_ =	swait.ge [sflag:s17], $0x2800  }
0x12f: {  	[sflag:s17] =	ssyncset.done $0x0  }
0x130: {  	s30 =	rddreg [dreg:$0x1d];
	[sflag:s17] =	ssyncadd.s32 $0xFFFFD800  }
0x131: {  	[tilespmem:s3], [sflag:$0x9] =	stream.linear.gather [hbm4b:s30+s3], $0x50, $0x38;
	[tilespmem:$0x1DC80] =	vst v63  }
0x132: {  	_ =	swait.ge [sflag:s1], $0x50  }
0x133: {  	[sflag:s1] =	ssyncset.done $0x0  }
0x134: {  	s31 =	rddreg [dreg:$0x1c];
	[sflag:s1] =	ssyncadd.s32 $0xFFFFFFB0  }
0x135: {  	[tilespmem:s0], [sflag:$0x9] =	stream.linear.gather [hbm4b:s31+s3], $0x50, $0x38;
	[tilespmem:$0x1DC80] =	vst v63  }
0x136: {  	_ =	swait.ge [sflag:s1], $0x50  }
0x137: {  	[sflag:s1] =	ssyncset.done $0x0  }
0x138: {  	[sflag:s1] =	ssyncadd.s32 $0xFFFFFFB0  }
0x139: {  	[tilespmem:s5], [sflag:$0x1] =	stream.indirect.gather [hbm4b:s26+s4], $0x80, s3, s4, $0xb8;
	[tilespmem:$0x1DC80] =	vst v63  }
0x13a: {  	_ =	swait.ge [sflag:s18], $0x2800  }
0x13b: {  	[sflag:s18] =	ssyncset.done $0x0  }
0x13c: {  	[sflag:s18] =	ssyncadd.s32 $0xFFFFD800  }
0x13d: {  	[spmem:s2] =	stream.indirect.scatter.add.f32 [tilespmem:s11], [sflag:$0x7], $0x80, s10, s4, $0xb8;
	[tilespmem:$0x1DC80] =	vst v63  }
0x13e: {  	_ =	swait.ge [sflag:s20], $0x2800  }
0x13f: {  	[sflag:s20] =	ssyncset.done $0x0  }
0x140: {  	[sflag:s20] =	ssyncadd.s32 $0xFFFFD800  }
0x141: {  	[spmem:s2] =	stream.indirect.scatter.add.f32 [tilespmem:s15], [sflag:$0x8], $0x80, s14, s4, $0xb8;
	[tilespmem:$0x1DC80] =	vst v63  }
0x142: {  	_ =	swait.ge [sflag:s12], $0x2800  }
0x143: {  	[sflag:s12] =	ssyncset.done $0x0  }
0x144: {  	[sflag:s12] =	ssyncadd.s32 $0xFFFFD800  }
0x145: {  	[spmem:s2] =	stream.indirect.scatter.add.f32 [tilespmem:s5], [sflag:$0x5], $0x80, s0, s4, $0xb8;
	[tilespmem:$0x1DC80] =	vst v63  }
0x146: {  	_ =	swait.ge [sflag:s19], $0x2800  }
0x147: {  	[sflag:s19] =	ssyncset.done $0x0  }
0x148: {  	[sflag:s19] =	ssyncadd.s32 $0xFFFFD800  }
0x149: {  	_ =	swait.ge [sflag:s21], $0x2800  }
0x14a: {  	[sflag:s21] =	ssyncset.done $0x0  }
0x14b: {  	[sflag:s21] =	ssyncadd.s32 $0xFFFFD800  }
0x14c: {  	_ =	swait.ge [sflag:s22], $0x2800  }
0x14d: {  	[sflag:s22] =	ssyncset.done $0x0  }
0x14e: {  	[sflag:s22] =	ssyncadd.s32 $0xFFFFD800  }
0x14f: {  	_ =	swait.ge [sflag:s17], $0x2800  }
0x150: {  	[sflag:s17] =	ssyncset.done $0x0  }
0x151: {  	[sflag:s17] =	ssyncadd.s32 $0xFFFFD800  }
0x152: {  	[bflag:$0x0] =	sbarrier.arrive $0xFFFF  }
0x153: {  	s30 =	rddreg [dreg:$0x15]  }
0x154: {  	[hbm:s30], [sflag:s25] =	dma.local [spmem:s24], $0x2700  }
0x155: {  	_ =	swait.ge [sflag:s1], $0x2700  }
0x156: {  	s24 =	sld [smem:$0x7FB]  }
0x157: {  	[sflag:s1] =	ssyncset.done $0x0  }
0x158: {  	[sflag:s1] =	ssyncadd.s32 $0xFFFFD900  }
0x159: {  	[hbm:s24], [sflag:s25] =	dma.local @!p0 [spmem:s28], $0x100  }
0x15a: {  	s24 =	simm.s32 @!p0 $0x9  }
0x15b: {  	_ =	swait.ge @!p0 [sflag:s24], $0x100  }
0x15c: {  	s31 =	sld [smem:$0x7FC];
	_ =	sdelay $0x1  }
0x15d: {  	s23 =	sadd.s32 $0x1, s23  }
0x15e: {  	p1 =	sne.s32 s23, s31  }
.Ltmp1:
0x15f: {  	_ = 	snop;
	(pc) =	sbr.rel @p1 .LBB2_1-.Ltmp1, $3  }
0x160: {  	_ =	sdelay $0x1  }
0x161: {  	[sflag:s24] =	ssyncset.done @!p0 $0x0  }
0x162: {  	[sflag:s24] =	ssyncadd.s32 @!p0 $0xFFFFFF00  }
0x163: {  	_ =	sfence.sel $0x180000  }
0x164: {  	[bflag:$0x0] =	sbarrier.arrive $0xFFFF  }
0x165: {  	_ =	strace $0x9000004A  }
0x166: {  	s0 =	stileid.u32;
	[bflag:$0x2] =	sbarrier.arrive $0xFFFF  }
0x167: {  	p0 =	sne.s32 s0, $0x0;
	s0 =	rddreg [dreg:$0x2]  }
0x168: {  	s0 =	sadd.s32 @!p0 $0x100000, s0  }
0x169: {  	[sflag:s0] =	ssyncadd.tile.s32 @!p0 $0x1;
	_ =	shalt  }
.Lfunc_end2:
_tile_overlayer_lowered:
.L_overlay_start_2:
0x16a: {  	(tag) =	ssettag $0x2  }
0x16b: {  	s0 =	rddreg [dreg:$0x0];
	s2 =	stileid.u32  }
0x16c: {  	s1 =	rddreg [dreg:$0x1];
	p0 =	sne.s32 s2, $0x0  }
0x16d: {  	s3 =	rddreg [dreg:$0x2];
	[bflag:$0x3] =	sbarrier.arrive $0xFFFF;
	s2 =	simm.s32 @!p0 $0x1C09  }
0x16e: {  	[timem:s3], [sflag:s2] =	dma.local @!p0 [hbm:s0], s1  }
0x16f: {  	s0 =	simm.s32 @!p0 $0x9  }
0x170: {  	_ =	swait.ge @!p0 [sflag:s0], s1  }
0x171: {  	s1 =	ssub.s32 @!p0 $0x0, s1;
	[sflag:s0] =	ssyncset.done @!p0 $0x0  }
0x172: {  	[sflag:s0] =	ssyncadd.s32 @!p0 s1  }
0x173: {  	[bflag:$0x3] =	sbarrier.arrive $0xFFFF  }
0x174: {  	_ =	shalt  }

</sc_bundles>
